<compile_context>
chip_gen: v7x
topology: tpu7x:2x2x1
jax: 0.10.2.dev20260603
libtpu: 0.0.44.dev20260713+nightly
codegen_flags: <defaults>
</compile_context>

<pallas_src>
import jax
import jax.numpy as jnp
from jax import lax
from jax.experimental import pallas as pl
from jax.experimental.pallas import tpu as pltpu
from jax.experimental.pallas import tpu_sc as plsc

_B, _D = 8192, 2048
_N_IN = 4
_NC, _NS = 2, 16
_NW = _NC * _NS
_ROWS_W = _B // _NW
_CHUNK = 16
_NCH = _ROWS_W // _CHUNK
_NSLOT = 3


def _mux_body(x0, x1, x2, x3, sel_hbm, out, sel_v, stage_sh, *sems):
    xs = (x0, x1, x2, x3)
    rsems = sems[:_NSLOT]
    wsems = sems[_NSLOT:]

    sid = lax.axis_index("s")
    wid = sid * _NC + lax.axis_index("c")
    base = wid * _ROWS_W

    pltpu.sync_copy(sel_hbm, sel_v)
    selv = sel_v[...]
    preds = [jnp.any(selv == i) for i in range(_N_IN)]

    def rows(c):
        return pl.ds(base + c * _CHUNK, _CHUNK)

    def buf(k):
        return stage_sh.at[sid, k]

    def start_read(c):
        k = c % _NSLOT
        for i in range(_N_IN):
            @pl.when(preds[i])
            def _(i=i, k=k, c=c):
                pltpu.async_copy(xs[i].at[rows(c)], buf(k), rsems[k])

    def wait_read(c):
        k = c % _NSLOT
        pltpu.make_async_copy(xs[0].at[rows(c)], buf(k), rsems[k]).wait()

    def start_write(c):
        k = c % _NSLOT
        pltpu.async_copy(buf(k), out.at[rows(c)], wsems[k])

    def wait_write(c):
        k = c % _NSLOT
        pltpu.make_async_copy(buf(k), out.at[rows(c)], wsems[k]).wait()

    for c in range(min(_NSLOT, _NCH)):
        start_read(c)

    for c in range(_NCH):
        wait_read(c)
        start_write(c)
        prev = c - 1
        nxt = prev + _NSLOT
        if prev >= 0 and nxt < _NCH:
            wait_write(prev)
            start_read(nxt)
    for c in range(max(0, _NCH - _NSLOT), _NCH):
        wait_write(c)


def kernel(x0, x1, x2, x3, sel):
    sel_arr = jnp.full((16,), sel, dtype=jnp.int32)
    mesh = plsc.VectorSubcoreMesh(
        core_axis_name="c", subcore_axis_name="s",
        num_cores=_NC, num_subcores=_NS)
    mux = pl.kernel(
        _mux_body,
        out_type=jax.ShapeDtypeStruct((_B, _D), jnp.float32),
        mesh=mesh,
        compiler_params=pltpu.CompilerParams(needs_layout_passes=False),
        scratch_types=(
            [pltpu.VMEM((16,), jnp.int32),
             pltpu.MemorySpace.VMEM_SHARED((_NS, _NSLOT, _CHUNK, _D),
                                           jnp.float32)]
            + [pltpu.SemaphoreType.DMA for _ in range(2 * _NSLOT)]
        ),
    )
    return mux(x0, x1, x2, x3, sel_arr)

# --- scband reference (transcript-rebuilt; emitter-appended) ---
"""Pipeline reference for scband-multiplexer-layer-35691178229823 (READ-ONLY COPY).

The authoritative reference and input builder live on the scoring server;
editing this copy changes nothing except your own understanding.
"""

import jax, jax.numpy as jnp
import numpy as np


def setup_inputs(seed: int = 0) -> dict:
    key = jax.random.key(seed)
    k0, k1, k2, k3 = jax.random.split(key, 4)
    x0 = jax.random.normal(k0, (8192, 2048), dtype=jnp.float32)
    x1 = jax.random.normal(k1, (8192, 2048), dtype=jnp.float32)
    x2 = jax.random.normal(k2, (8192, 2048), dtype=jnp.float32)
    x3 = jax.random.normal(k3, (8192, 2048), dtype=jnp.float32)
    sel = 2  # scalar int selector in [0, n_inputs)
    return {"x0": x0, "x1": x1, "x2": x2, "x3": x3, "sel": sel}


def reference(x0, x1, x2, x3, sel):
    # MultiplexerLayer: stack all branch outputs then gather the selected one.
    all_inputs = jnp.stack([x0, x1, x2, x3], axis=0)  # [n_inputs, B, D]
    out = jnp.take(all_inputs, sel, axis=0)           # [B, D]
    return out

if __name__ == "__main__":
    import jax
    _d = setup_inputs()
    print(jax.jit(kernel)(*tuple(_d.values())))

</pallas_src>

<mosaic_0001>
#map = affine_map<(d0, d1) -> (0, 0)>
#map1 = affine_map<(d0, d1) -> (0)>
module attributes {stable_mosaic.version = 14 : i64} {
  func.func @_mux_body(%arg0: i32, %arg1: i32, %arg2: memref<8192x2048xf32, #tpu.memory_space<hbm>>, %arg3: memref<8192x2048xf32, #tpu.memory_space<hbm>>, %arg4: memref<8192x2048xf32, #tpu.memory_space<hbm>>, %arg5: memref<8192x2048xf32, #tpu.memory_space<hbm>>, %arg6: memref<16xi32, #tpu.memory_space<hbm>>, %arg7: memref<8192x2048xf32, #tpu.memory_space<hbm>>, %arg8: memref<16xi32, #tpu.memory_space<vmem>>, %arg9: memref<16x3x16x2048xf32, #tpu.memory_space<vmem_shared>>, %arg10: memref<!tpu.dma_semaphore, #tpu.memory_space<semaphore_mem>>, %arg11: memref<!tpu.dma_semaphore, #tpu.memory_space<semaphore_mem>>, %arg12: memref<!tpu.dma_semaphore, #tpu.memory_space<semaphore_mem>>, %arg13: memref<!tpu.dma_semaphore, #tpu.memory_space<semaphore_mem>>, %arg14: memref<!tpu.dma_semaphore, #tpu.memory_space<semaphore_mem>>, %arg15: memref<!tpu.dma_semaphore, #tpu.memory_space<semaphore_mem>>) attributes {dimension_semantics = [#tpu.dimension_semantics<core_parallel>, #tpu.dimension_semantics<subcore_parallel>], iteration_bounds = array<i64: 2, 16>, scalar_prefetch = 0 : i64, scratch_operands = 8 : i64, tpu.core_type = #tpu.core_type<sc_vector_subcore>, window_params = [{transform_indices = #map}, {transform_indices = #map}, {transform_indices = #map}, {transform_indices = #map}, {transform_indices = #map1}, {transform_indices = #map}]} {
    %mul3A = arith.constant 2 : i32
    %mul3A_0 = arith.muli %arg1, %mul3A : i32
    %add3A = arith.addi %mul3A_0, %arg0 : i32
    %mul3A_1 = arith.constant 256 : i32
    %mul3A_2 = arith.muli %add3A, %mul3A_1 : i32
    "tpu.region"() ({
      %run_scoped3A = tpu.sem_alloc : memref<!tpu.dma_semaphore, #tpu.memory_space<semaphore_mem>>
      tpu.enqueue_dma source(%arg6 : memref<16xi32, #tpu.memory_space<hbm>>) target(%arg8 : memref<16xi32, #tpu.memory_space<vmem>>) target_semaphore(%run_scoped3A : memref<!tpu.dma_semaphore, #tpu.memory_space<semaphore_mem>>)
      tpu.wait_dma2 semaphore(%run_scoped3A : memref<!tpu.dma_semaphore, #tpu.memory_space<semaphore_mem>>) src(%arg6 : memref<16xi32, #tpu.memory_space<hbm>>) dst(%arg8 : memref<16xi32, #tpu.memory_space<vmem>>)
      tpu.yield
    }) : () -> ()
    %get3A = arith.constant 0 : index
    %get3A_3 = tpu.vector_load %arg8[%get3A] {strides = array<i32>} : memref<16xi32, #tpu.memory_space<vmem>>, vector<16xi32>,
    %eq3A = arith.constant 0 : i32
    %eq3A_4 = vector.broadcast %eq3A : i32 to vector<16xi32>
    %eq3A_5 = arith.cmpi eq, %get3A_3, %eq3A_4 : vector<16xi32>
    %reduce_or3A = arith.constant 1.000000e+00 : f32
    %reduce_or3A_6 = arith.constant 0.000000e+00 : f32
    %reduce_or3A_7 = vector.broadcast %reduce_or3A : f32 to vector<16xf32>
    %reduce_or3A_8 = vector.broadcast %reduce_or3A_6 : f32 to vector<16xf32>
    %reduce_or3A_9 = arith.select %eq3A_5, %reduce_or3A_7, %reduce_or3A_8 : vector<16xi1>, vector<16xf32>
    %reduce_or3A_10 = arith.constant true
    %reduce_or3A_11 = vector.broadcast %reduce_or3A_10 : i1 to vector<16xi1>
    %reduce_or3A_12 = tpu.scan <max>, %reduce_or3A_9 masked %reduce_or3A_11 : vector<16xf32>, vector<16xi1> -> vector<16xf32>
    %reduce_or3A_13 = vector.extract %reduce_or3A_12[15] : f32 from vector<16xf32>
    %reduce_or3A_14 = arith.constant 0.000000e+00 : f32
    %reduce_or3A_15 = arith.cmpf ogt, %reduce_or3A_13, %reduce_or3A_14 : f32
    %eq3A_16 = arith.constant 1 : i32
    %eq3A_17 = vector.broadcast %eq3A_16 : i32 to vector<16xi32>
    %eq3A_18 = arith.cmpi eq, %get3A_3, %eq3A_17 : vector<16xi32>
    %reduce_or3A_19 = arith.constant 1.000000e+00 : f32
    %reduce_or3A_20 = arith.constant 0.000000e+00 : f32
    %reduce_or3A_21 = vector.broadcast %reduce_or3A_19 : f32 to vector<16xf32>
    %reduce_or3A_22 = vector.broadcast %reduce_or3A_20 : f32 to vector<16xf32>
    %reduce_or3A_23 = arith.select %eq3A_18, %reduce_or3A_21, %reduce_or3A_22 : vector<16xi1>, vector<16xf32>
    %reduce_or3A_24 = arith.constant true
    %reduce_or3A_25 = vector.broadcast %reduce_or3A_24 : i1 to vector<16xi1>
    %reduce_or3A_26 = tpu.scan <max>, %reduce_or3A_23 masked %reduce_or3A_25 : vector<16xf32>, vector<16xi1> -> vector<16xf32>
    %reduce_or3A_27 = vector.extract %reduce_or3A_26[15] : f32 from vector<16xf32>
    %reduce_or3A_28 = arith.constant 0.000000e+00 : f32
    %reduce_or3A_29 = arith.cmpf ogt, %reduce_or3A_27, %reduce_or3A_28 : f32
    %eq3A_30 = arith.constant 2 : i32
    %eq3A_31 = vector.broadcast %eq3A_30 : i32 to vector<16xi32>
    %eq3A_32 = arith.cmpi eq, %get3A_3, %eq3A_31 : vector<16xi32>
    %reduce_or3A_33 = arith.constant 1.000000e+00 : f32
    %reduce_or3A_34 = arith.constant 0.000000e+00 : f32
    %reduce_or3A_35 = vector.broadcast %reduce_or3A_33 : f32 to vector<16xf32>
    %reduce_or3A_36 = vector.broadcast %reduce_or3A_34 : f32 to vector<16xf32>
    %reduce_or3A_37 = arith.select %eq3A_32, %reduce_or3A_35, %reduce_or3A_36 : vector<16xi1>, vector<16xf32>
    %reduce_or3A_38 = arith.constant true
    %reduce_or3A_39 = vector.broadcast %reduce_or3A_38 : i1 to vector<16xi1>
    %reduce_or3A_40 = tpu.scan <max>, %reduce_or3A_37 masked %reduce_or3A_39 : vector<16xf32>, vector<16xi1> -> vector<16xf32>
    %reduce_or3A_41 = vector.extract %reduce_or3A_40[15] : f32 from vector<16xf32>
    %reduce_or3A_42 = arith.constant 0.000000e+00 : f32
    %reduce_or3A_43 = arith.cmpf ogt, %reduce_or3A_41, %reduce_or3A_42 : f32
    %eq3A_44 = arith.constant 3 : i32
    %eq3A_45 = vector.broadcast %eq3A_44 : i32 to vector<16xi32>
    %eq3A_46 = arith.cmpi eq, %get3A_3, %eq3A_45 : vector<16xi32>
    %reduce_or3A_47 = arith.constant 1.000000e+00 : f32
    %reduce_or3A_48 = arith.constant 0.000000e+00 : f32
    %reduce_or3A_49 = vector.broadcast %reduce_or3A_47 : f32 to vector<16xf32>
    %reduce_or3A_50 = vector.broadcast %reduce_or3A_48 : f32 to vector<16xf32>
    %reduce_or3A_51 = arith.select %eq3A_46, %reduce_or3A_49, %reduce_or3A_50 : vector<16xi1>, vector<16xf32>
    %reduce_or3A_52 = arith.constant true
    %reduce_or3A_53 = vector.broadcast %reduce_or3A_52 : i1 to vector<16xi1>
    %reduce_or3A_54 = tpu.scan <max>, %reduce_or3A_51 masked %reduce_or3A_53 : vector<16xf32>, vector<16xi1> -> vector<16xf32>
    %reduce_or3A_55 = vector.extract %reduce_or3A_54[15] : f32 from vector<16xf32>
    %reduce_or3A_56 = arith.constant 0.000000e+00 : f32
    %reduce_or3A_57 = arith.cmpf ogt, %reduce_or3A_55, %reduce_or3A_56 : f32
    %convert_element_type3A = arith.extui %reduce_or3A_15 : i1 to i32
    %cond3A = arith.constant 0 : i32
    %cond3A_58 = arith.cmpi ne, %convert_element_type3A, %cond3A : i32
    scf.if %cond3A_58 {
      %add3A_678 = arith.constant 0 : i32
      %add3A_679 = arith.addi %mul3A_2, %add3A_678 : i32
      %dma_start3A_680 = arith.constant 0 : i32
      %dma_start3A_681 = arith.constant 0 : i32
      %dma_start3A_682 = arith.constant 0 : i32
      %dma_start3A_683 = tpu.memref_slice %arg9[%arg1, %dma_start3A_680, %dma_start3A_681, %dma_start3A_682] : memref<16x3x16x2048xf32, #tpu.memory_space<vmem_shared>> -> memref<1x1x16x2048xf32, #tpu.memory_space<vmem_shared>>
      %dma_start3A_684 = tpu.memref_squeeze %dma_start3A_683 : memref<1x1x16x2048xf32, #tpu.memory_space<vmem_shared>> -> memref<16x2048xf32, #tpu.memory_space<vmem_shared>>
      %dma_start3A_685 = arith.constant 0 : i32
      %dma_start3A_686 = tpu.memref_slice %arg2[%add3A_679, %dma_start3A_685] : memref<8192x2048xf32, #tpu.memory_space<hbm>> -> memref<16x2048xf32, #tpu.memory_space<hbm>>
      tpu.enqueue_dma source(%dma_start3A_686 : memref<16x2048xf32, #tpu.memory_space<hbm>>) target(%dma_start3A_684 : memref<16x2048xf32, #tpu.memory_space<vmem_shared>>) target_semaphore(%arg10 : memref<!tpu.dma_semaphore, #tpu.memory_space<semaphore_mem>>)
    } else {
    }
    %convert_element_type3A_59 = arith.extui %reduce_or3A_29 : i1 to i32
    %cond3A_60 = arith.constant 0 : i32
    %cond3A_61 = arith.cmpi ne, %convert_element_type3A_59, %cond3A_60 : i32
    scf.if %cond3A_61 {
      %add3A_678 = arith.constant 0 : i32
      %add3A_679 = arith.addi %mul3A_2, %add3A_678 : i32
      %dma_start3A_680 = arith.constant 0 : i32
      %dma_start3A_681 = arith.constant 0 : i32
      %dma_start3A_682 = arith.constant 0 : i32
      %dma_start3A_683 = tpu.memref_slice %arg9[%arg1, %dma_start3A_680, %dma_start3A_681, %dma_start3A_682] : memref<16x3x16x2048xf32, #tpu.memory_space<vmem_shared>> -> memref<1x1x16x2048xf32, #tpu.memory_space<vmem_shared>>
      %dma_start3A_684 = tpu.memref_squeeze %dma_start3A_683 : memref<1x1x16x2048xf32, #tpu.memory_space<vmem_shared>> -> memref<16x2048xf32, #tpu.memory_space<vmem_shared>>
      %dma_start3A_685 = arith.constant 0 : i32
      %dma_start3A_686 = tpu.memref_slice %arg3[%add3A_679, %dma_start3A_685] : memref<8192x2048xf32, #tpu.memory_space<hbm>> -> memref<16x2048xf32, #tpu.memory_space<hbm>>
      tpu.enqueue_dma source(%dma_start3A_686 : memref<16x2048xf32, #tpu.memory_space<hbm>>) target(%dma_start3A_684 : memref<16x2048xf32, #tpu.memory_space<vmem_shared>>) target_semaphore(%arg10 : memref<!tpu.dma_semaphore, #tpu.memory_space<semaphore_mem>>)
    } else {
    }
    %convert_element_type3A_62 = arith.extui %reduce_or3A_43 : i1 to i32
    %cond3A_63 = arith.constant 0 : i32
    %cond3A_64 = arith.cmpi ne, %convert_element_type3A_62, %cond3A_63 : i32
    scf.if %cond3A_64 {
      %add3A_678 = arith.constant 0 : i32
      %add3A_679 = arith.addi %mul3A_2, %add3A_678 : i32
      %dma_start3A_680 = arith.constant 0 : i32
      %dma_start3A_681 = arith.constant 0 : i32
      %dma_start3A_682 = arith.constant 0 : i32
      %dma_start3A_683 = tpu.memref_slice %arg9[%arg1, %dma_start3A_680, %dma_start3A_681, %dma_start3A_682] : memref<16x3x16x2048xf32, #tpu.memory_space<vmem_shared>> -> memref<1x1x16x2048xf32, #tpu.memory_space<vmem_shared>>
      %dma_start3A_684 = tpu.memref_squeeze %dma_start3A_683 : memref<1x1x16x2048xf32, #tpu.memory_space<vmem_shared>> -> memref<16x2048xf32, #tpu.memory_space<vmem_shared>>
      %dma_start3A_685 = arith.constant 0 : i32
      %dma_start3A_686 = tpu.memref_slice %arg4[%add3A_679, %dma_start3A_685] : memref<8192x2048xf32, #tpu.memory_space<hbm>> -> memref<16x2048xf32, #tpu.memory_space<hbm>>
      tpu.enqueue_dma source(%dma_start3A_686 : memref<16x2048xf32, #tpu.memory_space<hbm>>) target(%dma_start3A_684 : memref<16x2048xf32, #tpu.memory_space<vmem_shared>>) target_semaphore(%arg10 : memref<!tpu.dma_semaphore, #tpu.memory_space<semaphore_mem>>)
    } else {
    }
    %convert_element_type3A_65 = arith.extui %reduce_or3A_57 : i1 to i32
    %cond3A_66 = arith.constant 0 : i32
    %cond3A_67 = arith.cmpi ne, %convert_element_type3A_65, %cond3A_66 : i32
    scf.if %cond3A_67 {
      %add3A_678 = arith.constant 0 : i32
      %add3A_679 = arith.addi %mul3A_2, %add3A_678 : i32
      %dma_start3A_680 = arith.constant 0 : i32
      %dma_start3A_681 = arith.constant 0 : i32
      %dma_start3A_682 = arith.constant 0 : i32
      %dma_start3A_683 = tpu.memref_slice %arg9[%arg1, %dma_start3A_680, %dma_start3A_681, %dma_start3A_682] : memref<16x3x16x2048xf32, #tpu.memory_space<vmem_shared>> -> memref<1x1x16x2048xf32, #tpu.memory_space<vmem_shared>>
      %dma_start3A_684 = tpu.memref_squeeze %dma_start3A_683 : memref<1x1x16x2048xf32, #tpu.memory_space<vmem_shared>> -> memref<16x2048xf32, #tpu.memory_space<vmem_shared>>
      %dma_start3A_685 = arith.constant 0 : i32
      %dma_start3A_686 = tpu.memref_slice %arg5[%add3A_679, %dma_start3A_685] : memref<8192x2048xf32, #tpu.memory_space<hbm>> -> memref<16x2048xf32, #tpu.memory_space<hbm>>
      tpu.enqueue_dma source(%dma_start3A_686 : memref<16x2048xf32, #tpu.memory_space<hbm>>) target(%dma_start3A_684 : memref<16x2048xf32, #tpu.memory_space<vmem_shared>>) target_semaphore(%arg10 : memref<!tpu.dma_semaphore, #tpu.memory_space<semaphore_mem>>)
    } else {
    }
    %convert_element_type3A_68 = arith.extui %reduce_or3A_15 : i1 to i32
    %cond3A_69 = arith.constant 0 : i32
    %cond3A_70 = arith.cmpi ne, %convert_element_type3A_68, %cond3A_69 : i32
    scf.if %cond3A_70 {
      %add3A_678 = arith.constant 16 : i32
      %add3A_679 = arith.addi %mul3A_2, %add3A_678 : i32
      %dma_start3A_680 = arith.constant 1 : i32
      %dma_start3A_681 = arith.constant 0 : i32
      %dma_start3A_682 = arith.constant 0 : i32
      %dma_start3A_683 = tpu.memref_slice %arg9[%arg1, %dma_start3A_680, %dma_start3A_681, %dma_start3A_682] : memref<16x3x16x2048xf32, #tpu.memory_space<vmem_shared>> -> memref<1x1x16x2048xf32, #tpu.memory_space<vmem_shared>>
      %dma_start3A_684 = tpu.memref_squeeze %dma_start3A_683 : memref<1x1x16x2048xf32, #tpu.memory_space<vmem_shared>> -> memref<16x2048xf32, #tpu.memory_space<vmem_shared>>
      %dma_start3A_685 = arith.constant 0 : i32
      %dma_start3A_686 = tpu.memref_slice %arg2[%add3A_679, %dma_start3A_685] : memref<8192x2048xf32, #tpu.memory_space<hbm>> -> memref<16x2048xf32, #tpu.memory_space<hbm>>
      tpu.enqueue_dma source(%dma_start3A_686 : memref<16x2048xf32, #tpu.memory_space<hbm>>) target(%dma_start3A_684 : memref<16x2048xf32, #tpu.memory_space<vmem_shared>>) target_semaphore(%arg11 : memref<!tpu.dma_semaphore, #tpu.memory_space<semaphore_mem>>)
    } else {
    }
    %convert_element_type3A_71 = arith.extui %reduce_or3A_29 : i1 to i32
    %cond3A_72 = arith.constant 0 : i32
    %cond3A_73 = arith.cmpi ne, %convert_element_type3A_71, %cond3A_72 : i32
    scf.if %cond3A_73 {
      %add3A_678 = arith.constant 16 : i32
      %add3A_679 = arith.addi %mul3A_2, %add3A_678 : i32
      %dma_start3A_680 = arith.constant 1 : i32
      %dma_start3A_681 = arith.constant 0 : i32
      %dma_start3A_682 = arith.constant 0 : i32
      %dma_start3A_683 = tpu.memref_slice %arg9[%arg1, %dma_start3A_680, %dma_start3A_681, %dma_start3A_682] : memref<16x3x16x2048xf32, #tpu.memory_space<vmem_shared>> -> memref<1x1x16x2048xf32, #tpu.memory_space<vmem_shared>>
      %dma_start3A_684 = tpu.memref_squeeze %dma_start3A_683 : memref<1x1x16x2048xf32, #tpu.memory_space<vmem_shared>> -> memref<16x2048xf32, #tpu.memory_space<vmem_shared>>
      %dma_start3A_685 = arith.constant 0 : i32
      %dma_start3A_686 = tpu.memref_slice %arg3[%add3A_679, %dma_start3A_685] : memref<8192x2048xf32, #tpu.memory_space<hbm>> -> memref<16x2048xf32, #tpu.memory_space<hbm>>
      tpu.enqueue_dma source(%dma_start3A_686 : memref<16x2048xf32, #tpu.memory_space<hbm>>) target(%dma_start3A_684 : memref<16x2048xf32, #tpu.memory_space<vmem_shared>>) target_semaphore(%arg11 : memref<!tpu.dma_semaphore, #tpu.memory_space<semaphore_mem>>)
    } else {
    }
    %convert_element_type3A_74 = arith.extui %reduce_or3A_43 : i1 to i32
    %cond3A_75 = arith.constant 0 : i32
    %cond3A_76 = arith.cmpi ne, %convert_element_type3A_74, %cond3A_75 : i32
    scf.if %cond3A_76 {
      %add3A_678 = arith.constant 16 : i32
      %add3A_679 = arith.addi %mul3A_2, %add3A_678 : i32
      %dma_start3A_680 = arith.constant 1 : i32
      %dma_start3A_681 = arith.constant 0 : i32
      %dma_start3A_682 = arith.constant 0 : i32
      %dma_start3A_683 = tpu.memref_slice %arg9[%arg1, %dma_start3A_680, %dma_start3A_681, %dma_start3A_682] : memref<16x3x16x2048xf32, #tpu.memory_space<vmem_shared>> -> memref<1x1x16x2048xf32, #tpu.memory_space<vmem_shared>>
      %dma_start3A_684 = tpu.memref_squeeze %dma_start3A_683 : memref<1x1x16x2048xf32, #tpu.memory_space<vmem_shared>> -> memref<16x2048xf32, #tpu.memory_space<vmem_shared>>
      %dma_start3A_685 = arith.constant 0 : i32
      %dma_start3A_686 = tpu.memref_slice %arg4[%add3A_679, %dma_start3A_685] : memref<8192x2048xf32, #tpu.memory_space<hbm>> -> memref<16x2048xf32, #tpu.memory_space<hbm>>
      tpu.enqueue_dma source(%dma_start3A_686 : memref<16x2048xf32, #tpu.memory_space<hbm>>) target(%dma_start3A_684 : memref<16x2048xf32, #tpu.memory_space<vmem_shared>>) target_semaphore(%arg11 : memref<!tpu.dma_semaphore, #tpu.memory_space<semaphore_mem>>)
    } else {
    }
    %convert_element_type3A_77 = arith.extui %reduce_or3A_57 : i1 to i32
    %cond3A_78 = arith.constant 0 : i32
    %cond3A_79 = arith.cmpi ne, %convert_element_type3A_77, %cond3A_78 : i32
    scf.if %cond3A_79 {
      %add3A_678 = arith.constant 16 : i32
      %add3A_679 = arith.addi %mul3A_2, %add3A_678 : i32
      %dma_start3A_680 = arith.constant 1 : i32
      %dma_start3A_681 = arith.constant 0 : i32
      %dma_start3A_682 = arith.constant 0 : i32
      %dma_start3A_683 = tpu.memref_slice %arg9[%arg1, %dma_start3A_680, %dma_start3A_681, %dma_start3A_682] : memref<16x3x16x2048xf32, #tpu.memory_space<vmem_shared>> -> memref<1x1x16x2048xf32, #tpu.memory_space<vmem_shared>>
      %dma_start3A_684 = tpu.memref_squeeze %dma_start3A_683 : memref<1x1x16x2048xf32, #tpu.memory_space<vmem_shared>> -> memref<16x2048xf32, #tpu.memory_space<vmem_shared>>
      %dma_start3A_685 = arith.constant 0 : i32
      %dma_start3A_686 = tpu.memref_slice %arg5[%add3A_679, %dma_start3A_685] : memref<8192x2048xf32, #tpu.memory_space<hbm>> -> memref<16x2048xf32, #tpu.memory_space<hbm>>
      tpu.enqueue_dma source(%dma_start3A_686 : memref<16x2048xf32, #tpu.memory_space<hbm>>) target(%dma_start3A_684 : memref<16x2048xf32, #tpu.memory_space<vmem_shared>>) target_semaphore(%arg11 : memref<!tpu.dma_semaphore, #tpu.memory_space<semaphore_mem>>)
    } else {
    }
    %convert_element_type3A_80 = arith.extui %reduce_or3A_15 : i1 to i32
    %cond3A_81 = arith.constant 0 : i32
    %cond3A_82 = arith.cmpi ne, %convert_element_type3A_80, %cond3A_81 : i32
    scf.if %cond3A_82 {
      %add3A_678 = arith.constant 32 : i32
      %add3A_679 = arith.addi %mul3A_2, %add3A_678 : i32
      %dma_start3A_680 = arith.constant 2 : i32
      %dma_start3A_681 = arith.constant 0 : i32
      %dma_start3A_682 = arith.constant 0 : i32
      %dma_start3A_683 = tpu.memref_slice %arg9[%arg1, %dma_start3A_680, %dma_start3A_681, %dma_start3A_682] : memref<16x3x16x2048xf32, #tpu.memory_space<vmem_shared>> -> memref<1x1x16x2048xf32, #tpu.memory_space<vmem_shared>>
      %dma_start3A_684 = tpu.memref_squeeze %dma_start3A_683 : memref<1x1x16x2048xf32, #tpu.memory_space<vmem_shared>> -> memref<16x2048xf32, #tpu.memory_space<vmem_shared>>
      %dma_start3A_685 = arith.constant 0 : i32
      %dma_start3A_686 = tpu.memref_slice %arg2[%add3A_679, %dma_start3A_685] : memref<8192x2048xf32, #tpu.memory_space<hbm>> -> memref<16x2048xf32, #tpu.memory_space<hbm>>
      tpu.enqueue_dma source(%dma_start3A_686 : memref<16x2048xf32, #tpu.memory_space<hbm>>) target(%dma_start3A_684 : memref<16x2048xf32, #tpu.memory_space<vmem_shared>>) target_semaphore(%arg12 : memref<!tpu.dma_semaphore, #tpu.memory_space<semaphore_mem>>)
    } else {
    }
    %convert_element_type3A_83 = arith.extui %reduce_or3A_29 : i1 to i32
    %cond3A_84 = arith.constant 0 : i32
    %cond3A_85 = arith.cmpi ne, %convert_element_type3A_83, %cond3A_84 : i32
    scf.if %cond3A_85 {
      %add3A_678 = arith.constant 32 : i32
      %add3A_679 = arith.addi %mul3A_2, %add3A_678 : i32
      %dma_start3A_680 = arith.constant 2 : i32
      %dma_start3A_681 = arith.constant 0 : i32
      %dma_start3A_682 = arith.constant 0 : i32
      %dma_start3A_683 = tpu.memref_slice %arg9[%arg1, %dma_start3A_680, %dma_start3A_681, %dma_start3A_682] : memref<16x3x16x2048xf32, #tpu.memory_space<vmem_shared>> -> memref<1x1x16x2048xf32, #tpu.memory_space<vmem_shared>>
      %dma_start3A_684 = tpu.memref_squeeze %dma_start3A_683 : memref<1x1x16x2048xf32, #tpu.memory_space<vmem_shared>> -> memref<16x2048xf32, #tpu.memory_space<vmem_shared>>
      %dma_start3A_685 = arith.constant 0 : i32
      %dma_start3A_686 = tpu.memref_slice %arg3[%add3A_679, %dma_start3A_685] : memref<8192x2048xf32, #tpu.memory_space<hbm>> -> memref<16x2048xf32, #tpu.memory_space<hbm>>
      tpu.enqueue_dma source(%dma_start3A_686 : memref<16x2048xf32, #tpu.memory_space<hbm>>) target(%dma_start3A_684 : memref<16x2048xf32, #tpu.memory_space<vmem_shared>>) target_semaphore(%arg12 : memref<!tpu.dma_semaphore, #tpu.memory_space<semaphore_mem>>)
    } else {
    }
    %convert_element_type3A_86 = arith.extui %reduce_or3A_43 : i1 to i32
    %cond3A_87 = arith.constant 0 : i32
    %cond3A_88 = arith.cmpi ne, %convert_element_type3A_86, %cond3A_87 : i32
    scf.if %cond3A_88 {
      %add3A_678 = arith.constant 32 : i32
      %add3A_679 = arith.addi %mul3A_2, %add3A_678 : i32
      %dma_start3A_680 = arith.constant 2 : i32
      %dma_start3A_681 = arith.constant 0 : i32
      %dma_start3A_682 = arith.constant 0 : i32
      %dma_start3A_683 = tpu.memref_slice %arg9[%arg1, %dma_start3A_680, %dma_start3A_681, %dma_start3A_682] : memref<16x3x16x2048xf32, #tpu.memory_space<vmem_shared>> -> memref<1x1x16x2048xf32, #tpu.memory_space<vmem_shared>>
      %dma_start3A_684 = tpu.memref_squeeze %dma_start3A_683 : memref<1x1x16x2048xf32, #tpu.memory_space<vmem_shared>> -> memref<16x2048xf32, #tpu.memory_space<vmem_shared>>
      %dma_start3A_685 = arith.constant 0 : i32
      %dma_start3A_686 = tpu.memref_slice %arg4[%add3A_679, %dma_start3A_685] : memref<8192x2048xf32, #tpu.memory_space<hbm>> -> memref<16x2048xf32, #tpu.memory_space<hbm>>
      tpu.enqueue_dma source(%dma_start3A_686 : memref<16x2048xf32, #tpu.memory_space<hbm>>) target(%dma_start3A_684 : memref<16x2048xf32, #tpu.memory_space<vmem_shared>>) target_semaphore(%arg12 : memref<!tpu.dma_semaphore, #tpu.memory_space<semaphore_mem>>)
    } else {
    }
    %convert_element_type3A_89 = arith.extui %reduce_or3A_57 : i1 to i32
    %cond3A_90 = arith.constant 0 : i32
    %cond3A_91 = arith.cmpi ne, %convert_element_type3A_89, %cond3A_90 : i32
    scf.if %cond3A_91 {
      %add3A_678 = arith.constant 32 : i32
      %add3A_679 = arith.addi %mul3A_2, %add3A_678 : i32
      %dma_start3A_680 = arith.constant 2 : i32
      %dma_start3A_681 = arith.constant 0 : i32
      %dma_start3A_682 = arith.constant 0 : i32
      %dma_start3A_683 = tpu.memref_slice %arg9[%arg1, %dma_start3A_680, %dma_start3A_681, %dma_start3A_682] : memref<16x3x16x2048xf32, #tpu.memory_space<vmem_shared>> -> memref<1x1x16x2048xf32, #tpu.memory_space<vmem_shared>>
      %dma_start3A_684 = tpu.memref_squeeze %dma_start3A_683 : memref<1x1x16x2048xf32, #tpu.memory_space<vmem_shared>> -> memref<16x2048xf32, #tpu.memory_space<vmem_shared>>
      %dma_start3A_685 = arith.constant 0 : i32
      %dma_start3A_686 = tpu.memref_slice %arg5[%add3A_679, %dma_start3A_685] : memref<8192x2048xf32, #tpu.memory_space<hbm>> -> memref<16x2048xf32, #tpu.memory_space<hbm>>
      tpu.enqueue_dma source(%dma_start3A_686 : memref<16x2048xf32, #tpu.memory_space<hbm>>) target(%dma_start3A_684 : memref<16x2048xf32, #tpu.memory_space<vmem_shared>>) target_semaphore(%arg12 : memref<!tpu.dma_semaphore, #tpu.memory_space<semaphore_mem>>)
    } else {
    }
    %add3A_92 = arith.constant 0 : i32
    %add3A_93 = arith.addi %mul3A_2, %add3A_92 : i32
    %dma_wait3A = arith.constant 0 : i32
    %dma_wait3A_94 = arith.constant 0 : i32
    %dma_wait3A_95 = arith.constant 0 : i32
    %dma_wait3A_96 = tpu.memref_slice %arg9[%arg1, %dma_wait3A, %dma_wait3A_94, %dma_wait3A_95] : memref<16x3x16x2048xf32, #tpu.memory_space<vmem_shared>> -> memref<1x1x16x2048xf32, #tpu.memory_space<vmem_shared>>
    %dma_wait3A_97 = tpu.memref_squeeze %dma_wait3A_96 : memref<1x1x16x2048xf32, #tpu.memory_space<vmem_shared>> -> memref<16x2048xf32, #tpu.memory_space<vmem_shared>>
    %dma_wait3A_98 = arith.constant 0 : i32
    %dma_wait3A_99 = tpu.memref_slice %arg2[%add3A_93, %dma_wait3A_98] : memref<8192x2048xf32, #tpu.memory_space<hbm>> -> memref<16x2048xf32, #tpu.memory_space<hbm>>
    tpu.wait_dma2 semaphore(%arg10 : memref<!tpu.dma_semaphore, #tpu.memory_space<semaphore_mem>>) src(%dma_wait3A_99 : memref<16x2048xf32, #tpu.memory_space<hbm>>) dst(%dma_wait3A_97 : memref<16x2048xf32, #tpu.memory_space<vmem_shared>>)
    %add3A_100 = arith.constant 0 : i32
    %add3A_101 = arith.addi %mul3A_2, %add3A_100 : i32
    %dma_start3A = arith.constant 0 : i32
    %dma_start3A_102 = arith.constant 0 : i32
    %dma_start3A_103 = tpu.memref_slice %arg7[%add3A_101, %dma_start3A_102] : memref<8192x2048xf32, #tpu.memory_space<hbm>> -> memref<16x2048xf32, #tpu.memory_space<hbm>>
    %dma_start3A_104 = arith.constant 0 : i32
    %dma_start3A_105 = arith.constant 0 : i32
    %dma_start3A_106 = tpu.memref_slice %arg9[%arg1, %dma_start3A, %dma_start3A_104, %dma_start3A_105] : memref<16x3x16x2048xf32, #tpu.memory_space<vmem_shared>> -> memref<1x1x16x2048xf32, #tpu.memory_space<vmem_shared>>
    %dma_start3A_107 = tpu.memref_squeeze %dma_start3A_106 : memref<1x1x16x2048xf32, #tpu.memory_space<vmem_shared>> -> memref<16x2048xf32, #tpu.memory_space<vmem_shared>>
    tpu.enqueue_dma source(%dma_start3A_107 : memref<16x2048xf32, #tpu.memory_space<vmem_shared>>) target(%dma_start3A_103 : memref<16x2048xf32, #tpu.memory_space<hbm>>) target_semaphore(%arg13 : memref<!tpu.dma_semaphore, #tpu.memory_space<semaphore_mem>>)
    %add3A_108 = arith.constant 16 : i32
    %add3A_109 = arith.addi %mul3A_2, %add3A_108 : i32
    %dma_wait3A_110 = arith.constant 1 : i32
    %dma_wait3A_111 = arith.constant 0 : i32
    %dma_wait3A_112 = arith.constant 0 : i32
    %dma_wait3A_113 = tpu.memref_slice %arg9[%arg1, %dma_wait3A_110, %dma_wait3A_111, %dma_wait3A_112] : memref<16x3x16x2048xf32, #tpu.memory_space<vmem_shared>> -> memref<1x1x16x2048xf32, #tpu.memory_space<vmem_shared>>
    %dma_wait3A_114 = tpu.memref_squeeze %dma_wait3A_113 : memref<1x1x16x2048xf32, #tpu.memory_space<vmem_shared>> -> memref<16x2048xf32, #tpu.memory_space<vmem_shared>>
    %dma_wait3A_115 = arith.constant 0 : i32
    %dma_wait3A_116 = tpu.memref_slice %arg2[%add3A_109, %dma_wait3A_115] : memref<8192x2048xf32, #tpu.memory_space<hbm>> -> memref<16x2048xf32, #tpu.memory_space<hbm>>
    tpu.wait_dma2 semaphore(%arg11 : memref<!tpu.dma_semaphore, #tpu.memory_space<semaphore_mem>>) src(%dma_wait3A_116 : memref<16x2048xf32, #tpu.memory_space<hbm>>) dst(%dma_wait3A_114 : memref<16x2048xf32, #tpu.memory_space<vmem_shared>>)
    %add3A_117 = arith.constant 16 : i32
    %add3A_118 = arith.addi %mul3A_2, %add3A_117 : i32
    %dma_start3A_119 = arith.constant 1 : i32
    %dma_start3A_120 = arith.constant 0 : i32
    %dma_start3A_121 = tpu.memref_slice %arg7[%add3A_118, %dma_start3A_120] : memref<8192x2048xf32, #tpu.memory_space<hbm>> -> memref<16x2048xf32, #tpu.memory_space<hbm>>
    %dma_start3A_122 = arith.constant 0 : i32
    %dma_start3A_123 = arith.constant 0 : i32
    %dma_start3A_124 = tpu.memref_slice %arg9[%arg1, %dma_start3A_119, %dma_start3A_122, %dma_start3A_123] : memref<16x3x16x2048xf32, #tpu.memory_space<vmem_shared>> -> memref<1x1x16x2048xf32, #tpu.memory_space<vmem_shared>>
    %dma_start3A_125 = tpu.memref_squeeze %dma_start3A_124 : memref<1x1x16x2048xf32, #tpu.memory_space<vmem_shared>> -> memref<16x2048xf32, #tpu.memory_space<vmem_shared>>
    tpu.enqueue_dma source(%dma_start3A_125 : memref<16x2048xf32, #tpu.memory_space<vmem_shared>>) target(%dma_start3A_121 : memref<16x2048xf32, #tpu.memory_space<hbm>>) target_semaphore(%arg14 : memref<!tpu.dma_semaphore, #tpu.memory_space<semaphore_mem>>)
    %add3A_126 = arith.constant 0 : i32
    %add3A_127 = arith.addi %mul3A_2, %add3A_126 : i32
    %dma_wait3A_128 = arith.constant 0 : i32
    %dma_wait3A_129 = arith.constant 0 : i32
    %dma_wait3A_130 = tpu.memref_slice %arg7[%add3A_127, %dma_wait3A_129] : memref<8192x2048xf32, #tpu.memory_space<hbm>> -> memref<16x2048xf32, #tpu.memory_space<hbm>>
    %dma_wait3A_131 = arith.constant 0 : i32
    %dma_wait3A_132 = arith.constant 0 : i32
    %dma_wait3A_133 = tpu.memref_slice %arg9[%arg1, %dma_wait3A_128, %dma_wait3A_131, %dma_wait3A_132] : memref<16x3x16x2048xf32, #tpu.memory_space<vmem_shared>> -> memref<1x1x16x2048xf32, #tpu.memory_space<vmem_shared>>
    %dma_wait3A_134 = tpu.memref_squeeze %dma_wait3A_133 : memref<1x1x16x2048xf32, #tpu.memory_space<vmem_shared>> -> memref<16x2048xf32, #tpu.memory_space<vmem_shared>>
    tpu.wait_dma2 semaphore(%arg13 : memref<!tpu.dma_semaphore, #tpu.memory_space<semaphore_mem>>) src(%dma_wait3A_134 : memref<16x2048xf32, #tpu.memory_space<vmem_shared>>) dst(%dma_wait3A_130 : memref<16x2048xf32, #tpu.memory_space<hbm>>)
    %convert_element_type3A_135 = arith.extui %reduce_or3A_15 : i1 to i32
    %cond3A_136 = arith.constant 0 : i32
    %cond3A_137 = arith.cmpi ne, %convert_element_type3A_135, %cond3A_136 : i32
    scf.if %cond3A_137 {
      %add3A_678 = arith.constant 48 : i32
      %add3A_679 = arith.addi %mul3A_2, %add3A_678 : i32
      %dma_start3A_680 = arith.constant 0 : i32
      %dma_start3A_681 = arith.constant 0 : i32
      %dma_start3A_682 = arith.constant 0 : i32
      %dma_start3A_683 = tpu.memref_slice %arg9[%arg1, %dma_start3A_680, %dma_start3A_681, %dma_start3A_682] : memref<16x3x16x2048xf32, #tpu.memory_space<vmem_shared>> -> memref<1x1x16x2048xf32, #tpu.memory_space<vmem_shared>>
      %dma_start3A_684 = tpu.memref_squeeze %dma_start3A_683 : memref<1x1x16x2048xf32, #tpu.memory_space<vmem_shared>> -> memref<16x2048xf32, #tpu.memory_space<vmem_shared>>
      %dma_start3A_685 = arith.constant 0 : i32
      %dma_start3A_686 = tpu.memref_slice %arg2[%add3A_679, %dma_start3A_685] : memref<8192x2048xf32, #tpu.memory_space<hbm>> -> memref<16x2048xf32, #tpu.memory_space<hbm>>
      tpu.enqueue_dma source(%dma_start3A_686 : memref<16x2048xf32, #tpu.memory_space<hbm>>) target(%dma_start3A_684 : memref<16x2048xf32, #tpu.memory_space<vmem_shared>>) target_semaphore(%arg10 : memref<!tpu.dma_semaphore, #tpu.memory_space<semaphore_mem>>)
    } else {
    }
    %convert_element_type3A_138 = arith.extui %reduce_or3A_29 : i1 to i32
    %cond3A_139 = arith.constant 0 : i32
    %cond3A_140 = arith.cmpi ne, %convert_element_type3A_138, %cond3A_139 : i32
    scf.if %cond3A_140 {
      %add3A_678 = arith.constant 48 : i32
      %add3A_679 = arith.addi %mul3A_2, %add3A_678 : i32
      %dma_start3A_680 = arith.constant 0 : i32
      %dma_start3A_681 = arith.constant 0 : i32
      %dma_start3A_682 = arith.constant 0 : i32
      %dma_start3A_683 = tpu.memref_slice %arg9[%arg1, %dma_start3A_680, %dma_start3A_681, %dma_start3A_682] : memref<16x3x16x2048xf32, #tpu.memory_space<vmem_shared>> -> memref<1x1x16x2048xf32, #tpu.memory_space<vmem_shared>>
      %dma_start3A_684 = tpu.memref_squeeze %dma_start3A_683 : memref<1x1x16x2048xf32, #tpu.memory_space<vmem_shared>> -> memref<16x2048xf32, #tpu.memory_space<vmem_shared>>
      %dma_start3A_685 = arith.constant 0 : i32
      %dma_start3A_686 = tpu.memref_slice %arg3[%add3A_679, %dma_start3A_685] : memref<8192x2048xf32, #tpu.memory_space<hbm>> -> memref<16x2048xf32, #tpu.memory_space<hbm>>
      tpu.enqueue_dma source(%dma_start3A_686 : memref<16x2048xf32, #tpu.memory_space<hbm>>) target(%dma_start3A_684 : memref<16x2048xf32, #tpu.memory_space<vmem_shared>>) target_semaphore(%arg10 : memref<!tpu.dma_semaphore, #tpu.memory_space<semaphore_mem>>)
    } else {
    }
    %convert_element_type3A_141 = arith.extui %reduce_or3A_43 : i1 to i32
    %cond3A_142 = arith.constant 0 : i32
    %cond3A_143 = arith.cmpi ne, %convert_element_type3A_141, %cond3A_142 : i32
    scf.if %cond3A_143 {
      %add3A_678 = arith.constant 48 : i32
      %add3A_679 = arith.addi %mul3A_2, %add3A_678 : i32
      %dma_start3A_680 = arith.constant 0 : i32
      %dma_start3A_681 = arith.constant 0 : i32
      %dma_start3A_682 = arith.constant 0 : i32
      %dma_start3A_683 = tpu.memref_slice %arg9[%arg1, %dma_start3A_680, %dma_start3A_681, %dma_start3A_682] : memref<16x3x16x2048xf32, #tpu.memory_space<vmem_shared>> -> memref<1x1x16x2048xf32, #tpu.memory_space<vmem_shared>>
      %dma_start3A_684 = tpu.memref_squeeze %dma_start3A_683 : memref<1x1x16x2048xf32, #tpu.memory_space<vmem_shared>> -> memref<16x2048xf32, #tpu.memory_space<vmem_shared>>
      %dma_start3A_685 = arith.constant 0 : i32
      %dma_start3A_686 = tpu.memref_slice %arg4[%add3A_679, %dma_start3A_685] : memref<8192x2048xf32, #tpu.memory_space<hbm>> -> memref<16x2048xf32, #tpu.memory_space<hbm>>
      tpu.enqueue_dma source(%dma_start3A_686 : memref<16x2048xf32, #tpu.memory_space<hbm>>) target(%dma_start3A_684 : memref<16x2048xf32, #tpu.memory_space<vmem_shared>>) target_semaphore(%arg10 : memref<!tpu.dma_semaphore, #tpu.memory_space<semaphore_mem>>)
    } else {
    }
    %convert_element_type3A_144 = arith.extui %reduce_or3A_57 : i1 to i32
    %cond3A_145 = arith.constant 0 : i32
    %cond3A_146 = arith.cmpi ne, %convert_element_type3A_144, %cond3A_145 : i32
    scf.if %cond3A_146 {
      %add3A_678 = arith.constant 48 : i32
      %add3A_679 = arith.addi %mul3A_2, %add3A_678 : i32
      %dma_start3A_680 = arith.constant 0 : i32
      %dma_start3A_681 = arith.constant 0 : i32
      %dma_start3A_682 = arith.constant 0 : i32
      %dma_start3A_683 = tpu.memref_slice %arg9[%arg1, %dma_start3A_680, %dma_start3A_681, %dma_start3A_682] : memref<16x3x16x2048xf32, #tpu.memory_space<vmem_shared>> -> memref<1x1x16x2048xf32, #tpu.memory_space<vmem_shared>>
      %dma_start3A_684 = tpu.memref_squeeze %dma_start3A_683 : memref<1x1x16x2048xf32, #tpu.memory_space<vmem_shared>> -> memref<16x2048xf32, #tpu.memory_space<vmem_shared>>
      %dma_start3A_685 = arith.constant 0 : i32
      %dma_start3A_686 = tpu.memref_slice %arg5[%add3A_679, %dma_start3A_685] : memref<8192x2048xf32, #tpu.memory_space<hbm>> -> memref<16x2048xf32, #tpu.memory_space<hbm>>
      tpu.enqueue_dma source(%dma_start3A_686 : memref<16x2048xf32, #tpu.memory_space<hbm>>) target(%dma_start3A_684 : memref<16x2048xf32, #tpu.memory_space<vmem_shared>>) target_semaphore(%arg10 : memref<!tpu.dma_semaphore, #tpu.memory_space<semaphore_mem>>)
    } else {
    }
    %add3A_147 = arith.constant 32 : i32
    %add3A_148 = arith.addi %mul3A_2, %add3A_147 : i32
    %dma_wait3A_149 = arith.constant 2 : i32
    %dma_wait3A_150 = arith.constant 0 : i32
    %dma_wait3A_151 = arith.constant 0 : i32
    %dma_wait3A_152 = tpu.memref_slice %arg9[%arg1, %dma_wait3A_149, %dma_wait3A_150, %dma_wait3A_151] : memref<16x3x16x2048xf32, #tpu.memory_space<vmem_shared>> -> memref<1x1x16x2048xf32, #tpu.memory_space<vmem_shared>>
    %dma_wait3A_153 = tpu.memref_squeeze %dma_wait3A_152 : memref<1x1x16x2048xf32, #tpu.memory_space<vmem_shared>> -> memref<16x2048xf32, #tpu.memory_space<vmem_shared>>
    %dma_wait3A_154 = arith.constant 0 : i32
    %dma_wait3A_155 = tpu.memref_slice %arg2[%add3A_148, %dma_wait3A_154] : memref<8192x2048xf32, #tpu.memory_space<hbm>> -> memref<16x2048xf32, #tpu.memory_space<hbm>>
    tpu.wait_dma2 semaphore(%arg12 : memref<!tpu.dma_semaphore, #tpu.memory_space<semaphore_mem>>) src(%dma_wait3A_155 : memref<16x2048xf32, #tpu.memory_space<hbm>>) dst(%dma_wait3A_153 : memref<16x2048xf32, #tpu.memory_space<vmem_shared>>)
    %add3A_156 = arith.constant 32 : i32
    %add3A_157 = arith.addi %mul3A_2, %add3A_156 : i32
    %dma_start3A_158 = arith.constant 2 : i32
    %dma_start3A_159 = arith.constant 0 : i32
    %dma_start3A_160 = tpu.memref_slice %arg7[%add3A_157, %dma_start3A_159] : memref<8192x2048xf32, #tpu.memory_space<hbm>> -> memref<16x2048xf32, #tpu.memory_space<hbm>>
    %dma_start3A_161 = arith.constant 0 : i32
    %dma_start3A_162 = arith.constant 0 : i32
    %dma_start3A_163 = tpu.memref_slice %arg9[%arg1, %dma_start3A_158, %dma_start3A_161, %dma_start3A_162] : memref<16x3x16x2048xf32, #tpu.memory_space<vmem_shared>> -> memref<1x1x16x2048xf32, #tpu.memory_space<vmem_shared>>
    %dma_start3A_164 = tpu.memref_squeeze %dma_start3A_163 : memref<1x1x16x2048xf32, #tpu.memory_space<vmem_shared>> -> memref<16x2048xf32, #tpu.memory_space<vmem_shared>>
    tpu.enqueue_dma source(%dma_start3A_164 : memref<16x2048xf32, #tpu.memory_space<vmem_shared>>) target(%dma_start3A_160 : memref<16x2048xf32, #tpu.memory_space<hbm>>) target_semaphore(%arg15 : memref<!tpu.dma_semaphore, #tpu.memory_space<semaphore_mem>>)
    %add3A_165 = arith.constant 16 : i32
    %add3A_166 = arith.addi %mul3A_2, %add3A_165 : i32
    %dma_wait3A_167 = arith.constant 1 : i32
    %dma_wait3A_168 = arith.constant 0 : i32
    %dma_wait3A_169 = tpu.memref_slice %arg7[%add3A_166, %dma_wait3A_168] : memref<8192x2048xf32, #tpu.memory_space<hbm>> -> memref<16x2048xf32, #tpu.memory_space<hbm>>
    %dma_wait3A_170 = arith.constant 0 : i32
    %dma_wait3A_171 = arith.constant 0 : i32
    %dma_wait3A_172 = tpu.memref_slice %arg9[%arg1, %dma_wait3A_167, %dma_wait3A_170, %dma_wait3A_171] : memref<16x3x16x2048xf32, #tpu.memory_space<vmem_shared>> -> memref<1x1x16x2048xf32, #tpu.memory_space<vmem_shared>>
    %dma_wait3A_173 = tpu.memref_squeeze %dma_wait3A_172 : memref<1x1x16x2048xf32, #tpu.memory_space<vmem_shared>> -> memref<16x2048xf32, #tpu.memory_space<vmem_shared>>
    tpu.wait_dma2 semaphore(%arg14 : memref<!tpu.dma_semaphore, #tpu.memory_space<semaphore_mem>>) src(%dma_wait3A_173 : memref<16x2048xf32, #tpu.memory_space<vmem_shared>>) dst(%dma_wait3A_169 : memref<16x2048xf32, #tpu.memory_space<hbm>>)
    %convert_element_type3A_174 = arith.extui %reduce_or3A_15 : i1 to i32
    %cond3A_175 = arith.constant 0 : i32
    %cond3A_176 = arith.cmpi ne, %convert_element_type3A_174, %cond3A_175 : i32
    scf.if %cond3A_176 {
      %add3A_678 = arith.constant 64 : i32
      %add3A_679 = arith.addi %mul3A_2, %add3A_678 : i32
      %dma_start3A_680 = arith.constant 1 : i32
      %dma_start3A_681 = arith.constant 0 : i32
      %dma_start3A_682 = arith.constant 0 : i32
      %dma_start3A_683 = tpu.memref_slice %arg9[%arg1, %dma_start3A_680, %dma_start3A_681, %dma_start3A_682] : memref<16x3x16x2048xf32, #tpu.memory_space<vmem_shared>> -> memref<1x1x16x2048xf32, #tpu.memory_space<vmem_shared>>
      %dma_start3A_684 = tpu.memref_squeeze %dma_start3A_683 : memref<1x1x16x2048xf32, #tpu.memory_space<vmem_shared>> -> memref<16x2048xf32, #tpu.memory_space<vmem_shared>>
      %dma_start3A_685 = arith.constant 0 : i32
      %dma_start3A_686 = tpu.memref_slice %arg2[%add3A_679, %dma_start3A_685] : memref<8192x2048xf32, #tpu.memory_space<hbm>> -> memref<16x2048xf32, #tpu.memory_space<hbm>>
      tpu.enqueue_dma source(%dma_start3A_686 : memref<16x2048xf32, #tpu.memory_space<hbm>>) target(%dma_start3A_684 : memref<16x2048xf32, #tpu.memory_space<vmem_shared>>) target_semaphore(%arg11 : memref<!tpu.dma_semaphore, #tpu.memory_space<semaphore_mem>>)
    } else {
    }
    %convert_element_type3A_177 = arith.extui %reduce_or3A_29 : i1 to i32
    %cond3A_178 = arith.constant 0 : i32
    %cond3A_179 = arith.cmpi ne, %convert_element_type3A_177, %cond3A_178 : i32
    scf.if %cond3A_179 {
      %add3A_678 = arith.constant 64 : i32
      %add3A_679 = arith.addi %mul3A_2, %add3A_678 : i32
      %dma_start3A_680 = arith.constant 1 : i32
      %dma_start3A_681 = arith.constant 0 : i32
      %dma_start3A_682 = arith.constant 0 : i32
      %dma_start3A_683 = tpu.memref_slice %arg9[%arg1, %dma_start3A_680, %dma_start3A_681, %dma_start3A_682] : memref<16x3x16x2048xf32, #tpu.memory_space<vmem_shared>> -> memref<1x1x16x2048xf32, #tpu.memory_space<vmem_shared>>
      %dma_start3A_684 = tpu.memref_squeeze %dma_start3A_683 : memref<1x1x16x2048xf32, #tpu.memory_space<vmem_shared>> -> memref<16x2048xf32, #tpu.memory_space<vmem_shared>>
      %dma_start3A_685 = arith.constant 0 : i32
      %dma_start3A_686 = tpu.memref_slice %arg3[%add3A_679, %dma_start3A_685] : memref<8192x2048xf32, #tpu.memory_space<hbm>> -> memref<16x2048xf32, #tpu.memory_space<hbm>>
      tpu.enqueue_dma source(%dma_start3A_686 : memref<16x2048xf32, #tpu.memory_space<hbm>>) target(%dma_start3A_684 : memref<16x2048xf32, #tpu.memory_space<vmem_shared>>) target_semaphore(%arg11 : memref<!tpu.dma_semaphore, #tpu.memory_space<semaphore_mem>>)
    } else {
    }
    %convert_element_type3A_180 = arith.extui %reduce_or3A_43 : i1 to i32
    %cond3A_181 = arith.constant 0 : i32
    %cond3A_182 = arith.cmpi ne, %convert_element_type3A_180, %cond3A_181 : i32
    scf.if %cond3A_182 {
      %add3A_678 = arith.constant 64 : i32
      %add3A_679 = arith.addi %mul3A_2, %add3A_678 : i32
      %dma_start3A_680 = arith.constant 1 : i32
      %dma_start3A_681 = arith.constant 0 : i32
      %dma_start3A_682 = arith.constant 0 : i32
      %dma_start3A_683 = tpu.memref_slice %arg9[%arg1, %dma_start3A_680, %dma_start3A_681, %dma_start3A_682] : memref<16x3x16x2048xf32, #tpu.memory_space<vmem_shared>> -> memref<1x1x16x2048xf32, #tpu.memory_space<vmem_shared>>
      %dma_start3A_684 = tpu.memref_squeeze %dma_start3A_683 : memref<1x1x16x2048xf32, #tpu.memory_space<vmem_shared>> -> memref<16x2048xf32, #tpu.memory_space<vmem_shared>>
      %dma_start3A_685 = arith.constant 0 : i32
      %dma_start3A_686 = tpu.memref_slice %arg4[%add3A_679, %dma_start3A_685] : memref<8192x2048xf32, #tpu.memory_space<hbm>> -> memref<16x2048xf32, #tpu.memory_space<hbm>>
      tpu.enqueue_dma source(%dma_start3A_686 : memref<16x2048xf32, #tpu.memory_space<hbm>>) target(%dma_start3A_684 : memref<16x2048xf32, #tpu.memory_space<vmem_shared>>) target_semaphore(%arg11 : memref<!tpu.dma_semaphore, #tpu.memory_space<semaphore_mem>>)
    } else {
    }
    %convert_element_type3A_183 = arith.extui %reduce_or3A_57 : i1 to i32
    %cond3A_184 = arith.constant 0 : i32
    %cond3A_185 = arith.cmpi ne, %convert_element_type3A_183, %cond3A_184 : i32
    scf.if %cond3A_185 {
      %add3A_678 = arith.constant 64 : i32
      %add3A_679 = arith.addi %mul3A_2, %add3A_678 : i32
      %dma_start3A_680 = arith.constant 1 : i32
      %dma_start3A_681 = arith.constant 0 : i32
      %dma_start3A_682 = arith.constant 0 : i32
      %dma_start3A_683 = tpu.memref_slice %arg9[%arg1, %dma_start3A_680, %dma_start3A_681, %dma_start3A_682] : memref<16x3x16x2048xf32, #tpu.memory_space<vmem_shared>> -> memref<1x1x16x2048xf32, #tpu.memory_space<vmem_shared>>
      %dma_start3A_684 = tpu.memref_squeeze %dma_start3A_683 : memref<1x1x16x2048xf32, #tpu.memory_space<vmem_shared>> -> memref<16x2048xf32, #tpu.memory_space<vmem_shared>>
      %dma_start3A_685 = arith.constant 0 : i32
      %dma_start3A_686 = tpu.memref_slice %arg5[%add3A_679, %dma_start3A_685] : memref<8192x2048xf32, #tpu.memory_space<hbm>> -> memref<16x2048xf32, #tpu.memory_space<hbm>>
      tpu.enqueue_dma source(%dma_start3A_686 : memref<16x2048xf32, #tpu.memory_space<hbm>>) target(%dma_start3A_684 : memref<16x2048xf32, #tpu.memory_space<vmem_shared>>) target_semaphore(%arg11 : memref<!tpu.dma_semaphore, #tpu.memory_space<semaphore_mem>>)
    } else {
    }
    %add3A_186 = arith.constant 48 : i32
    %add3A_187 = arith.addi %mul3A_2, %add3A_186 : i32
    %dma_wait3A_188 = arith.constant 0 : i32
    %dma_wait3A_189 = arith.constant 0 : i32
    %dma_wait3A_190 = arith.constant 0 : i32
    %dma_wait3A_191 = tpu.memref_slice %arg9[%arg1, %dma_wait3A_188, %dma_wait3A_189, %dma_wait3A_190] : memref<16x3x16x2048xf32, #tpu.memory_space<vmem_shared>> -> memref<1x1x16x2048xf32, #tpu.memory_space<vmem_shared>>
    %dma_wait3A_192 = tpu.memref_squeeze %dma_wait3A_191 : memref<1x1x16x2048xf32, #tpu.memory_space<vmem_shared>> -> memref<16x2048xf32, #tpu.memory_space<vmem_shared>>
    %dma_wait3A_193 = arith.constant 0 : i32
    %dma_wait3A_194 = tpu.memref_slice %arg2[%add3A_187, %dma_wait3A_193] : memref<8192x2048xf32, #tpu.memory_space<hbm>> -> memref<16x2048xf32, #tpu.memory_space<hbm>>
    tpu.wait_dma2 semaphore(%arg10 : memref<!tpu.dma_semaphore, #tpu.memory_space<semaphore_mem>>) src(%dma_wait3A_194 : memref<16x2048xf32, #tpu.memory_space<hbm>>) dst(%dma_wait3A_192 : memref<16x2048xf32, #tpu.memory_space<vmem_shared>>)
    %add3A_195 = arith.constant 48 : i32
    %add3A_196 = arith.addi %mul3A_2, %add3A_195 : i32
    %dma_start3A_197 = arith.constant 0 : i32
    %dma_start3A_198 = arith.constant 0 : i32
    %dma_start3A_199 = tpu.memref_slice %arg7[%add3A_196, %dma_start3A_198] : memref<8192x2048xf32, #tpu.memory_space<hbm>> -> memref<16x2048xf32, #tpu.memory_space<hbm>>
    %dma_start3A_200 = arith.constant 0 : i32
    %dma_start3A_201 = arith.constant 0 : i32
    %dma_start3A_202 = tpu.memref_slice %arg9[%arg1, %dma_start3A_197, %dma_start3A_200, %dma_start3A_201] : memref<16x3x16x2048xf32, #tpu.memory_space<vmem_shared>> -> memref<1x1x16x2048xf32, #tpu.memory_space<vmem_shared>>
    %dma_start3A_203 = tpu.memref_squeeze %dma_start3A_202 : memref<1x1x16x2048xf32, #tpu.memory_space<vmem_shared>> -> memref<16x2048xf32, #tpu.memory_space<vmem_shared>>
    tpu.enqueue_dma source(%dma_start3A_203 : memref<16x2048xf32, #tpu.memory_space<vmem_shared>>) target(%dma_start3A_199 : memref<16x2048xf32, #tpu.memory_space<hbm>>) target_semaphore(%arg13 : memref<!tpu.dma_semaphore, #tpu.memory_space<semaphore_mem>>)
    %add3A_204 = arith.constant 32 : i32
    %add3A_205 = arith.addi %mul3A_2, %add3A_204 : i32
    %dma_wait3A_206 = arith.constant 2 : i32
    %dma_wait3A_207 = arith.constant 0 : i32
    %dma_wait3A_208 = tpu.memref_slice %arg7[%add3A_205, %dma_wait3A_207] : memref<8192x2048xf32, #tpu.memory_space<hbm>> -> memref<16x2048xf32, #tpu.memory_space<hbm>>
    %dma_wait3A_209 = arith.constant 0 : i32
    %dma_wait3A_210 = arith.constant 0 : i32
    %dma_wait3A_211 = tpu.memref_slice %arg9[%arg1, %dma_wait3A_206, %dma_wait3A_209, %dma_wait3A_210] : memref<16x3x16x2048xf32, #tpu.memory_space<vmem_shared>> -> memref<1x1x16x2048xf32, #tpu.memory_space<vmem_shared>>
    %dma_wait3A_212 = tpu.memref_squeeze %dma_wait3A_211 : memref<1x1x16x2048xf32, #tpu.memory_space<vmem_shared>> -> memref<16x2048xf32, #tpu.memory_space<vmem_shared>>
    tpu.wait_dma2 semaphore(%arg15 : memref<!tpu.dma_semaphore, #tpu.memory_space<semaphore_mem>>) src(%dma_wait3A_212 : memref<16x2048xf32, #tpu.memory_space<vmem_shared>>) dst(%dma_wait3A_208 : memref<16x2048xf32, #tpu.memory_space<hbm>>)
    %convert_element_type3A_213 = arith.extui %reduce_or3A_15 : i1 to i32
    %cond3A_214 = arith.constant 0 : i32
    %cond3A_215 = arith.cmpi ne, %convert_element_type3A_213, %cond3A_214 : i32
    scf.if %cond3A_215 {
      %add3A_678 = arith.constant 80 : i32
      %add3A_679 = arith.addi %mul3A_2, %add3A_678 : i32
      %dma_start3A_680 = arith.constant 2 : i32
      %dma_start3A_681 = arith.constant 0 : i32
      %dma_start3A_682 = arith.constant 0 : i32
      %dma_start3A_683 = tpu.memref_slice %arg9[%arg1, %dma_start3A_680, %dma_start3A_681, %dma_start3A_682] : memref<16x3x16x2048xf32, #tpu.memory_space<vmem_shared>> -> memref<1x1x16x2048xf32, #tpu.memory_space<vmem_shared>>
      %dma_start3A_684 = tpu.memref_squeeze %dma_start3A_683 : memref<1x1x16x2048xf32, #tpu.memory_space<vmem_shared>> -> memref<16x2048xf32, #tpu.memory_space<vmem_shared>>
      %dma_start3A_685 = arith.constant 0 : i32
      %dma_start3A_686 = tpu.memref_slice %arg2[%add3A_679, %dma_start3A_685] : memref<8192x2048xf32, #tpu.memory_space<hbm>> -> memref<16x2048xf32, #tpu.memory_space<hbm>>
      tpu.enqueue_dma source(%dma_start3A_686 : memref<16x2048xf32, #tpu.memory_space<hbm>>) target(%dma_start3A_684 : memref<16x2048xf32, #tpu.memory_space<vmem_shared>>) target_semaphore(%arg12 : memref<!tpu.dma_semaphore, #tpu.memory_space<semaphore_mem>>)
    } else {
    }
    %convert_element_type3A_216 = arith.extui %reduce_or3A_29 : i1 to i32
    %cond3A_217 = arith.constant 0 : i32
    %cond3A_218 = arith.cmpi ne, %convert_element_type3A_216, %cond3A_217 : i32
    scf.if %cond3A_218 {
      %add3A_678 = arith.constant 80 : i32
      %add3A_679 = arith.addi %mul3A_2, %add3A_678 : i32
      %dma_start3A_680 = arith.constant 2 : i32
      %dma_start3A_681 = arith.constant 0 : i32
      %dma_start3A_682 = arith.constant 0 : i32
      %dma_start3A_683 = tpu.memref_slice %arg9[%arg1, %dma_start3A_680, %dma_start3A_681, %dma_start3A_682] : memref<16x3x16x2048xf32, #tpu.memory_space<vmem_shared>> -> memref<1x1x16x2048xf32, #tpu.memory_space<vmem_shared>>
      %dma_start3A_684 = tpu.memref_squeeze %dma_start3A_683 : memref<1x1x16x2048xf32, #tpu.memory_space<vmem_shared>> -> memref<16x2048xf32, #tpu.memory_space<vmem_shared>>
      %dma_start3A_685 = arith.constant 0 : i32
      %dma_start3A_686 = tpu.memref_slice %arg3[%add3A_679, %dma_start3A_685] : memref<8192x2048xf32, #tpu.memory_space<hbm>> -> memref<16x2048xf32, #tpu.memory_space<hbm>>
      tpu.enqueue_dma source(%dma_start3A_686 : memref<16x2048xf32, #tpu.memory_space<hbm>>) target(%dma_start3A_684 : memref<16x2048xf32, #tpu.memory_space<vmem_shared>>) target_semaphore(%arg12 : memref<!tpu.dma_semaphore, #tpu.memory_space<semaphore_mem>>)
    } else {
    }
    %convert_element_type3A_219 = arith.extui %reduce_or3A_43 : i1 to i32
    %cond3A_220 = arith.constant 0 : i32
    %cond3A_221 = arith.cmpi ne, %convert_element_type3A_219, %cond3A_220 : i32
    scf.if %cond3A_221 {
      %add3A_678 = arith.constant 80 : i32
      %add3A_679 = arith.addi %mul3A_2, %add3A_678 : i32
      %dma_start3A_680 = arith.constant 2 : i32
      %dma_start3A_681 = arith.constant 0 : i32
      %dma_start3A_682 = arith.constant 0 : i32
      %dma_start3A_683 = tpu.memref_slice %arg9[%arg1, %dma_start3A_680, %dma_start3A_681, %dma_start3A_682] : memref<16x3x16x2048xf32, #tpu.memory_space<vmem_shared>> -> memref<1x1x16x2048xf32, #tpu.memory_space<vmem_shared>>
      %dma_start3A_684 = tpu.memref_squeeze %dma_start3A_683 : memref<1x1x16x2048xf32, #tpu.memory_space<vmem_shared>> -> memref<16x2048xf32, #tpu.memory_space<vmem_shared>>
      %dma_start3A_685 = arith.constant 0 : i32
      %dma_start3A_686 = tpu.memref_slice %arg4[%add3A_679, %dma_start3A_685] : memref<8192x2048xf32, #tpu.memory_space<hbm>> -> memref<16x2048xf32, #tpu.memory_space<hbm>>
      tpu.enqueue_dma source(%dma_start3A_686 : memref<16x2048xf32, #tpu.memory_space<hbm>>) target(%dma_start3A_684 : memref<16x2048xf32, #tpu.memory_space<vmem_shared>>) target_semaphore(%arg12 : memref<!tpu.dma_semaphore, #tpu.memory_space<semaphore_mem>>)
    } else {
    }
    %convert_element_type3A_222 = arith.extui %reduce_or3A_57 : i1 to i32
    %cond3A_223 = arith.constant 0 : i32
    %cond3A_224 = arith.cmpi ne, %convert_element_type3A_222, %cond3A_223 : i32
    scf.if %cond3A_224 {
      %add3A_678 = arith.constant 80 : i32
      %add3A_679 = arith.addi %mul3A_2, %add3A_678 : i32
      %dma_start3A_680 = arith.constant 2 : i32
      %dma_start3A_681 = arith.constant 0 : i32
      %dma_start3A_682 = arith.constant 0 : i32
      %dma_start3A_683 = tpu.memref_slice %arg9[%arg1, %dma_start3A_680, %dma_start3A_681, %dma_start3A_682] : memref<16x3x16x2048xf32, #tpu.memory_space<vmem_shared>> -> memref<1x1x16x2048xf32, #tpu.memory_space<vmem_shared>>
      %dma_start3A_684 = tpu.memref_squeeze %dma_start3A_683 : memref<1x1x16x2048xf32, #tpu.memory_space<vmem_shared>> -> memref<16x2048xf32, #tpu.memory_space<vmem_shared>>
      %dma_start3A_685 = arith.constant 0 : i32
      %dma_start3A_686 = tpu.memref_slice %arg5[%add3A_679, %dma_start3A_685] : memref<8192x2048xf32, #tpu.memory_space<hbm>> -> memref<16x2048xf32, #tpu.memory_space<hbm>>
      tpu.enqueue_dma source(%dma_start3A_686 : memref<16x2048xf32, #tpu.memory_space<hbm>>) target(%dma_start3A_684 : memref<16x2048xf32, #tpu.memory_space<vmem_shared>>) target_semaphore(%arg12 : memref<!tpu.dma_semaphore, #tpu.memory_space<semaphore_mem>>)
    } else {
    }
    %add3A_225 = arith.constant 64 : i32
    %add3A_226 = arith.addi %mul3A_2, %add3A_225 : i32
    %dma_wait3A_227 = arith.constant 1 : i32
    %dma_wait3A_228 = arith.constant 0 : i32
    %dma_wait3A_229 = arith.constant 0 : i32
    %dma_wait3A_230 = tpu.memref_slice %arg9[%arg1, %dma_wait3A_227, %dma_wait3A_228, %dma_wait3A_229] : memref<16x3x16x2048xf32, #tpu.memory_space<vmem_shared>> -> memref<1x1x16x2048xf32, #tpu.memory_space<vmem_shared>>
    %dma_wait3A_231 = tpu.memref_squeeze %dma_wait3A_230 : memref<1x1x16x2048xf32, #tpu.memory_space<vmem_shared>> -> memref<16x2048xf32, #tpu.memory_space<vmem_shared>>
    %dma_wait3A_232 = arith.constant 0 : i32
    %dma_wait3A_233 = tpu.memref_slice %arg2[%add3A_226, %dma_wait3A_232] : memref<8192x2048xf32, #tpu.memory_space<hbm>> -> memref<16x2048xf32, #tpu.memory_space<hbm>>
    tpu.wait_dma2 semaphore(%arg11 : memref<!tpu.dma_semaphore, #tpu.memory_space<semaphore_mem>>) src(%dma_wait3A_233 : memref<16x2048xf32, #tpu.memory_space<hbm>>) dst(%dma_wait3A_231 : memref<16x2048xf32, #tpu.memory_space<vmem_shared>>)
    %add3A_234 = arith.constant 64 : i32
    %add3A_235 = arith.addi %mul3A_2, %add3A_234 : i32
    %dma_start3A_236 = arith.constant 1 : i32
    %dma_start3A_237 = arith.constant 0 : i32
    %dma_start3A_238 = tpu.memref_slice %arg7[%add3A_235, %dma_start3A_237] : memref<8192x2048xf32, #tpu.memory_space<hbm>> -> memref<16x2048xf32, #tpu.memory_space<hbm>>
    %dma_start3A_239 = arith.constant 0 : i32
    %dma_start3A_240 = arith.constant 0 : i32
    %dma_start3A_241 = tpu.memref_slice %arg9[%arg1, %dma_start3A_236, %dma_start3A_239, %dma_start3A_240] : memref<16x3x16x2048xf32, #tpu.memory_space<vmem_shared>> -> memref<1x1x16x2048xf32, #tpu.memory_space<vmem_shared>>
    %dma_start3A_242 = tpu.memref_squeeze %dma_start3A_241 : memref<1x1x16x2048xf32, #tpu.memory_space<vmem_shared>> -> memref<16x2048xf32, #tpu.memory_space<vmem_shared>>
    tpu.enqueue_dma source(%dma_start3A_242 : memref<16x2048xf32, #tpu.memory_space<vmem_shared>>) target(%dma_start3A_238 : memref<16x2048xf32, #tpu.memory_space<hbm>>) target_semaphore(%arg14 : memref<!tpu.dma_semaphore, #tpu.memory_space<semaphore_mem>>)
    %add3A_243 = arith.constant 48 : i32
    %add3A_244 = arith.addi %mul3A_2, %add3A_243 : i32
    %dma_wait3A_245 = arith.constant 0 : i32
    %dma_wait3A_246 = arith.constant 0 : i32
    %dma_wait3A_247 = tpu.memref_slice %arg7[%add3A_244, %dma_wait3A_246] : memref<8192x2048xf32, #tpu.memory_space<hbm>> -> memref<16x2048xf32, #tpu.memory_space<hbm>>
    %dma_wait3A_248 = arith.constant 0 : i32
    %dma_wait3A_249 = arith.constant 0 : i32
    %dma_wait3A_250 = tpu.memref_slice %arg9[%arg1, %dma_wait3A_245, %dma_wait3A_248, %dma_wait3A_249] : memref<16x3x16x2048xf32, #tpu.memory_space<vmem_shared>> -> memref<1x1x16x2048xf32, #tpu.memory_space<vmem_shared>>
    %dma_wait3A_251 = tpu.memref_squeeze %dma_wait3A_250 : memref<1x1x16x2048xf32, #tpu.memory_space<vmem_shared>> -> memref<16x2048xf32, #tpu.memory_space<vmem_shared>>
    tpu.wait_dma2 semaphore(%arg13 : memref<!tpu.dma_semaphore, #tpu.memory_space<semaphore_mem>>) src(%dma_wait3A_251 : memref<16x2048xf32, #tpu.memory_space<vmem_shared>>) dst(%dma_wait3A_247 : memref<16x2048xf32, #tpu.memory_space<hbm>>)
    %convert_element_type3A_252 = arith.extui %reduce_or3A_15 : i1 to i32
    %cond3A_253 = arith.constant 0 : i32
    %cond3A_254 = arith.cmpi ne, %convert_element_type3A_252, %cond3A_253 : i32
    scf.if %cond3A_254 {
      %add3A_678 = arith.constant 96 : i32
      %add3A_679 = arith.addi %mul3A_2, %add3A_678 : i32
      %dma_start3A_680 = arith.constant 0 : i32
      %dma_start3A_681 = arith.constant 0 : i32
      %dma_start3A_682 = arith.constant 0 : i32
      %dma_start3A_683 = tpu.memref_slice %arg9[%arg1, %dma_start3A_680, %dma_start3A_681, %dma_start3A_682] : memref<16x3x16x2048xf32, #tpu.memory_space<vmem_shared>> -> memref<1x1x16x2048xf32, #tpu.memory_space<vmem_shared>>
      %dma_start3A_684 = tpu.memref_squeeze %dma_start3A_683 : memref<1x1x16x2048xf32, #tpu.memory_space<vmem_shared>> -> memref<16x2048xf32, #tpu.memory_space<vmem_shared>>
      %dma_start3A_685 = arith.constant 0 : i32
      %dma_start3A_686 = tpu.memref_slice %arg2[%add3A_679, %dma_start3A_685] : memref<8192x2048xf32, #tpu.memory_space<hbm>> -> memref<16x2048xf32, #tpu.memory_space<hbm>>
      tpu.enqueue_dma source(%dma_start3A_686 : memref<16x2048xf32, #tpu.memory_space<hbm>>) target(%dma_start3A_684 : memref<16x2048xf32, #tpu.memory_space<vmem_shared>>) target_semaphore(%arg10 : memref<!tpu.dma_semaphore, #tpu.memory_space<semaphore_mem>>)
    } else {
    }
    %convert_element_type3A_255 = arith.extui %reduce_or3A_29 : i1 to i32
    %cond3A_256 = arith.constant 0 : i32
    %cond3A_257 = arith.cmpi ne, %convert_element_type3A_255, %cond3A_256 : i32
    scf.if %cond3A_257 {
      %add3A_678 = arith.constant 96 : i32
      %add3A_679 = arith.addi %mul3A_2, %add3A_678 : i32
      %dma_start3A_680 = arith.constant 0 : i32
      %dma_start3A_681 = arith.constant 0 : i32
      %dma_start3A_682 = arith.constant 0 : i32
      %dma_start3A_683 = tpu.memref_slice %arg9[%arg1, %dma_start3A_680, %dma_start3A_681, %dma_start3A_682] : memref<16x3x16x2048xf32, #tpu.memory_space<vmem_shared>> -> memref<1x1x16x2048xf32, #tpu.memory_space<vmem_shared>>
      %dma_start3A_684 = tpu.memref_squeeze %dma_start3A_683 : memref<1x1x16x2048xf32, #tpu.memory_space<vmem_shared>> -> memref<16x2048xf32, #tpu.memory_space<vmem_shared>>
      %dma_start3A_685 = arith.constant 0 : i32
      %dma_start3A_686 = tpu.memref_slice %arg3[%add3A_679, %dma_start3A_685] : memref<8192x2048xf32, #tpu.memory_space<hbm>> -> memref<16x2048xf32, #tpu.memory_space<hbm>>
      tpu.enqueue_dma source(%dma_start3A_686 : memref<16x2048xf32, #tpu.memory_space<hbm>>) target(%dma_start3A_684 : memref<16x2048xf32, #tpu.memory_space<vmem_shared>>) target_semaphore(%arg10 : memref<!tpu.dma_semaphore, #tpu.memory_space<semaphore_mem>>)
    } else {
    }
    %convert_element_type3A_258 = arith.extui %reduce_or3A_43 : i1 to i32
    %cond3A_259 = arith.constant 0 : i32
    %cond3A_260 = arith.cmpi ne, %convert_element_type3A_258, %cond3A_259 : i32
    scf.if %cond3A_260 {
      %add3A_678 = arith.constant 96 : i32
      %add3A_679 = arith.addi %mul3A_2, %add3A_678 : i32
      %dma_start3A_680 = arith.constant 0 : i32
      %dma_start3A_681 = arith.constant 0 : i32
      %dma_start3A_682 = arith.constant 0 : i32
      %dma_start3A_683 = tpu.memref_slice %arg9[%arg1, %dma_start3A_680, %dma_start3A_681, %dma_start3A_682] : memref<16x3x16x2048xf32, #tpu.memory_space<vmem_shared>> -> memref<1x1x16x2048xf32, #tpu.memory_space<vmem_shared>>
      %dma_start3A_684 = tpu.memref_squeeze %dma_start3A_683 : memref<1x1x16x2048xf32, #tpu.memory_space<vmem_shared>> -> memref<16x2048xf32, #tpu.memory_space<vmem_shared>>
      %dma_start3A_685 = arith.constant 0 : i32
      %dma_start3A_686 = tpu.memref_slice %arg4[%add3A_679, %dma_start3A_685] : memref<8192x2048xf32, #tpu.memory_space<hbm>> -> memref<16x2048xf32, #tpu.memory_space<hbm>>
      tpu.enqueue_dma source(%dma_start3A_686 : memref<16x2048xf32, #tpu.memory_space<hbm>>) target(%dma_start3A_684 : memref<16x2048xf32, #tpu.memory_space<vmem_shared>>) target_semaphore(%arg10 : memref<!tpu.dma_semaphore, #tpu.memory_space<semaphore_mem>>)
    } else {
    }
    %convert_element_type3A_261 = arith.extui %reduce_or3A_57 : i1 to i32
    %cond3A_262 = arith.constant 0 : i32
    %cond3A_263 = arith.cmpi ne, %convert_element_type3A_261, %cond3A_262 : i32
    scf.if %cond3A_263 {
      %add3A_678 = arith.constant 96 : i32
      %add3A_679 = arith.addi %mul3A_2, %add3A_678 : i32
      %dma_start3A_680 = arith.constant 0 : i32
      %dma_start3A_681 = arith.constant 0 : i32
      %dma_start3A_682 = arith.constant 0 : i32
      %dma_start3A_683 = tpu.memref_slice %arg9[%arg1, %dma_start3A_680, %dma_start3A_681, %dma_start3A_682] : memref<16x3x16x2048xf32, #tpu.memory_space<vmem_shared>> -> memref<1x1x16x2048xf32, #tpu.memory_space<vmem_shared>>
      %dma_start3A_684 = tpu.memref_squeeze %dma_start3A_683 : memref<1x1x16x2048xf32, #tpu.memory_space<vmem_shared>> -> memref<16x2048xf32, #tpu.memory_space<vmem_shared>>
      %dma_start3A_685 = arith.constant 0 : i32
      %dma_start3A_686 = tpu.memref_slice %arg5[%add3A_679, %dma_start3A_685] : memref<8192x2048xf32, #tpu.memory_space<hbm>> -> memref<16x2048xf32, #tpu.memory_space<hbm>>
      tpu.enqueue_dma source(%dma_start3A_686 : memref<16x2048xf32, #tpu.memory_space<hbm>>) target(%dma_start3A_684 : memref<16x2048xf32, #tpu.memory_space<vmem_shared>>) target_semaphore(%arg10 : memref<!tpu.dma_semaphore, #tpu.memory_space<semaphore_mem>>)
    } else {
    }
    %add3A_264 = arith.constant 80 : i32
    %add3A_265 = arith.addi %mul3A_2, %add3A_264 : i32
    %dma_wait3A_266 = arith.constant 2 : i32
    %dma_wait3A_267 = arith.constant 0 : i32
    %dma_wait3A_268 = arith.constant 0 : i32
    %dma_wait3A_269 = tpu.memref_slice %arg9[%arg1, %dma_wait3A_266, %dma_wait3A_267, %dma_wait3A_268] : memref<16x3x16x2048xf32, #tpu.memory_space<vmem_shared>> -> memref<1x1x16x2048xf32, #tpu.memory_space<vmem_shared>>
    %dma_wait3A_270 = tpu.memref_squeeze %dma_wait3A_269 : memref<1x1x16x2048xf32, #tpu.memory_space<vmem_shared>> -> memref<16x2048xf32, #tpu.memory_space<vmem_shared>>
    %dma_wait3A_271 = arith.constant 0 : i32
    %dma_wait3A_272 = tpu.memref_slice %arg2[%add3A_265, %dma_wait3A_271] : memref<8192x2048xf32, #tpu.memory_space<hbm>> -> memref<16x2048xf32, #tpu.memory_space<hbm>>
    tpu.wait_dma2 semaphore(%arg12 : memref<!tpu.dma_semaphore, #tpu.memory_space<semaphore_mem>>) src(%dma_wait3A_272 : memref<16x2048xf32, #tpu.memory_space<hbm>>) dst(%dma_wait3A_270 : memref<16x2048xf32, #tpu.memory_space<vmem_shared>>)
    %add3A_273 = arith.constant 80 : i32
    %add3A_274 = arith.addi %mul3A_2, %add3A_273 : i32
    %dma_start3A_275 = arith.constant 2 : i32
    %dma_start3A_276 = arith.constant 0 : i32
    %dma_start3A_277 = tpu.memref_slice %arg7[%add3A_274, %dma_start3A_276] : memref<8192x2048xf32, #tpu.memory_space<hbm>> -> memref<16x2048xf32, #tpu.memory_space<hbm>>
    %dma_start3A_278 = arith.constant 0 : i32
    %dma_start3A_279 = arith.constant 0 : i32
    %dma_start3A_280 = tpu.memref_slice %arg9[%arg1, %dma_start3A_275, %dma_start3A_278, %dma_start3A_279] : memref<16x3x16x2048xf32, #tpu.memory_space<vmem_shared>> -> memref<1x1x16x2048xf32, #tpu.memory_space<vmem_shared>>
    %dma_start3A_281 = tpu.memref_squeeze %dma_start3A_280 : memref<1x1x16x2048xf32, #tpu.memory_space<vmem_shared>> -> memref<16x2048xf32, #tpu.memory_space<vmem_shared>>
    tpu.enqueue_dma source(%dma_start3A_281 : memref<16x2048xf32, #tpu.memory_space<vmem_shared>>) target(%dma_start3A_277 : memref<16x2048xf32, #tpu.memory_space<hbm>>) target_semaphore(%arg15 : memref<!tpu.dma_semaphore, #tpu.memory_space<semaphore_mem>>)
    %add3A_282 = arith.constant 64 : i32
    %add3A_283 = arith.addi %mul3A_2, %add3A_282 : i32
    %dma_wait3A_284 = arith.constant 1 : i32
    %dma_wait3A_285 = arith.constant 0 : i32
    %dma_wait3A_286 = tpu.memref_slice %arg7[%add3A_283, %dma_wait3A_285] : memref<8192x2048xf32, #tpu.memory_space<hbm>> -> memref<16x2048xf32, #tpu.memory_space<hbm>>
    %dma_wait3A_287 = arith.constant 0 : i32
    %dma_wait3A_288 = arith.constant 0 : i32
    %dma_wait3A_289 = tpu.memref_slice %arg9[%arg1, %dma_wait3A_284, %dma_wait3A_287, %dma_wait3A_288] : memref<16x3x16x2048xf32, #tpu.memory_space<vmem_shared>> -> memref<1x1x16x2048xf32, #tpu.memory_space<vmem_shared>>
    %dma_wait3A_290 = tpu.memref_squeeze %dma_wait3A_289 : memref<1x1x16x2048xf32, #tpu.memory_space<vmem_shared>> -> memref<16x2048xf32, #tpu.memory_space<vmem_shared>>
    tpu.wait_dma2 semaphore(%arg14 : memref<!tpu.dma_semaphore, #tpu.memory_space<semaphore_mem>>) src(%dma_wait3A_290 : memref<16x2048xf32, #tpu.memory_space<vmem_shared>>) dst(%dma_wait3A_286 : memref<16x2048xf32, #tpu.memory_space<hbm>>)
    %convert_element_type3A_291 = arith.extui %reduce_or3A_15 : i1 to i32
    %cond3A_292 = arith.constant 0 : i32
    %cond3A_293 = arith.cmpi ne, %convert_element_type3A_291, %cond3A_292 : i32
    scf.if %cond3A_293 {
      %add3A_678 = arith.constant 112 : i32
      %add3A_679 = arith.addi %mul3A_2, %add3A_678 : i32
      %dma_start3A_680 = arith.constant 1 : i32
      %dma_start3A_681 = arith.constant 0 : i32
      %dma_start3A_682 = arith.constant 0 : i32
      %dma_start3A_683 = tpu.memref_slice %arg9[%arg1, %dma_start3A_680, %dma_start3A_681, %dma_start3A_682] : memref<16x3x16x2048xf32, #tpu.memory_space<vmem_shared>> -> memref<1x1x16x2048xf32, #tpu.memory_space<vmem_shared>>
      %dma_start3A_684 = tpu.memref_squeeze %dma_start3A_683 : memref<1x1x16x2048xf32, #tpu.memory_space<vmem_shared>> -> memref<16x2048xf32, #tpu.memory_space<vmem_shared>>
      %dma_start3A_685 = arith.constant 0 : i32
      %dma_start3A_686 = tpu.memref_slice %arg2[%add3A_679, %dma_start3A_685] : memref<8192x2048xf32, #tpu.memory_space<hbm>> -> memref<16x2048xf32, #tpu.memory_space<hbm>>
      tpu.enqueue_dma source(%dma_start3A_686 : memref<16x2048xf32, #tpu.memory_space<hbm>>) target(%dma_start3A_684 : memref<16x2048xf32, #tpu.memory_space<vmem_shared>>) target_semaphore(%arg11 : memref<!tpu.dma_semaphore, #tpu.memory_space<semaphore_mem>>)
    } else {
    }
    %convert_element_type3A_294 = arith.extui %reduce_or3A_29 : i1 to i32
    %cond3A_295 = arith.constant 0 : i32
    %cond3A_296 = arith.cmpi ne, %convert_element_type3A_294, %cond3A_295 : i32
    scf.if %cond3A_296 {
      %add3A_678 = arith.constant 112 : i32
      %add3A_679 = arith.addi %mul3A_2, %add3A_678 : i32
      %dma_start3A_680 = arith.constant 1 : i32
      %dma_start3A_681 = arith.constant 0 : i32
      %dma_start3A_682 = arith.constant 0 : i32
      %dma_start3A_683 = tpu.memref_slice %arg9[%arg1, %dma_start3A_680, %dma_start3A_681, %dma_start3A_682] : memref<16x3x16x2048xf32, #tpu.memory_space<vmem_shared>> -> memref<1x1x16x2048xf32, #tpu.memory_space<vmem_shared>>
      %dma_start3A_684 = tpu.memref_squeeze %dma_start3A_683 : memref<1x1x16x2048xf32, #tpu.memory_space<vmem_shared>> -> memref<16x2048xf32, #tpu.memory_space<vmem_shared>>
      %dma_start3A_685 = arith.constant 0 : i32
      %dma_start3A_686 = tpu.memref_slice %arg3[%add3A_679, %dma_start3A_685] : memref<8192x2048xf32, #tpu.memory_space<hbm>> -> memref<16x2048xf32, #tpu.memory_space<hbm>>
      tpu.enqueue_dma source(%dma_start3A_686 : memref<16x2048xf32, #tpu.memory_space<hbm>>) target(%dma_start3A_684 : memref<16x2048xf32, #tpu.memory_space<vmem_shared>>) target_semaphore(%arg11 : memref<!tpu.dma_semaphore, #tpu.memory_space<semaphore_mem>>)
    } else {
    }
    %convert_element_type3A_297 = arith.extui %reduce_or3A_43 : i1 to i32
    %cond3A_298 = arith.constant 0 : i32
    %cond3A_299 = arith.cmpi ne, %convert_element_type3A_297, %cond3A_298 : i32
    scf.if %cond3A_299 {
      %add3A_678 = arith.constant 112 : i32
      %add3A_679 = arith.addi %mul3A_2, %add3A_678 : i32
      %dma_start3A_680 = arith.constant 1 : i32
      %dma_start3A_681 = arith.constant 0 : i32
      %dma_start3A_682 = arith.constant 0 : i32
      %dma_start3A_683 = tpu.memref_slice %arg9[%arg1, %dma_start3A_680, %dma_start3A_681, %dma_start3A_682] : memref<16x3x16x2048xf32, #tpu.memory_space<vmem_shared>> -> memref<1x1x16x2048xf32, #tpu.memory_space<vmem_shared>>
      %dma_start3A_684 = tpu.memref_squeeze %dma_start3A_683 : memref<1x1x16x2048xf32, #tpu.memory_space<vmem_shared>> -> memref<16x2048xf32, #tpu.memory_space<vmem_shared>>
      %dma_start3A_685 = arith.constant 0 : i32
      %dma_start3A_686 = tpu.memref_slice %arg4[%add3A_679, %dma_start3A_685] : memref<8192x2048xf32, #tpu.memory_space<hbm>> -> memref<16x2048xf32, #tpu.memory_space<hbm>>
      tpu.enqueue_dma source(%dma_start3A_686 : memref<16x2048xf32, #tpu.memory_space<hbm>>) target(%dma_start3A_684 : memref<16x2048xf32, #tpu.memory_space<vmem_shared>>) target_semaphore(%arg11 : memref<!tpu.dma_semaphore, #tpu.memory_space<semaphore_mem>>)
    } else {
    }
    %convert_element_type3A_300 = arith.extui %reduce_or3A_57 : i1 to i32
    %cond3A_301 = arith.constant 0 : i32
    %cond3A_302 = arith.cmpi ne, %convert_element_type3A_300, %cond3A_301 : i32
    scf.if %cond3A_302 {
      %add3A_678 = arith.constant 112 : i32
      %add3A_679 = arith.addi %mul3A_2, %add3A_678 : i32
      %dma_start3A_680 = arith.constant 1 : i32
      %dma_start3A_681 = arith.constant 0 : i32
      %dma_start3A_682 = arith.constant 0 : i32
      %dma_start3A_683 = tpu.memref_slice %arg9[%arg1, %dma_start3A_680, %dma_start3A_681, %dma_start3A_682] : memref<16x3x16x2048xf32, #tpu.memory_space<vmem_shared>> -> memref<1x1x16x2048xf32, #tpu.memory_space<vmem_shared>>
      %dma_start3A_684 = tpu.memref_squeeze %dma_start3A_683 : memref<1x1x16x2048xf32, #tpu.memory_space<vmem_shared>> -> memref<16x2048xf32, #tpu.memory_space<vmem_shared>>
      %dma_start3A_685 = arith.constant 0 : i32
      %dma_start3A_686 = tpu.memref_slice %arg5[%add3A_679, %dma_start3A_685] : memref<8192x2048xf32, #tpu.memory_space<hbm>> -> memref<16x2048xf32, #tpu.memory_space<hbm>>
      tpu.enqueue_dma source(%dma_start3A_686 : memref<16x2048xf32, #tpu.memory_space<hbm>>) target(%dma_start3A_684 : memref<16x2048xf32, #tpu.memory_space<vmem_shared>>) target_semaphore(%arg11 : memref<!tpu.dma_semaphore, #tpu.memory_space<semaphore_mem>>)
    } else {
    }
    %add3A_303 = arith.constant 96 : i32
    %add3A_304 = arith.addi %mul3A_2, %add3A_303 : i32
    %dma_wait3A_305 = arith.constant 0 : i32
    %dma_wait3A_306 = arith.constant 0 : i32
    %dma_wait3A_307 = arith.constant 0 : i32
    %dma_wait3A_308 = tpu.memref_slice %arg9[%arg1, %dma_wait3A_305, %dma_wait3A_306, %dma_wait3A_307] : memref<16x3x16x2048xf32, #tpu.memory_space<vmem_shared>> -> memref<1x1x16x2048xf32, #tpu.memory_space<vmem_shared>>
    %dma_wait3A_309 = tpu.memref_squeeze %dma_wait3A_308 : memref<1x1x16x2048xf32, #tpu.memory_space<vmem_shared>> -> memref<16x2048xf32, #tpu.memory_space<vmem_shared>>
    %dma_wait3A_310 = arith.constant 0 : i32
    %dma_wait3A_311 = tpu.memref_slice %arg2[%add3A_304, %dma_wait3A_310] : memref<8192x2048xf32, #tpu.memory_space<hbm>> -> memref<16x2048xf32, #tpu.memory_space<hbm>>
    tpu.wait_dma2 semaphore(%arg10 : memref<!tpu.dma_semaphore, #tpu.memory_space<semaphore_mem>>) src(%dma_wait3A_311 : memref<16x2048xf32, #tpu.memory_space<hbm>>) dst(%dma_wait3A_309 : memref<16x2048xf32, #tpu.memory_space<vmem_shared>>)
    %add3A_312 = arith.constant 96 : i32
    %add3A_313 = arith.addi %mul3A_2, %add3A_312 : i32
    %dma_start3A_314 = arith.constant 0 : i32
    %dma_start3A_315 = arith.constant 0 : i32
    %dma_start3A_316 = tpu.memref_slice %arg7[%add3A_313, %dma_start3A_315] : memref<8192x2048xf32, #tpu.memory_space<hbm>> -> memref<16x2048xf32, #tpu.memory_space<hbm>>
    %dma_start3A_317 = arith.constant 0 : i32
    %dma_start3A_318 = arith.constant 0 : i32
    %dma_start3A_319 = tpu.memref_slice %arg9[%arg1, %dma_start3A_314, %dma_start3A_317, %dma_start3A_318] : memref<16x3x16x2048xf32, #tpu.memory_space<vmem_shared>> -> memref<1x1x16x2048xf32, #tpu.memory_space<vmem_shared>>
    %dma_start3A_320 = tpu.memref_squeeze %dma_start3A_319 : memref<1x1x16x2048xf32, #tpu.memory_space<vmem_shared>> -> memref<16x2048xf32, #tpu.memory_space<vmem_shared>>
    tpu.enqueue_dma source(%dma_start3A_320 : memref<16x2048xf32, #tpu.memory_space<vmem_shared>>) target(%dma_start3A_316 : memref<16x2048xf32, #tpu.memory_space<hbm>>) target_semaphore(%arg13 : memref<!tpu.dma_semaphore, #tpu.memory_space<semaphore_mem>>)
    %add3A_321 = arith.constant 80 : i32
    %add3A_322 = arith.addi %mul3A_2, %add3A_321 : i32
    %dma_wait3A_323 = arith.constant 2 : i32
    %dma_wait3A_324 = arith.constant 0 : i32
    %dma_wait3A_325 = tpu.memref_slice %arg7[%add3A_322, %dma_wait3A_324] : memref<8192x2048xf32, #tpu.memory_space<hbm>> -> memref<16x2048xf32, #tpu.memory_space<hbm>>
    %dma_wait3A_326 = arith.constant 0 : i32
    %dma_wait3A_327 = arith.constant 0 : i32
    %dma_wait3A_328 = tpu.memref_slice %arg9[%arg1, %dma_wait3A_323, %dma_wait3A_326, %dma_wait3A_327] : memref<16x3x16x2048xf32, #tpu.memory_space<vmem_shared>> -> memref<1x1x16x2048xf32, #tpu.memory_space<vmem_shared>>
    %dma_wait3A_329 = tpu.memref_squeeze %dma_wait3A_328 : memref<1x1x16x2048xf32, #tpu.memory_space<vmem_shared>> -> memref<16x2048xf32, #tpu.memory_space<vmem_shared>>
    tpu.wait_dma2 semaphore(%arg15 : memref<!tpu.dma_semaphore, #tpu.memory_space<semaphore_mem>>) src(%dma_wait3A_329 : memref<16x2048xf32, #tpu.memory_space<vmem_shared>>) dst(%dma_wait3A_325 : memref<16x2048xf32, #tpu.memory_space<hbm>>)
    %convert_element_type3A_330 = arith.extui %reduce_or3A_15 : i1 to i32
    %cond3A_331 = arith.constant 0 : i32
    %cond3A_332 = arith.cmpi ne, %convert_element_type3A_330, %cond3A_331 : i32
    scf.if %cond3A_332 {
      %add3A_678 = arith.constant 128 : i32
      %add3A_679 = arith.addi %mul3A_2, %add3A_678 : i32
      %dma_start3A_680 = arith.constant 2 : i32
      %dma_start3A_681 = arith.constant 0 : i32
      %dma_start3A_682 = arith.constant 0 : i32
      %dma_start3A_683 = tpu.memref_slice %arg9[%arg1, %dma_start3A_680, %dma_start3A_681, %dma_start3A_682] : memref<16x3x16x2048xf32, #tpu.memory_space<vmem_shared>> -> memref<1x1x16x2048xf32, #tpu.memory_space<vmem_shared>>
      %dma_start3A_684 = tpu.memref_squeeze %dma_start3A_683 : memref<1x1x16x2048xf32, #tpu.memory_space<vmem_shared>> -> memref<16x2048xf32, #tpu.memory_space<vmem_shared>>
      %dma_start3A_685 = arith.constant 0 : i32
      %dma_start3A_686 = tpu.memref_slice %arg2[%add3A_679, %dma_start3A_685] : memref<8192x2048xf32, #tpu.memory_space<hbm>> -> memref<16x2048xf32, #tpu.memory_space<hbm>>
      tpu.enqueue_dma source(%dma_start3A_686 : memref<16x2048xf32, #tpu.memory_space<hbm>>) target(%dma_start3A_684 : memref<16x2048xf32, #tpu.memory_space<vmem_shared>>) target_semaphore(%arg12 : memref<!tpu.dma_semaphore, #tpu.memory_space<semaphore_mem>>)
    } else {
    }
    %convert_element_type3A_333 = arith.extui %reduce_or3A_29 : i1 to i32
    %cond3A_334 = arith.constant 0 : i32
    %cond3A_335 = arith.cmpi ne, %convert_element_type3A_333, %cond3A_334 : i32
    scf.if %cond3A_335 {
      %add3A_678 = arith.constant 128 : i32
      %add3A_679 = arith.addi %mul3A_2, %add3A_678 : i32
      %dma_start3A_680 = arith.constant 2 : i32
      %dma_start3A_681 = arith.constant 0 : i32
      %dma_start3A_682 = arith.constant 0 : i32
      %dma_start3A_683 = tpu.memref_slice %arg9[%arg1, %dma_start3A_680, %dma_start3A_681, %dma_start3A_682] : memref<16x3x16x2048xf32, #tpu.memory_space<vmem_shared>> -> memref<1x1x16x2048xf32, #tpu.memory_space<vmem_shared>>
      %dma_start3A_684 = tpu.memref_squeeze %dma_start3A_683 : memref<1x1x16x2048xf32, #tpu.memory_space<vmem_shared>> -> memref<16x2048xf32, #tpu.memory_space<vmem_shared>>
      %dma_start3A_685 = arith.constant 0 : i32
      %dma_start3A_686 = tpu.memref_slice %arg3[%add3A_679, %dma_start3A_685] : memref<8192x2048xf32, #tpu.memory_space<hbm>> -> memref<16x2048xf32, #tpu.memory_space<hbm>>
      tpu.enqueue_dma source(%dma_start3A_686 : memref<16x2048xf32, #tpu.memory_space<hbm>>) target(%dma_start3A_684 : memref<16x2048xf32, #tpu.memory_space<vmem_shared>>) target_semaphore(%arg12 : memref<!tpu.dma_semaphore, #tpu.memory_space<semaphore_mem>>)
    } else {
    }
    %convert_element_type3A_336 = arith.extui %reduce_or3A_43 : i1 to i32
    %cond3A_337 = arith.constant 0 : i32
    %cond3A_338 = arith.cmpi ne, %convert_element_type3A_336, %cond3A_337 : i32
    scf.if %cond3A_338 {
      %add3A_678 = arith.constant 128 : i32
      %add3A_679 = arith.addi %mul3A_2, %add3A_678 : i32
      %dma_start3A_680 = arith.constant 2 : i32
      %dma_start3A_681 = arith.constant 0 : i32
      %dma_start3A_682 = arith.constant 0 : i32
      %dma_start3A_683 = tpu.memref_slice %arg9[%arg1, %dma_start3A_680, %dma_start3A_681, %dma_start3A_682] : memref<16x3x16x2048xf32, #tpu.memory_space<vmem_shared>> -> memref<1x1x16x2048xf32, #tpu.memory_space<vmem_shared>>
      %dma_start3A_684 = tpu.memref_squeeze %dma_start3A_683 : memref<1x1x16x2048xf32, #tpu.memory_space<vmem_shared>> -> memref<16x2048xf32, #tpu.memory_space<vmem_shared>>
      %dma_start3A_685 = arith.constant 0 : i32
      %dma_start3A_686 = tpu.memref_slice %arg4[%add3A_679, %dma_start3A_685] : memref<8192x2048xf32, #tpu.memory_space<hbm>> -> memref<16x2048xf32, #tpu.memory_space<hbm>>
      tpu.enqueue_dma source(%dma_start3A_686 : memref<16x2048xf32, #tpu.memory_space<hbm>>) target(%dma_start3A_684 : memref<16x2048xf32, #tpu.memory_space<vmem_shared>>) target_semaphore(%arg12 : memref<!tpu.dma_semaphore, #tpu.memory_space<semaphore_mem>>)
    } else {
    }
    %convert_element_type3A_339 = arith.extui %reduce_or3A_57 : i1 to i32
    %cond3A_340 = arith.constant 0 : i32
    %cond3A_341 = arith.cmpi ne, %convert_element_type3A_339, %cond3A_340 : i32
    scf.if %cond3A_341 {
      %add3A_678 = arith.constant 128 : i32
      %add3A_679 = arith.addi %mul3A_2, %add3A_678 : i32
      %dma_start3A_680 = arith.constant 2 : i32
      %dma_start3A_681 = arith.constant 0 : i32
      %dma_start3A_682 = arith.constant 0 : i32
      %dma_start3A_683 = tpu.memref_slice %arg9[%arg1, %dma_start3A_680, %dma_start3A_681, %dma_start3A_682] : memref<16x3x16x2048xf32, #tpu.memory_space<vmem_shared>> -> memref<1x1x16x2048xf32, #tpu.memory_space<vmem_shared>>
      %dma_start3A_684 = tpu.memref_squeeze %dma_start3A_683 : memref<1x1x16x2048xf32, #tpu.memory_space<vmem_shared>> -> memref<16x2048xf32, #tpu.memory_space<vmem_shared>>
      %dma_start3A_685 = arith.constant 0 : i32
      %dma_start3A_686 = tpu.memref_slice %arg5[%add3A_679, %dma_start3A_685] : memref<8192x2048xf32, #tpu.memory_space<hbm>> -> memref<16x2048xf32, #tpu.memory_space<hbm>>
      tpu.enqueue_dma source(%dma_start3A_686 : memref<16x2048xf32, #tpu.memory_space<hbm>>) target(%dma_start3A_684 : memref<16x2048xf32, #tpu.memory_space<vmem_shared>>) target_semaphore(%arg12 : memref<!tpu.dma_semaphore, #tpu.memory_space<semaphore_mem>>)
    } else {
    }
    %add3A_342 = arith.constant 112 : i32
    %add3A_343 = arith.addi %mul3A_2, %add3A_342 : i32
    %dma_wait3A_344 = arith.constant 1 : i32
    %dma_wait3A_345 = arith.constant 0 : i32
    %dma_wait3A_346 = arith.constant 0 : i32
    %dma_wait3A_347 = tpu.memref_slice %arg9[%arg1, %dma_wait3A_344, %dma_wait3A_345, %dma_wait3A_346] : memref<16x3x16x2048xf32, #tpu.memory_space<vmem_shared>> -> memref<1x1x16x2048xf32, #tpu.memory_space<vmem_shared>>
    %dma_wait3A_348 = tpu.memref_squeeze %dma_wait3A_347 : memref<1x1x16x2048xf32, #tpu.memory_space<vmem_shared>> -> memref<16x2048xf32, #tpu.memory_space<vmem_shared>>
    %dma_wait3A_349 = arith.constant 0 : i32
    %dma_wait3A_350 = tpu.memref_slice %arg2[%add3A_343, %dma_wait3A_349] : memref<8192x2048xf32, #tpu.memory_space<hbm>> -> memref<16x2048xf32, #tpu.memory_space<hbm>>
    tpu.wait_dma2 semaphore(%arg11 : memref<!tpu.dma_semaphore, #tpu.memory_space<semaphore_mem>>) src(%dma_wait3A_350 : memref<16x2048xf32, #tpu.memory_space<hbm>>) dst(%dma_wait3A_348 : memref<16x2048xf32, #tpu.memory_space<vmem_shared>>)
    %add3A_351 = arith.constant 112 : i32
    %add3A_352 = arith.addi %mul3A_2, %add3A_351 : i32
    %dma_start3A_353 = arith.constant 1 : i32
    %dma_start3A_354 = arith.constant 0 : i32
    %dma_start3A_355 = tpu.memref_slice %arg7[%add3A_352, %dma_start3A_354] : memref<8192x2048xf32, #tpu.memory_space<hbm>> -> memref<16x2048xf32, #tpu.memory_space<hbm>>
    %dma_start3A_356 = arith.constant 0 : i32
    %dma_start3A_357 = arith.constant 0 : i32
    %dma_start3A_358 = tpu.memref_slice %arg9[%arg1, %dma_start3A_353, %dma_start3A_356, %dma_start3A_357] : memref<16x3x16x2048xf32, #tpu.memory_space<vmem_shared>> -> memref<1x1x16x2048xf32, #tpu.memory_space<vmem_shared>>
    %dma_start3A_359 = tpu.memref_squeeze %dma_start3A_358 : memref<1x1x16x2048xf32, #tpu.memory_space<vmem_shared>> -> memref<16x2048xf32, #tpu.memory_space<vmem_shared>>
    tpu.enqueue_dma source(%dma_start3A_359 : memref<16x2048xf32, #tpu.memory_space<vmem_shared>>) target(%dma_start3A_355 : memref<16x2048xf32, #tpu.memory_space<hbm>>) target_semaphore(%arg14 : memref<!tpu.dma_semaphore, #tpu.memory_space<semaphore_mem>>)
    %add3A_360 = arith.constant 96 : i32
    %add3A_361 = arith.addi %mul3A_2, %add3A_360 : i32
    %dma_wait3A_362 = arith.constant 0 : i32
    %dma_wait3A_363 = arith.constant 0 : i32
    %dma_wait3A_364 = tpu.memref_slice %arg7[%add3A_361, %dma_wait3A_363] : memref<8192x2048xf32, #tpu.memory_space<hbm>> -> memref<16x2048xf32, #tpu.memory_space<hbm>>
    %dma_wait3A_365 = arith.constant 0 : i32
    %dma_wait3A_366 = arith.constant 0 : i32
    %dma_wait3A_367 = tpu.memref_slice %arg9[%arg1, %dma_wait3A_362, %dma_wait3A_365, %dma_wait3A_366] : memref<16x3x16x2048xf32, #tpu.memory_space<vmem_shared>> -> memref<1x1x16x2048xf32, #tpu.memory_space<vmem_shared>>
    %dma_wait3A_368 = tpu.memref_squeeze %dma_wait3A_367 : memref<1x1x16x2048xf32, #tpu.memory_space<vmem_shared>> -> memref<16x2048xf32, #tpu.memory_space<vmem_shared>>
    tpu.wait_dma2 semaphore(%arg13 : memref<!tpu.dma_semaphore, #tpu.memory_space<semaphore_mem>>) src(%dma_wait3A_368 : memref<16x2048xf32, #tpu.memory_space<vmem_shared>>) dst(%dma_wait3A_364 : memref<16x2048xf32, #tpu.memory_space<hbm>>)
    %convert_element_type3A_369 = arith.extui %reduce_or3A_15 : i1 to i32
    %cond3A_370 = arith.constant 0 : i32
    %cond3A_371 = arith.cmpi ne, %convert_element_type3A_369, %cond3A_370 : i32
    scf.if %cond3A_371 {
      %add3A_678 = arith.constant 144 : i32
      %add3A_679 = arith.addi %mul3A_2, %add3A_678 : i32
      %dma_start3A_680 = arith.constant 0 : i32
      %dma_start3A_681 = arith.constant 0 : i32
      %dma_start3A_682 = arith.constant 0 : i32
      %dma_start3A_683 = tpu.memref_slice %arg9[%arg1, %dma_start3A_680, %dma_start3A_681, %dma_start3A_682] : memref<16x3x16x2048xf32, #tpu.memory_space<vmem_shared>> -> memref<1x1x16x2048xf32, #tpu.memory_space<vmem_shared>>
      %dma_start3A_684 = tpu.memref_squeeze %dma_start3A_683 : memref<1x1x16x2048xf32, #tpu.memory_space<vmem_shared>> -> memref<16x2048xf32, #tpu.memory_space<vmem_shared>>
      %dma_start3A_685 = arith.constant 0 : i32
      %dma_start3A_686 = tpu.memref_slice %arg2[%add3A_679, %dma_start3A_685] : memref<8192x2048xf32, #tpu.memory_space<hbm>> -> memref<16x2048xf32, #tpu.memory_space<hbm>>
      tpu.enqueue_dma source(%dma_start3A_686 : memref<16x2048xf32, #tpu.memory_space<hbm>>) target(%dma_start3A_684 : memref<16x2048xf32, #tpu.memory_space<vmem_shared>>) target_semaphore(%arg10 : memref<!tpu.dma_semaphore, #tpu.memory_space<semaphore_mem>>)
    } else {
    }
    %convert_element_type3A_372 = arith.extui %reduce_or3A_29 : i1 to i32
    %cond3A_373 = arith.constant 0 : i32
    %cond3A_374 = arith.cmpi ne, %convert_element_type3A_372, %cond3A_373 : i32
    scf.if %cond3A_374 {
      %add3A_678 = arith.constant 144 : i32
      %add3A_679 = arith.addi %mul3A_2, %add3A_678 : i32
      %dma_start3A_680 = arith.constant 0 : i32
      %dma_start3A_681 = arith.constant 0 : i32
      %dma_start3A_682 = arith.constant 0 : i32
      %dma_start3A_683 = tpu.memref_slice %arg9[%arg1, %dma_start3A_680, %dma_start3A_681, %dma_start3A_682] : memref<16x3x16x2048xf32, #tpu.memory_space<vmem_shared>> -> memref<1x1x16x2048xf32, #tpu.memory_space<vmem_shared>>
      %dma_start3A_684 = tpu.memref_squeeze %dma_start3A_683 : memref<1x1x16x2048xf32, #tpu.memory_space<vmem_shared>> -> memref<16x2048xf32, #tpu.memory_space<vmem_shared>>
      %dma_start3A_685 = arith.constant 0 : i32
      %dma_start3A_686 = tpu.memref_slice %arg3[%add3A_679, %dma_start3A_685] : memref<8192x2048xf32, #tpu.memory_space<hbm>> -> memref<16x2048xf32, #tpu.memory_space<hbm>>
      tpu.enqueue_dma source(%dma_start3A_686 : memref<16x2048xf32, #tpu.memory_space<hbm>>) target(%dma_start3A_684 : memref<16x2048xf32, #tpu.memory_space<vmem_shared>>) target_semaphore(%arg10 : memref<!tpu.dma_semaphore, #tpu.memory_space<semaphore_mem>>)
    } else {
    }
    %convert_element_type3A_375 = arith.extui %reduce_or3A_43 : i1 to i32
    %cond3A_376 = arith.constant 0 : i32
    %cond3A_377 = arith.cmpi ne, %convert_element_type3A_375, %cond3A_376 : i32
    scf.if %cond3A_377 {
      %add3A_678 = arith.constant 144 : i32
      %add3A_679 = arith.addi %mul3A_2, %add3A_678 : i32
      %dma_start3A_680 = arith.constant 0 : i32
      %dma_start3A_681 = arith.constant 0 : i32
      %dma_start3A_682 = arith.constant 0 : i32
      %dma_start3A_683 = tpu.memref_slice %arg9[%arg1, %dma_start3A_680, %dma_start3A_681, %dma_start3A_682] : memref<16x3x16x2048xf32, #tpu.memory_space<vmem_shared>> -> memref<1x1x16x2048xf32, #tpu.memory_space<vmem_shared>>
      %dma_start3A_684 = tpu.memref_squeeze %dma_start3A_683 : memref<1x1x16x2048xf32, #tpu.memory_space<vmem_shared>> -> memref<16x2048xf32, #tpu.memory_space<vmem_shared>>
      %dma_start3A_685 = arith.constant 0 : i32
      %dma_start3A_686 = tpu.memref_slice %arg4[%add3A_679, %dma_start3A_685] : memref<8192x2048xf32, #tpu.memory_space<hbm>> -> memref<16x2048xf32, #tpu.memory_space<hbm>>
      tpu.enqueue_dma source(%dma_start3A_686 : memref<16x2048xf32, #tpu.memory_space<hbm>>) target(%dma_start3A_684 : memref<16x2048xf32, #tpu.memory_space<vmem_shared>>) target_semaphore(%arg10 : memref<!tpu.dma_semaphore, #tpu.memory_space<semaphore_mem>>)
    } else {
    }
    %convert_element_type3A_378 = arith.extui %reduce_or3A_57 : i1 to i32
    %cond3A_379 = arith.constant 0 : i32
    %cond3A_380 = arith.cmpi ne, %convert_element_type3A_378, %cond3A_379 : i32
    scf.if %cond3A_380 {
      %add3A_678 = arith.constant 144 : i32
      %add3A_679 = arith.addi %mul3A_2, %add3A_678 : i32
      %dma_start3A_680 = arith.constant 0 : i32
      %dma_start3A_681 = arith.constant 0 : i32
      %dma_start3A_682 = arith.constant 0 : i32
      %dma_start3A_683 = tpu.memref_slice %arg9[%arg1, %dma_start3A_680, %dma_start3A_681, %dma_start3A_682] : memref<16x3x16x2048xf32, #tpu.memory_space<vmem_shared>> -> memref<1x1x16x2048xf32, #tpu.memory_space<vmem_shared>>
      %dma_start3A_684 = tpu.memref_squeeze %dma_start3A_683 : memref<1x1x16x2048xf32, #tpu.memory_space<vmem_shared>> -> memref<16x2048xf32, #tpu.memory_space<vmem_shared>>
      %dma_start3A_685 = arith.constant 0 : i32
      %dma_start3A_686 = tpu.memref_slice %arg5[%add3A_679, %dma_start3A_685] : memref<8192x2048xf32, #tpu.memory_space<hbm>> -> memref<16x2048xf32, #tpu.memory_space<hbm>>
      tpu.enqueue_dma source(%dma_start3A_686 : memref<16x2048xf32, #tpu.memory_space<hbm>>) target(%dma_start3A_684 : memref<16x2048xf32, #tpu.memory_space<vmem_shared>>) target_semaphore(%arg10 : memref<!tpu.dma_semaphore, #tpu.memory_space<semaphore_mem>>)
    } else {
    }
    %add3A_381 = arith.constant 128 : i32
    %add3A_382 = arith.addi %mul3A_2, %add3A_381 : i32
    %dma_wait3A_383 = arith.constant 2 : i32
    %dma_wait3A_384 = arith.constant 0 : i32
    %dma_wait3A_385 = arith.constant 0 : i32
    %dma_wait3A_386 = tpu.memref_slice %arg9[%arg1, %dma_wait3A_383, %dma_wait3A_384, %dma_wait3A_385] : memref<16x3x16x2048xf32, #tpu.memory_space<vmem_shared>> -> memref<1x1x16x2048xf32, #tpu.memory_space<vmem_shared>>
    %dma_wait3A_387 = tpu.memref_squeeze %dma_wait3A_386 : memref<1x1x16x2048xf32, #tpu.memory_space<vmem_shared>> -> memref<16x2048xf32, #tpu.memory_space<vmem_shared>>
    %dma_wait3A_388 = arith.constant 0 : i32
    %dma_wait3A_389 = tpu.memref_slice %arg2[%add3A_382, %dma_wait3A_388] : memref<8192x2048xf32, #tpu.memory_space<hbm>> -> memref<16x2048xf32, #tpu.memory_space<hbm>>
    tpu.wait_dma2 semaphore(%arg12 : memref<!tpu.dma_semaphore, #tpu.memory_space<semaphore_mem>>) src(%dma_wait3A_389 : memref<16x2048xf32, #tpu.memory_space<hbm>>) dst(%dma_wait3A_387 : memref<16x2048xf32, #tpu.memory_space<vmem_shared>>)
    %add3A_390 = arith.constant 128 : i32
    %add3A_391 = arith.addi %mul3A_2, %add3A_390 : i32
    %dma_start3A_392 = arith.constant 2 : i32
    %dma_start3A_393 = arith.constant 0 : i32
    %dma_start3A_394 = tpu.memref_slice %arg7[%add3A_391, %dma_start3A_393] : memref<8192x2048xf32, #tpu.memory_space<hbm>> -> memref<16x2048xf32, #tpu.memory_space<hbm>>
    %dma_start3A_395 = arith.constant 0 : i32
    %dma_start3A_396 = arith.constant 0 : i32
    %dma_start3A_397 = tpu.memref_slice %arg9[%arg1, %dma_start3A_392, %dma_start3A_395, %dma_start3A_396] : memref<16x3x16x2048xf32, #tpu.memory_space<vmem_shared>> -> memref<1x1x16x2048xf32, #tpu.memory_space<vmem_shared>>
    %dma_start3A_398 = tpu.memref_squeeze %dma_start3A_397 : memref<1x1x16x2048xf32, #tpu.memory_space<vmem_shared>> -> memref<16x2048xf32, #tpu.memory_space<vmem_shared>>
    tpu.enqueue_dma source(%dma_start3A_398 : memref<16x2048xf32, #tpu.memory_space<vmem_shared>>) target(%dma_start3A_394 : memref<16x2048xf32, #tpu.memory_space<hbm>>) target_semaphore(%arg15 : memref<!tpu.dma_semaphore, #tpu.memory_space<semaphore_mem>>)
    %add3A_399 = arith.constant 112 : i32
    %add3A_400 = arith.addi %mul3A_2, %add3A_399 : i32
    %dma_wait3A_401 = arith.constant 1 : i32
    %dma_wait3A_402 = arith.constant 0 : i32
    %dma_wait3A_403 = tpu.memref_slice %arg7[%add3A_400, %dma_wait3A_402] : memref<8192x2048xf32, #tpu.memory_space<hbm>> -> memref<16x2048xf32, #tpu.memory_space<hbm>>
    %dma_wait3A_404 = arith.constant 0 : i32
    %dma_wait3A_405 = arith.constant 0 : i32
    %dma_wait3A_406 = tpu.memref_slice %arg9[%arg1, %dma_wait3A_401, %dma_wait3A_404, %dma_wait3A_405] : memref<16x3x16x2048xf32, #tpu.memory_space<vmem_shared>> -> memref<1x1x16x2048xf32, #tpu.memory_space<vmem_shared>>
    %dma_wait3A_407 = tpu.memref_squeeze %dma_wait3A_406 : memref<1x1x16x2048xf32, #tpu.memory_space<vmem_shared>> -> memref<16x2048xf32, #tpu.memory_space<vmem_shared>>
    tpu.wait_dma2 semaphore(%arg14 : memref<!tpu.dma_semaphore, #tpu.memory_space<semaphore_mem>>) src(%dma_wait3A_407 : memref<16x2048xf32, #tpu.memory_space<vmem_shared>>) dst(%dma_wait3A_403 : memref<16x2048xf32, #tpu.memory_space<hbm>>)
    %convert_element_type3A_408 = arith.extui %reduce_or3A_15 : i1 to i32
    %cond3A_409 = arith.constant 0 : i32
    %cond3A_410 = arith.cmpi ne, %convert_element_type3A_408, %cond3A_409 : i32
    scf.if %cond3A_410 {
      %add3A_678 = arith.constant 160 : i32
      %add3A_679 = arith.addi %mul3A_2, %add3A_678 : i32
      %dma_start3A_680 = arith.constant 1 : i32
      %dma_start3A_681 = arith.constant 0 : i32
      %dma_start3A_682 = arith.constant 0 : i32
      %dma_start3A_683 = tpu.memref_slice %arg9[%arg1, %dma_start3A_680, %dma_start3A_681, %dma_start3A_682] : memref<16x3x16x2048xf32, #tpu.memory_space<vmem_shared>> -> memref<1x1x16x2048xf32, #tpu.memory_space<vmem_shared>>
      %dma_start3A_684 = tpu.memref_squeeze %dma_start3A_683 : memref<1x1x16x2048xf32, #tpu.memory_space<vmem_shared>> -> memref<16x2048xf32, #tpu.memory_space<vmem_shared>>
      %dma_start3A_685 = arith.constant 0 : i32
      %dma_start3A_686 = tpu.memref_slice %arg2[%add3A_679, %dma_start3A_685] : memref<8192x2048xf32, #tpu.memory_space<hbm>> -> memref<16x2048xf32, #tpu.memory_space<hbm>>
      tpu.enqueue_dma source(%dma_start3A_686 : memref<16x2048xf32, #tpu.memory_space<hbm>>) target(%dma_start3A_684 : memref<16x2048xf32, #tpu.memory_space<vmem_shared>>) target_semaphore(%arg11 : memref<!tpu.dma_semaphore, #tpu.memory_space<semaphore_mem>>)
    } else {
    }
    %convert_element_type3A_411 = arith.extui %reduce_or3A_29 : i1 to i32
    %cond3A_412 = arith.constant 0 : i32
    %cond3A_413 = arith.cmpi ne, %convert_element_type3A_411, %cond3A_412 : i32
    scf.if %cond3A_413 {
      %add3A_678 = arith.constant 160 : i32
      %add3A_679 = arith.addi %mul3A_2, %add3A_678 : i32
      %dma_start3A_680 = arith.constant 1 : i32
      %dma_start3A_681 = arith.constant 0 : i32
      %dma_start3A_682 = arith.constant 0 : i32
      %dma_start3A_683 = tpu.memref_slice %arg9[%arg1, %dma_start3A_680, %dma_start3A_681, %dma_start3A_682] : memref<16x3x16x2048xf32, #tpu.memory_space<vmem_shared>> -> memref<1x1x16x2048xf32, #tpu.memory_space<vmem_shared>>
      %dma_start3A_684 = tpu.memref_squeeze %dma_start3A_683 : memref<1x1x16x2048xf32, #tpu.memory_space<vmem_shared>> -> memref<16x2048xf32, #tpu.memory_space<vmem_shared>>
      %dma_start3A_685 = arith.constant 0 : i32
      %dma_start3A_686 = tpu.memref_slice %arg3[%add3A_679, %dma_start3A_685] : memref<8192x2048xf32, #tpu.memory_space<hbm>> -> memref<16x2048xf32, #tpu.memory_space<hbm>>
      tpu.enqueue_dma source(%dma_start3A_686 : memref<16x2048xf32, #tpu.memory_space<hbm>>) target(%dma_start3A_684 : memref<16x2048xf32, #tpu.memory_space<vmem_shared>>) target_semaphore(%arg11 : memref<!tpu.dma_semaphore, #tpu.memory_space<semaphore_mem>>)
    } else {
    }
    %convert_element_type3A_414 = arith.extui %reduce_or3A_43 : i1 to i32
    %cond3A_415 = arith.constant 0 : i32
    %cond3A_416 = arith.cmpi ne, %convert_element_type3A_414, %cond3A_415 : i32
    scf.if %cond3A_416 {
      %add3A_678 = arith.constant 160 : i32
      %add3A_679 = arith.addi %mul3A_2, %add3A_678 : i32
      %dma_start3A_680 = arith.constant 1 : i32
      %dma_start3A_681 = arith.constant 0 : i32
      %dma_start3A_682 = arith.constant 0 : i32
      %dma_start3A_683 = tpu.memref_slice %arg9[%arg1, %dma_start3A_680, %dma_start3A_681, %dma_start3A_682] : memref<16x3x16x2048xf32, #tpu.memory_space<vmem_shared>> -> memref<1x1x16x2048xf32, #tpu.memory_space<vmem_shared>>
      %dma_start3A_684 = tpu.memref_squeeze %dma_start3A_683 : memref<1x1x16x2048xf32, #tpu.memory_space<vmem_shared>> -> memref<16x2048xf32, #tpu.memory_space<vmem_shared>>
      %dma_start3A_685 = arith.constant 0 : i32
      %dma_start3A_686 = tpu.memref_slice %arg4[%add3A_679, %dma_start3A_685] : memref<8192x2048xf32, #tpu.memory_space<hbm>> -> memref<16x2048xf32, #tpu.memory_space<hbm>>
      tpu.enqueue_dma source(%dma_start3A_686 : memref<16x2048xf32, #tpu.memory_space<hbm>>) target(%dma_start3A_684 : memref<16x2048xf32, #tpu.memory_space<vmem_shared>>) target_semaphore(%arg11 : memref<!tpu.dma_semaphore, #tpu.memory_space<semaphore_mem>>)
    } else {
    }
    %convert_element_type3A_417 = arith.extui %reduce_or3A_57 : i1 to i32
    %cond3A_418 = arith.constant 0 : i32
    %cond3A_419 = arith.cmpi ne, %convert_element_type3A_417, %cond3A_418 : i32
    scf.if %cond3A_419 {
      %add3A_678 = arith.constant 160 : i32
      %add3A_679 = arith.addi %mul3A_2, %add3A_678 : i32
      %dma_start3A_680 = arith.constant 1 : i32
      %dma_start3A_681 = arith.constant 0 : i32
      %dma_start3A_682 = arith.constant 0 : i32
      %dma_start3A_683 = tpu.memref_slice %arg9[%arg1, %dma_start3A_680, %dma_start3A_681, %dma_start3A_682] : memref<16x3x16x2048xf32, #tpu.memory_space<vmem_shared>> -> memref<1x1x16x2048xf32, #tpu.memory_space<vmem_shared>>
      %dma_start3A_684 = tpu.memref_squeeze %dma_start3A_683 : memref<1x1x16x2048xf32, #tpu.memory_space<vmem_shared>> -> memref<16x2048xf32, #tpu.memory_space<vmem_shared>>
      %dma_start3A_685 = arith.constant 0 : i32
      %dma_start3A_686 = tpu.memref_slice %arg5[%add3A_679, %dma_start3A_685] : memref<8192x2048xf32, #tpu.memory_space<hbm>> -> memref<16x2048xf32, #tpu.memory_space<hbm>>
      tpu.enqueue_dma source(%dma_start3A_686 : memref<16x2048xf32, #tpu.memory_space<hbm>>) target(%dma_start3A_684 : memref<16x2048xf32, #tpu.memory_space<vmem_shared>>) target_semaphore(%arg11 : memref<!tpu.dma_semaphore, #tpu.memory_space<semaphore_mem>>)
    } else {
    }
    %add3A_420 = arith.constant 144 : i32
    %add3A_421 = arith.addi %mul3A_2, %add3A_420 : i32
    %dma_wait3A_422 = arith.constant 0 : i32
    %dma_wait3A_423 = arith.constant 0 : i32
    %dma_wait3A_424 = arith.constant 0 : i32
    %dma_wait3A_425 = tpu.memref_slice %arg9[%arg1, %dma_wait3A_422, %dma_wait3A_423, %dma_wait3A_424] : memref<16x3x16x2048xf32, #tpu.memory_space<vmem_shared>> -> memref<1x1x16x2048xf32, #tpu.memory_space<vmem_shared>>
    %dma_wait3A_426 = tpu.memref_squeeze %dma_wait3A_425 : memref<1x1x16x2048xf32, #tpu.memory_space<vmem_shared>> -> memref<16x2048xf32, #tpu.memory_space<vmem_shared>>
    %dma_wait3A_427 = arith.constant 0 : i32
    %dma_wait3A_428 = tpu.memref_slice %arg2[%add3A_421, %dma_wait3A_427] : memref<8192x2048xf32, #tpu.memory_space<hbm>> -> memref<16x2048xf32, #tpu.memory_space<hbm>>
    tpu.wait_dma2 semaphore(%arg10 : memref<!tpu.dma_semaphore, #tpu.memory_space<semaphore_mem>>) src(%dma_wait3A_428 : memref<16x2048xf32, #tpu.memory_space<hbm>>) dst(%dma_wait3A_426 : memref<16x2048xf32, #tpu.memory_space<vmem_shared>>)
    %add3A_429 = arith.constant 144 : i32
    %add3A_430 = arith.addi %mul3A_2, %add3A_429 : i32
    %dma_start3A_431 = arith.constant 0 : i32
    %dma_start3A_432 = arith.constant 0 : i32
    %dma_start3A_433 = tpu.memref_slice %arg7[%add3A_430, %dma_start3A_432] : memref<8192x2048xf32, #tpu.memory_space<hbm>> -> memref<16x2048xf32, #tpu.memory_space<hbm>>
    %dma_start3A_434 = arith.constant 0 : i32
    %dma_start3A_435 = arith.constant 0 : i32
    %dma_start3A_436 = tpu.memref_slice %arg9[%arg1, %dma_start3A_431, %dma_start3A_434, %dma_start3A_435] : memref<16x3x16x2048xf32, #tpu.memory_space<vmem_shared>> -> memref<1x1x16x2048xf32, #tpu.memory_space<vmem_shared>>
    %dma_start3A_437 = tpu.memref_squeeze %dma_start3A_436 : memref<1x1x16x2048xf32, #tpu.memory_space<vmem_shared>> -> memref<16x2048xf32, #tpu.memory_space<vmem_shared>>
    tpu.enqueue_dma source(%dma_start3A_437 : memref<16x2048xf32, #tpu.memory_space<vmem_shared>>) target(%dma_start3A_433 : memref<16x2048xf32, #tpu.memory_space<hbm>>) target_semaphore(%arg13 : memref<!tpu.dma_semaphore, #tpu.memory_space<semaphore_mem>>)
    %add3A_438 = arith.constant 128 : i32
    %add3A_439 = arith.addi %mul3A_2, %add3A_438 : i32
    %dma_wait3A_440 = arith.constant 2 : i32
    %dma_wait3A_441 = arith.constant 0 : i32
    %dma_wait3A_442 = tpu.memref_slice %arg7[%add3A_439, %dma_wait3A_441] : memref<8192x2048xf32, #tpu.memory_space<hbm>> -> memref<16x2048xf32, #tpu.memory_space<hbm>>
    %dma_wait3A_443 = arith.constant 0 : i32
    %dma_wait3A_444 = arith.constant 0 : i32
    %dma_wait3A_445 = tpu.memref_slice %arg9[%arg1, %dma_wait3A_440, %dma_wait3A_443, %dma_wait3A_444] : memref<16x3x16x2048xf32, #tpu.memory_space<vmem_shared>> -> memref<1x1x16x2048xf32, #tpu.memory_space<vmem_shared>>
    %dma_wait3A_446 = tpu.memref_squeeze %dma_wait3A_445 : memref<1x1x16x2048xf32, #tpu.memory_space<vmem_shared>> -> memref<16x2048xf32, #tpu.memory_space<vmem_shared>>
    tpu.wait_dma2 semaphore(%arg15 : memref<!tpu.dma_semaphore, #tpu.memory_space<semaphore_mem>>) src(%dma_wait3A_446 : memref<16x2048xf32, #tpu.memory_space<vmem_shared>>) dst(%dma_wait3A_442 : memref<16x2048xf32, #tpu.memory_space<hbm>>)
    %convert_element_type3A_447 = arith.extui %reduce_or3A_15 : i1 to i32
    %cond3A_448 = arith.constant 0 : i32
    %cond3A_449 = arith.cmpi ne, %convert_element_type3A_447, %cond3A_448 : i32
    scf.if %cond3A_449 {
      %add3A_678 = arith.constant 176 : i32
      %add3A_679 = arith.addi %mul3A_2, %add3A_678 : i32
      %dma_start3A_680 = arith.constant 2 : i32
      %dma_start3A_681 = arith.constant 0 : i32
      %dma_start3A_682 = arith.constant 0 : i32
      %dma_start3A_683 = tpu.memref_slice %arg9[%arg1, %dma_start3A_680, %dma_start3A_681, %dma_start3A_682] : memref<16x3x16x2048xf32, #tpu.memory_space<vmem_shared>> -> memref<1x1x16x2048xf32, #tpu.memory_space<vmem_shared>>
      %dma_start3A_684 = tpu.memref_squeeze %dma_start3A_683 : memref<1x1x16x2048xf32, #tpu.memory_space<vmem_shared>> -> memref<16x2048xf32, #tpu.memory_space<vmem_shared>>
      %dma_start3A_685 = arith.constant 0 : i32
      %dma_start3A_686 = tpu.memref_slice %arg2[%add3A_679, %dma_start3A_685] : memref<8192x2048xf32, #tpu.memory_space<hbm>> -> memref<16x2048xf32, #tpu.memory_space<hbm>>
      tpu.enqueue_dma source(%dma_start3A_686 : memref<16x2048xf32, #tpu.memory_space<hbm>>) target(%dma_start3A_684 : memref<16x2048xf32, #tpu.memory_space<vmem_shared>>) target_semaphore(%arg12 : memref<!tpu.dma_semaphore, #tpu.memory_space<semaphore_mem>>)
    } else {
    }
    %convert_element_type3A_450 = arith.extui %reduce_or3A_29 : i1 to i32
    %cond3A_451 = arith.constant 0 : i32
    %cond3A_452 = arith.cmpi ne, %convert_element_type3A_450, %cond3A_451 : i32
    scf.if %cond3A_452 {
      %add3A_678 = arith.constant 176 : i32
      %add3A_679 = arith.addi %mul3A_2, %add3A_678 : i32
      %dma_start3A_680 = arith.constant 2 : i32
      %dma_start3A_681 = arith.constant 0 : i32
      %dma_start3A_682 = arith.constant 0 : i32
      %dma_start3A_683 = tpu.memref_slice %arg9[%arg1, %dma_start3A_680, %dma_start3A_681, %dma_start3A_682] : memref<16x3x16x2048xf32, #tpu.memory_space<vmem_shared>> -> memref<1x1x16x2048xf32, #tpu.memory_space<vmem_shared>>
      %dma_start3A_684 = tpu.memref_squeeze %dma_start3A_683 : memref<1x1x16x2048xf32, #tpu.memory_space<vmem_shared>> -> memref<16x2048xf32, #tpu.memory_space<vmem_shared>>
      %dma_start3A_685 = arith.constant 0 : i32
      %dma_start3A_686 = tpu.memref_slice %arg3[%add3A_679, %dma_start3A_685] : memref<8192x2048xf32, #tpu.memory_space<hbm>> -> memref<16x2048xf32, #tpu.memory_space<hbm>>
      tpu.enqueue_dma source(%dma_start3A_686 : memref<16x2048xf32, #tpu.memory_space<hbm>>) target(%dma_start3A_684 : memref<16x2048xf32, #tpu.memory_space<vmem_shared>>) target_semaphore(%arg12 : memref<!tpu.dma_semaphore, #tpu.memory_space<semaphore_mem>>)
    } else {
    }
    %convert_element_type3A_453 = arith.extui %reduce_or3A_43 : i1 to i32
    %cond3A_454 = arith.constant 0 : i32
    %cond3A_455 = arith.cmpi ne, %convert_element_type3A_453, %cond3A_454 : i32
    scf.if %cond3A_455 {
      %add3A_678 = arith.constant 176 : i32
      %add3A_679 = arith.addi %mul3A_2, %add3A_678 : i32
      %dma_start3A_680 = arith.constant 2 : i32
      %dma_start3A_681 = arith.constant 0 : i32
      %dma_start3A_682 = arith.constant 0 : i32
      %dma_start3A_683 = tpu.memref_slice %arg9[%arg1, %dma_start3A_680, %dma_start3A_681, %dma_start3A_682] : memref<16x3x16x2048xf32, #tpu.memory_space<vmem_shared>> -> memref<1x1x16x2048xf32, #tpu.memory_space<vmem_shared>>
      %dma_start3A_684 = tpu.memref_squeeze %dma_start3A_683 : memref<1x1x16x2048xf32, #tpu.memory_space<vmem_shared>> -> memref<16x2048xf32, #tpu.memory_space<vmem_shared>>
      %dma_start3A_685 = arith.constant 0 : i32
      %dma_start3A_686 = tpu.memref_slice %arg4[%add3A_679, %dma_start3A_685] : memref<8192x2048xf32, #tpu.memory_space<hbm>> -> memref<16x2048xf32, #tpu.memory_space<hbm>>
      tpu.enqueue_dma source(%dma_start3A_686 : memref<16x2048xf32, #tpu.memory_space<hbm>>) target(%dma_start3A_684 : memref<16x2048xf32, #tpu.memory_space<vmem_shared>>) target_semaphore(%arg12 : memref<!tpu.dma_semaphore, #tpu.memory_space<semaphore_mem>>)
    } else {
    }
    %convert_element_type3A_456 = arith.extui %reduce_or3A_57 : i1 to i32
    %cond3A_457 = arith.constant 0 : i32
    %cond3A_458 = arith.cmpi ne, %convert_element_type3A_456, %cond3A_457 : i32
    scf.if %cond3A_458 {
      %add3A_678 = arith.constant 176 : i32
      %add3A_679 = arith.addi %mul3A_2, %add3A_678 : i32
      %dma_start3A_680 = arith.constant 2 : i32
      %dma_start3A_681 = arith.constant 0 : i32
      %dma_start3A_682 = arith.constant 0 : i32
      %dma_start3A_683 = tpu.memref_slice %arg9[%arg1, %dma_start3A_680, %dma_start3A_681, %dma_start3A_682] : memref<16x3x16x2048xf32, #tpu.memory_space<vmem_shared>> -> memref<1x1x16x2048xf32, #tpu.memory_space<vmem_shared>>
      %dma_start3A_684 = tpu.memref_squeeze %dma_start3A_683 : memref<1x1x16x2048xf32, #tpu.memory_space<vmem_shared>> -> memref<16x2048xf32, #tpu.memory_space<vmem_shared>>
      %dma_start3A_685 = arith.constant 0 : i32
      %dma_start3A_686 = tpu.memref_slice %arg5[%add3A_679, %dma_start3A_685] : memref<8192x2048xf32, #tpu.memory_space<hbm>> -> memref<16x2048xf32, #tpu.memory_space<hbm>>
      tpu.enqueue_dma source(%dma_start3A_686 : memref<16x2048xf32, #tpu.memory_space<hbm>>) target(%dma_start3A_684 : memref<16x2048xf32, #tpu.memory_space<vmem_shared>>) target_semaphore(%arg12 : memref<!tpu.dma_semaphore, #tpu.memory_space<semaphore_mem>>)
    } else {
    }
    %add3A_459 = arith.constant 160 : i32
    %add3A_460 = arith.addi %mul3A_2, %add3A_459 : i32
    %dma_wait3A_461 = arith.constant 1 : i32
    %dma_wait3A_462 = arith.constant 0 : i32
    %dma_wait3A_463 = arith.constant 0 : i32
    %dma_wait3A_464 = tpu.memref_slice %arg9[%arg1, %dma_wait3A_461, %dma_wait3A_462, %dma_wait3A_463] : memref<16x3x16x2048xf32, #tpu.memory_space<vmem_shared>> -> memref<1x1x16x2048xf32, #tpu.memory_space<vmem_shared>>
    %dma_wait3A_465 = tpu.memref_squeeze %dma_wait3A_464 : memref<1x1x16x2048xf32, #tpu.memory_space<vmem_shared>> -> memref<16x2048xf32, #tpu.memory_space<vmem_shared>>
    %dma_wait3A_466 = arith.constant 0 : i32
    %dma_wait3A_467 = tpu.memref_slice %arg2[%add3A_460, %dma_wait3A_466] : memref<8192x2048xf32, #tpu.memory_space<hbm>> -> memref<16x2048xf32, #tpu.memory_space<hbm>>
    tpu.wait_dma2 semaphore(%arg11 : memref<!tpu.dma_semaphore, #tpu.memory_space<semaphore_mem>>) src(%dma_wait3A_467 : memref<16x2048xf32, #tpu.memory_space<hbm>>) dst(%dma_wait3A_465 : memref<16x2048xf32, #tpu.memory_space<vmem_shared>>)
    %add3A_468 = arith.constant 160 : i32
    %add3A_469 = arith.addi %mul3A_2, %add3A_468 : i32
    %dma_start3A_470 = arith.constant 1 : i32
    %dma_start3A_471 = arith.constant 0 : i32
    %dma_start3A_472 = tpu.memref_slice %arg7[%add3A_469, %dma_start3A_471] : memref<8192x2048xf32, #tpu.memory_space<hbm>> -> memref<16x2048xf32, #tpu.memory_space<hbm>>
    %dma_start3A_473 = arith.constant 0 : i32
    %dma_start3A_474 = arith.constant 0 : i32
    %dma_start3A_475 = tpu.memref_slice %arg9[%arg1, %dma_start3A_470, %dma_start3A_473, %dma_start3A_474] : memref<16x3x16x2048xf32, #tpu.memory_space<vmem_shared>> -> memref<1x1x16x2048xf32, #tpu.memory_space<vmem_shared>>
    %dma_start3A_476 = tpu.memref_squeeze %dma_start3A_475 : memref<1x1x16x2048xf32, #tpu.memory_space<vmem_shared>> -> memref<16x2048xf32, #tpu.memory_space<vmem_shared>>
    tpu.enqueue_dma source(%dma_start3A_476 : memref<16x2048xf32, #tpu.memory_space<vmem_shared>>) target(%dma_start3A_472 : memref<16x2048xf32, #tpu.memory_space<hbm>>) target_semaphore(%arg14 : memref<!tpu.dma_semaphore, #tpu.memory_space<semaphore_mem>>)
    %add3A_477 = arith.constant 144 : i32
    %add3A_478 = arith.addi %mul3A_2, %add3A_477 : i32
    %dma_wait3A_479 = arith.constant 0 : i32
    %dma_wait3A_480 = arith.constant 0 : i32
    %dma_wait3A_481 = tpu.memref_slice %arg7[%add3A_478, %dma_wait3A_480] : memref<8192x2048xf32, #tpu.memory_space<hbm>> -> memref<16x2048xf32, #tpu.memory_space<hbm>>
    %dma_wait3A_482 = arith.constant 0 : i32
    %dma_wait3A_483 = arith.constant 0 : i32
    %dma_wait3A_484 = tpu.memref_slice %arg9[%arg1, %dma_wait3A_479, %dma_wait3A_482, %dma_wait3A_483] : memref<16x3x16x2048xf32, #tpu.memory_space<vmem_shared>> -> memref<1x1x16x2048xf32, #tpu.memory_space<vmem_shared>>
    %dma_wait3A_485 = tpu.memref_squeeze %dma_wait3A_484 : memref<1x1x16x2048xf32, #tpu.memory_space<vmem_shared>> -> memref<16x2048xf32, #tpu.memory_space<vmem_shared>>
    tpu.wait_dma2 semaphore(%arg13 : memref<!tpu.dma_semaphore, #tpu.memory_space<semaphore_mem>>) src(%dma_wait3A_485 : memref<16x2048xf32, #tpu.memory_space<vmem_shared>>) dst(%dma_wait3A_481 : memref<16x2048xf32, #tpu.memory_space<hbm>>)
    %convert_element_type3A_486 = arith.extui %reduce_or3A_15 : i1 to i32
    %cond3A_487 = arith.constant 0 : i32
    %cond3A_488 = arith.cmpi ne, %convert_element_type3A_486, %cond3A_487 : i32
    scf.if %cond3A_488 {
      %add3A_678 = arith.constant 192 : i32
      %add3A_679 = arith.addi %mul3A_2, %add3A_678 : i32
      %dma_start3A_680 = arith.constant 0 : i32
      %dma_start3A_681 = arith.constant 0 : i32
      %dma_start3A_682 = arith.constant 0 : i32
      %dma_start3A_683 = tpu.memref_slice %arg9[%arg1, %dma_start3A_680, %dma_start3A_681, %dma_start3A_682] : memref<16x3x16x2048xf32, #tpu.memory_space<vmem_shared>> -> memref<1x1x16x2048xf32, #tpu.memory_space<vmem_shared>>
      %dma_start3A_684 = tpu.memref_squeeze %dma_start3A_683 : memref<1x1x16x2048xf32, #tpu.memory_space<vmem_shared>> -> memref<16x2048xf32, #tpu.memory_space<vmem_shared>>
      %dma_start3A_685 = arith.constant 0 : i32
      %dma_start3A_686 = tpu.memref_slice %arg2[%add3A_679, %dma_start3A_685] : memref<8192x2048xf32, #tpu.memory_space<hbm>> -> memref<16x2048xf32, #tpu.memory_space<hbm>>
      tpu.enqueue_dma source(%dma_start3A_686 : memref<16x2048xf32, #tpu.memory_space<hbm>>) target(%dma_start3A_684 : memref<16x2048xf32, #tpu.memory_space<vmem_shared>>) target_semaphore(%arg10 : memref<!tpu.dma_semaphore, #tpu.memory_space<semaphore_mem>>)
    } else {
    }
    %convert_element_type3A_489 = arith.extui %reduce_or3A_29 : i1 to i32
    %cond3A_490 = arith.constant 0 : i32
    %cond3A_491 = arith.cmpi ne, %convert_element_type3A_489, %cond3A_490 : i32
    scf.if %cond3A_491 {
      %add3A_678 = arith.constant 192 : i32
      %add3A_679 = arith.addi %mul3A_2, %add3A_678 : i32
      %dma_start3A_680 = arith.constant 0 : i32
      %dma_start3A_681 = arith.constant 0 : i32
      %dma_start3A_682 = arith.constant 0 : i32
      %dma_start3A_683 = tpu.memref_slice %arg9[%arg1, %dma_start3A_680, %dma_start3A_681, %dma_start3A_682] : memref<16x3x16x2048xf32, #tpu.memory_space<vmem_shared>> -> memref<1x1x16x2048xf32, #tpu.memory_space<vmem_shared>>
      %dma_start3A_684 = tpu.memref_squeeze %dma_start3A_683 : memref<1x1x16x2048xf32, #tpu.memory_space<vmem_shared>> -> memref<16x2048xf32, #tpu.memory_space<vmem_shared>>
      %dma_start3A_685 = arith.constant 0 : i32
      %dma_start3A_686 = tpu.memref_slice %arg3[%add3A_679, %dma_start3A_685] : memref<8192x2048xf32, #tpu.memory_space<hbm>> -> memref<16x2048xf32, #tpu.memory_space<hbm>>
      tpu.enqueue_dma source(%dma_start3A_686 : memref<16x2048xf32, #tpu.memory_space<hbm>>) target(%dma_start3A_684 : memref<16x2048xf32, #tpu.memory_space<vmem_shared>>) target_semaphore(%arg10 : memref<!tpu.dma_semaphore, #tpu.memory_space<semaphore_mem>>)
    } else {
    }
    %convert_element_type3A_492 = arith.extui %reduce_or3A_43 : i1 to i32
    %cond3A_493 = arith.constant 0 : i32
    %cond3A_494 = arith.cmpi ne, %convert_element_type3A_492, %cond3A_493 : i32
    scf.if %cond3A_494 {
      %add3A_678 = arith.constant 192 : i32
      %add3A_679 = arith.addi %mul3A_2, %add3A_678 : i32
      %dma_start3A_680 = arith.constant 0 : i32
      %dma_start3A_681 = arith.constant 0 : i32
      %dma_start3A_682 = arith.constant 0 : i32
      %dma_start3A_683 = tpu.memref_slice %arg9[%arg1, %dma_start3A_680, %dma_start3A_681, %dma_start3A_682] : memref<16x3x16x2048xf32, #tpu.memory_space<vmem_shared>> -> memref<1x1x16x2048xf32, #tpu.memory_space<vmem_shared>>
      %dma_start3A_684 = tpu.memref_squeeze %dma_start3A_683 : memref<1x1x16x2048xf32, #tpu.memory_space<vmem_shared>> -> memref<16x2048xf32, #tpu.memory_space<vmem_shared>>
      %dma_start3A_685 = arith.constant 0 : i32
      %dma_start3A_686 = tpu.memref_slice %arg4[%add3A_679, %dma_start3A_685] : memref<8192x2048xf32, #tpu.memory_space<hbm>> -> memref<16x2048xf32, #tpu.memory_space<hbm>>
      tpu.enqueue_dma source(%dma_start3A_686 : memref<16x2048xf32, #tpu.memory_space<hbm>>) target(%dma_start3A_684 : memref<16x2048xf32, #tpu.memory_space<vmem_shared>>) target_semaphore(%arg10 : memref<!tpu.dma_semaphore, #tpu.memory_space<semaphore_mem>>)
    } else {
    }
    %convert_element_type3A_495 = arith.extui %reduce_or3A_57 : i1 to i32
    %cond3A_496 = arith.constant 0 : i32
    %cond3A_497 = arith.cmpi ne, %convert_element_type3A_495, %cond3A_496 : i32
    scf.if %cond3A_497 {
      %add3A_678 = arith.constant 192 : i32
      %add3A_679 = arith.addi %mul3A_2, %add3A_678 : i32
      %dma_start3A_680 = arith.constant 0 : i32
      %dma_start3A_681 = arith.constant 0 : i32
      %dma_start3A_682 = arith.constant 0 : i32
      %dma_start3A_683 = tpu.memref_slice %arg9[%arg1, %dma_start3A_680, %dma_start3A_681, %dma_start3A_682] : memref<16x3x16x2048xf32, #tpu.memory_space<vmem_shared>> -> memref<1x1x16x2048xf32, #tpu.memory_space<vmem_shared>>
      %dma_start3A_684 = tpu.memref_squeeze %dma_start3A_683 : memref<1x1x16x2048xf32, #tpu.memory_space<vmem_shared>> -> memref<16x2048xf32, #tpu.memory_space<vmem_shared>>
      %dma_start3A_685 = arith.constant 0 : i32
      %dma_start3A_686 = tpu.memref_slice %arg5[%add3A_679, %dma_start3A_685] : memref<8192x2048xf32, #tpu.memory_space<hbm>> -> memref<16x2048xf32, #tpu.memory_space<hbm>>
      tpu.enqueue_dma source(%dma_start3A_686 : memref<16x2048xf32, #tpu.memory_space<hbm>>) target(%dma_start3A_684 : memref<16x2048xf32, #tpu.memory_space<vmem_shared>>) target_semaphore(%arg10 : memref<!tpu.dma_semaphore, #tpu.memory_space<semaphore_mem>>)
    } else {
    }
    %add3A_498 = arith.constant 176 : i32
    %add3A_499 = arith.addi %mul3A_2, %add3A_498 : i32
    %dma_wait3A_500 = arith.constant 2 : i32
    %dma_wait3A_501 = arith.constant 0 : i32
    %dma_wait3A_502 = arith.constant 0 : i32
    %dma_wait3A_503 = tpu.memref_slice %arg9[%arg1, %dma_wait3A_500, %dma_wait3A_501, %dma_wait3A_502] : memref<16x3x16x2048xf32, #tpu.memory_space<vmem_shared>> -> memref<1x1x16x2048xf32, #tpu.memory_space<vmem_shared>>
    %dma_wait3A_504 = tpu.memref_squeeze %dma_wait3A_503 : memref<1x1x16x2048xf32, #tpu.memory_space<vmem_shared>> -> memref<16x2048xf32, #tpu.memory_space<vmem_shared>>
    %dma_wait3A_505 = arith.constant 0 : i32
    %dma_wait3A_506 = tpu.memref_slice %arg2[%add3A_499, %dma_wait3A_505] : memref<8192x2048xf32, #tpu.memory_space<hbm>> -> memref<16x2048xf32, #tpu.memory_space<hbm>>
    tpu.wait_dma2 semaphore(%arg12 : memref<!tpu.dma_semaphore, #tpu.memory_space<semaphore_mem>>) src(%dma_wait3A_506 : memref<16x2048xf32, #tpu.memory_space<hbm>>) dst(%dma_wait3A_504 : memref<16x2048xf32, #tpu.memory_space<vmem_shared>>)
    %add3A_507 = arith.constant 176 : i32
    %add3A_508 = arith.addi %mul3A_2, %add3A_507 : i32
    %dma_start3A_509 = arith.constant 2 : i32
    %dma_start3A_510 = arith.constant 0 : i32
    %dma_start3A_511 = tpu.memref_slice %arg7[%add3A_508, %dma_start3A_510] : memref<8192x2048xf32, #tpu.memory_space<hbm>> -> memref<16x2048xf32, #tpu.memory_space<hbm>>
    %dma_start3A_512 = arith.constant 0 : i32
    %dma_start3A_513 = arith.constant 0 : i32
    %dma_start3A_514 = tpu.memref_slice %arg9[%arg1, %dma_start3A_509, %dma_start3A_512, %dma_start3A_513] : memref<16x3x16x2048xf32, #tpu.memory_space<vmem_shared>> -> memref<1x1x16x2048xf32, #tpu.memory_space<vmem_shared>>
    %dma_start3A_515 = tpu.memref_squeeze %dma_start3A_514 : memref<1x1x16x2048xf32, #tpu.memory_space<vmem_shared>> -> memref<16x2048xf32, #tpu.memory_space<vmem_shared>>
    tpu.enqueue_dma source(%dma_start3A_515 : memref<16x2048xf32, #tpu.memory_space<vmem_shared>>) target(%dma_start3A_511 : memref<16x2048xf32, #tpu.memory_space<hbm>>) target_semaphore(%arg15 : memref<!tpu.dma_semaphore, #tpu.memory_space<semaphore_mem>>)
    %add3A_516 = arith.constant 160 : i32
    %add3A_517 = arith.addi %mul3A_2, %add3A_516 : i32
    %dma_wait3A_518 = arith.constant 1 : i32
    %dma_wait3A_519 = arith.constant 0 : i32
    %dma_wait3A_520 = tpu.memref_slice %arg7[%add3A_517, %dma_wait3A_519] : memref<8192x2048xf32, #tpu.memory_space<hbm>> -> memref<16x2048xf32, #tpu.memory_space<hbm>>
    %dma_wait3A_521 = arith.constant 0 : i32
    %dma_wait3A_522 = arith.constant 0 : i32
    %dma_wait3A_523 = tpu.memref_slice %arg9[%arg1, %dma_wait3A_518, %dma_wait3A_521, %dma_wait3A_522] : memref<16x3x16x2048xf32, #tpu.memory_space<vmem_shared>> -> memref<1x1x16x2048xf32, #tpu.memory_space<vmem_shared>>
    %dma_wait3A_524 = tpu.memref_squeeze %dma_wait3A_523 : memref<1x1x16x2048xf32, #tpu.memory_space<vmem_shared>> -> memref<16x2048xf32, #tpu.memory_space<vmem_shared>>
    tpu.wait_dma2 semaphore(%arg14 : memref<!tpu.dma_semaphore, #tpu.memory_space<semaphore_mem>>) src(%dma_wait3A_524 : memref<16x2048xf32, #tpu.memory_space<vmem_shared>>) dst(%dma_wait3A_520 : memref<16x2048xf32, #tpu.memory_space<hbm>>)
    %convert_element_type3A_525 = arith.extui %reduce_or3A_15 : i1 to i32
    %cond3A_526 = arith.constant 0 : i32
    %cond3A_527 = arith.cmpi ne, %convert_element_type3A_525, %cond3A_526 : i32
    scf.if %cond3A_527 {
      %add3A_678 = arith.constant 208 : i32
      %add3A_679 = arith.addi %mul3A_2, %add3A_678 : i32
      %dma_start3A_680 = arith.constant 1 : i32
      %dma_start3A_681 = arith.constant 0 : i32
      %dma_start3A_682 = arith.constant 0 : i32
      %dma_start3A_683 = tpu.memref_slice %arg9[%arg1, %dma_start3A_680, %dma_start3A_681, %dma_start3A_682] : memref<16x3x16x2048xf32, #tpu.memory_space<vmem_shared>> -> memref<1x1x16x2048xf32, #tpu.memory_space<vmem_shared>>
      %dma_start3A_684 = tpu.memref_squeeze %dma_start3A_683 : memref<1x1x16x2048xf32, #tpu.memory_space<vmem_shared>> -> memref<16x2048xf32, #tpu.memory_space<vmem_shared>>
      %dma_start3A_685 = arith.constant 0 : i32
      %dma_start3A_686 = tpu.memref_slice %arg2[%add3A_679, %dma_start3A_685] : memref<8192x2048xf32, #tpu.memory_space<hbm>> -> memref<16x2048xf32, #tpu.memory_space<hbm>>
      tpu.enqueue_dma source(%dma_start3A_686 : memref<16x2048xf32, #tpu.memory_space<hbm>>) target(%dma_start3A_684 : memref<16x2048xf32, #tpu.memory_space<vmem_shared>>) target_semaphore(%arg11 : memref<!tpu.dma_semaphore, #tpu.memory_space<semaphore_mem>>)
    } else {
    }
    %convert_element_type3A_528 = arith.extui %reduce_or3A_29 : i1 to i32
    %cond3A_529 = arith.constant 0 : i32
    %cond3A_530 = arith.cmpi ne, %convert_element_type3A_528, %cond3A_529 : i32
    scf.if %cond3A_530 {
      %add3A_678 = arith.constant 208 : i32
      %add3A_679 = arith.addi %mul3A_2, %add3A_678 : i32
      %dma_start3A_680 = arith.constant 1 : i32
      %dma_start3A_681 = arith.constant 0 : i32
      %dma_start3A_682 = arith.constant 0 : i32
      %dma_start3A_683 = tpu.memref_slice %arg9[%arg1, %dma_start3A_680, %dma_start3A_681, %dma_start3A_682] : memref<16x3x16x2048xf32, #tpu.memory_space<vmem_shared>> -> memref<1x1x16x2048xf32, #tpu.memory_space<vmem_shared>>
      %dma_start3A_684 = tpu.memref_squeeze %dma_start3A_683 : memref<1x1x16x2048xf32, #tpu.memory_space<vmem_shared>> -> memref<16x2048xf32, #tpu.memory_space<vmem_shared>>
      %dma_start3A_685 = arith.constant 0 : i32
      %dma_start3A_686 = tpu.memref_slice %arg3[%add3A_679, %dma_start3A_685] : memref<8192x2048xf32, #tpu.memory_space<hbm>> -> memref<16x2048xf32, #tpu.memory_space<hbm>>
      tpu.enqueue_dma source(%dma_start3A_686 : memref<16x2048xf32, #tpu.memory_space<hbm>>) target(%dma_start3A_684 : memref<16x2048xf32, #tpu.memory_space<vmem_shared>>) target_semaphore(%arg11 : memref<!tpu.dma_semaphore, #tpu.memory_space<semaphore_mem>>)
    } else {
    }
    %convert_element_type3A_531 = arith.extui %reduce_or3A_43 : i1 to i32
    %cond3A_532 = arith.constant 0 : i32
    %cond3A_533 = arith.cmpi ne, %convert_element_type3A_531, %cond3A_532 : i32
    scf.if %cond3A_533 {
      %add3A_678 = arith.constant 208 : i32
      %add3A_679 = arith.addi %mul3A_2, %add3A_678 : i32
      %dma_start3A_680 = arith.constant 1 : i32
      %dma_start3A_681 = arith.constant 0 : i32
      %dma_start3A_682 = arith.constant 0 : i32
      %dma_start3A_683 = tpu.memref_slice %arg9[%arg1, %dma_start3A_680, %dma_start3A_681, %dma_start3A_682] : memref<16x3x16x2048xf32, #tpu.memory_space<vmem_shared>> -> memref<1x1x16x2048xf32, #tpu.memory_space<vmem_shared>>
      %dma_start3A_684 = tpu.memref_squeeze %dma_start3A_683 : memref<1x1x16x2048xf32, #tpu.memory_space<vmem_shared>> -> memref<16x2048xf32, #tpu.memory_space<vmem_shared>>
      %dma_start3A_685 = arith.constant 0 : i32
      %dma_start3A_686 = tpu.memref_slice %arg4[%add3A_679, %dma_start3A_685] : memref<8192x2048xf32, #tpu.memory_space<hbm>> -> memref<16x2048xf32, #tpu.memory_space<hbm>>
      tpu.enqueue_dma source(%dma_start3A_686 : memref<16x2048xf32, #tpu.memory_space<hbm>>) target(%dma_start3A_684 : memref<16x2048xf32, #tpu.memory_space<vmem_shared>>) target_semaphore(%arg11 : memref<!tpu.dma_semaphore, #tpu.memory_space<semaphore_mem>>)
    } else {
    }
    %convert_element_type3A_534 = arith.extui %reduce_or3A_57 : i1 to i32
    %cond3A_535 = arith.constant 0 : i32
    %cond3A_536 = arith.cmpi ne, %convert_element_type3A_534, %cond3A_535 : i32
    scf.if %cond3A_536 {
      %add3A_678 = arith.constant 208 : i32
      %add3A_679 = arith.addi %mul3A_2, %add3A_678 : i32
      %dma_start3A_680 = arith.constant 1 : i32
      %dma_start3A_681 = arith.constant 0 : i32
      %dma_start3A_682 = arith.constant 0 : i32
      %dma_start3A_683 = tpu.memref_slice %arg9[%arg1, %dma_start3A_680, %dma_start3A_681, %dma_start3A_682] : memref<16x3x16x2048xf32, #tpu.memory_space<vmem_shared>> -> memref<1x1x16x2048xf32, #tpu.memory_space<vmem_shared>>
      %dma_start3A_684 = tpu.memref_squeeze %dma_start3A_683 : memref<1x1x16x2048xf32, #tpu.memory_space<vmem_shared>> -> memref<16x2048xf32, #tpu.memory_space<vmem_shared>>
      %dma_start3A_685 = arith.constant 0 : i32
      %dma_start3A_686 = tpu.memref_slice %arg5[%add3A_679, %dma_start3A_685] : memref<8192x2048xf32, #tpu.memory_space<hbm>> -> memref<16x2048xf32, #tpu.memory_space<hbm>>
      tpu.enqueue_dma source(%dma_start3A_686 : memref<16x2048xf32, #tpu.memory_space<hbm>>) target(%dma_start3A_684 : memref<16x2048xf32, #tpu.memory_space<vmem_shared>>) target_semaphore(%arg11 : memref<!tpu.dma_semaphore, #tpu.memory_space<semaphore_mem>>)
    } else {
    }
    %add3A_537 = arith.constant 192 : i32
    %add3A_538 = arith.addi %mul3A_2, %add3A_537 : i32
    %dma_wait3A_539 = arith.constant 0 : i32
    %dma_wait3A_540 = arith.constant 0 : i32
    %dma_wait3A_541 = arith.constant 0 : i32
    %dma_wait3A_542 = tpu.memref_slice %arg9[%arg1, %dma_wait3A_539, %dma_wait3A_540, %dma_wait3A_541] : memref<16x3x16x2048xf32, #tpu.memory_space<vmem_shared>> -> memref<1x1x16x2048xf32, #tpu.memory_space<vmem_shared>>
    %dma_wait3A_543 = tpu.memref_squeeze %dma_wait3A_542 : memref<1x1x16x2048xf32, #tpu.memory_space<vmem_shared>> -> memref<16x2048xf32, #tpu.memory_space<vmem_shared>>
    %dma_wait3A_544 = arith.constant 0 : i32
    %dma_wait3A_545 = tpu.memref_slice %arg2[%add3A_538, %dma_wait3A_544] : memref<8192x2048xf32, #tpu.memory_space<hbm>> -> memref<16x2048xf32, #tpu.memory_space<hbm>>
    tpu.wait_dma2 semaphore(%arg10 : memref<!tpu.dma_semaphore, #tpu.memory_space<semaphore_mem>>) src(%dma_wait3A_545 : memref<16x2048xf32, #tpu.memory_space<hbm>>) dst(%dma_wait3A_543 : memref<16x2048xf32, #tpu.memory_space<vmem_shared>>)
    %add3A_546 = arith.constant 192 : i32
    %add3A_547 = arith.addi %mul3A_2, %add3A_546 : i32
    %dma_start3A_548 = arith.constant 0 : i32
    %dma_start3A_549 = arith.constant 0 : i32
    %dma_start3A_550 = tpu.memref_slice %arg7[%add3A_547, %dma_start3A_549] : memref<8192x2048xf32, #tpu.memory_space<hbm>> -> memref<16x2048xf32, #tpu.memory_space<hbm>>
    %dma_start3A_551 = arith.constant 0 : i32
    %dma_start3A_552 = arith.constant 0 : i32
    %dma_start3A_553 = tpu.memref_slice %arg9[%arg1, %dma_start3A_548, %dma_start3A_551, %dma_start3A_552] : memref<16x3x16x2048xf32, #tpu.memory_space<vmem_shared>> -> memref<1x1x16x2048xf32, #tpu.memory_space<vmem_shared>>
    %dma_start3A_554 = tpu.memref_squeeze %dma_start3A_553 : memref<1x1x16x2048xf32, #tpu.memory_space<vmem_shared>> -> memref<16x2048xf32, #tpu.memory_space<vmem_shared>>
    tpu.enqueue_dma source(%dma_start3A_554 : memref<16x2048xf32, #tpu.memory_space<vmem_shared>>) target(%dma_start3A_550 : memref<16x2048xf32, #tpu.memory_space<hbm>>) target_semaphore(%arg13 : memref<!tpu.dma_semaphore, #tpu.memory_space<semaphore_mem>>)
    %add3A_555 = arith.constant 176 : i32
    %add3A_556 = arith.addi %mul3A_2, %add3A_555 : i32
    %dma_wait3A_557 = arith.constant 2 : i32
    %dma_wait3A_558 = arith.constant 0 : i32
    %dma_wait3A_559 = tpu.memref_slice %arg7[%add3A_556, %dma_wait3A_558] : memref<8192x2048xf32, #tpu.memory_space<hbm>> -> memref<16x2048xf32, #tpu.memory_space<hbm>>
    %dma_wait3A_560 = arith.constant 0 : i32
    %dma_wait3A_561 = arith.constant 0 : i32
    %dma_wait3A_562 = tpu.memref_slice %arg9[%arg1, %dma_wait3A_557, %dma_wait3A_560, %dma_wait3A_561] : memref<16x3x16x2048xf32, #tpu.memory_space<vmem_shared>> -> memref<1x1x16x2048xf32, #tpu.memory_space<vmem_shared>>
    %dma_wait3A_563 = tpu.memref_squeeze %dma_wait3A_562 : memref<1x1x16x2048xf32, #tpu.memory_space<vmem_shared>> -> memref<16x2048xf32, #tpu.memory_space<vmem_shared>>
    tpu.wait_dma2 semaphore(%arg15 : memref<!tpu.dma_semaphore, #tpu.memory_space<semaphore_mem>>) src(%dma_wait3A_563 : memref<16x2048xf32, #tpu.memory_space<vmem_shared>>) dst(%dma_wait3A_559 : memref<16x2048xf32, #tpu.memory_space<hbm>>)
    %convert_element_type3A_564 = arith.extui %reduce_or3A_15 : i1 to i32
    %cond3A_565 = arith.constant 0 : i32
    %cond3A_566 = arith.cmpi ne, %convert_element_type3A_564, %cond3A_565 : i32
    scf.if %cond3A_566 {
      %add3A_678 = arith.constant 224 : i32
      %add3A_679 = arith.addi %mul3A_2, %add3A_678 : i32
      %dma_start3A_680 = arith.constant 2 : i32
      %dma_start3A_681 = arith.constant 0 : i32
      %dma_start3A_682 = arith.constant 0 : i32
      %dma_start3A_683 = tpu.memref_slice %arg9[%arg1, %dma_start3A_680, %dma_start3A_681, %dma_start3A_682] : memref<16x3x16x2048xf32, #tpu.memory_space<vmem_shared>> -> memref<1x1x16x2048xf32, #tpu.memory_space<vmem_shared>>
      %dma_start3A_684 = tpu.memref_squeeze %dma_start3A_683 : memref<1x1x16x2048xf32, #tpu.memory_space<vmem_shared>> -> memref<16x2048xf32, #tpu.memory_space<vmem_shared>>
      %dma_start3A_685 = arith.constant 0 : i32
      %dma_start3A_686 = tpu.memref_slice %arg2[%add3A_679, %dma_start3A_685] : memref<8192x2048xf32, #tpu.memory_space<hbm>> -> memref<16x2048xf32, #tpu.memory_space<hbm>>
      tpu.enqueue_dma source(%dma_start3A_686 : memref<16x2048xf32, #tpu.memory_space<hbm>>) target(%dma_start3A_684 : memref<16x2048xf32, #tpu.memory_space<vmem_shared>>) target_semaphore(%arg12 : memref<!tpu.dma_semaphore, #tpu.memory_space<semaphore_mem>>)
    } else {
    }
    %convert_element_type3A_567 = arith.extui %reduce_or3A_29 : i1 to i32
    %cond3A_568 = arith.constant 0 : i32
    %cond3A_569 = arith.cmpi ne, %convert_element_type3A_567, %cond3A_568 : i32
    scf.if %cond3A_569 {
      %add3A_678 = arith.constant 224 : i32
      %add3A_679 = arith.addi %mul3A_2, %add3A_678 : i32
      %dma_start3A_680 = arith.constant 2 : i32
      %dma_start3A_681 = arith.constant 0 : i32
      %dma_start3A_682 = arith.constant 0 : i32
      %dma_start3A_683 = tpu.memref_slice %arg9[%arg1, %dma_start3A_680, %dma_start3A_681, %dma_start3A_682] : memref<16x3x16x2048xf32, #tpu.memory_space<vmem_shared>> -> memref<1x1x16x2048xf32, #tpu.memory_space<vmem_shared>>
      %dma_start3A_684 = tpu.memref_squeeze %dma_start3A_683 : memref<1x1x16x2048xf32, #tpu.memory_space<vmem_shared>> -> memref<16x2048xf32, #tpu.memory_space<vmem_shared>>
      %dma_start3A_685 = arith.constant 0 : i32
      %dma_start3A_686 = tpu.memref_slice %arg3[%add3A_679, %dma_start3A_685] : memref<8192x2048xf32, #tpu.memory_space<hbm>> -> memref<16x2048xf32, #tpu.memory_space<hbm>>
      tpu.enqueue_dma source(%dma_start3A_686 : memref<16x2048xf32, #tpu.memory_space<hbm>>) target(%dma_start3A_684 : memref<16x2048xf32, #tpu.memory_space<vmem_shared>>) target_semaphore(%arg12 : memref<!tpu.dma_semaphore, #tpu.memory_space<semaphore_mem>>)
    } else {
    }
    %convert_element_type3A_570 = arith.extui %reduce_or3A_43 : i1 to i32
    %cond3A_571 = arith.constant 0 : i32
    %cond3A_572 = arith.cmpi ne, %convert_element_type3A_570, %cond3A_571 : i32
    scf.if %cond3A_572 {
      %add3A_678 = arith.constant 224 : i32
      %add3A_679 = arith.addi %mul3A_2, %add3A_678 : i32
      %dma_start3A_680 = arith.constant 2 : i32
      %dma_start3A_681 = arith.constant 0 : i32
      %dma_start3A_682 = arith.constant 0 : i32
      %dma_start3A_683 = tpu.memref_slice %arg9[%arg1, %dma_start3A_680, %dma_start3A_681, %dma_start3A_682] : memref<16x3x16x2048xf32, #tpu.memory_space<vmem_shared>> -> memref<1x1x16x2048xf32, #tpu.memory_space<vmem_shared>>
      %dma_start3A_684 = tpu.memref_squeeze %dma_start3A_683 : memref<1x1x16x2048xf32, #tpu.memory_space<vmem_shared>> -> memref<16x2048xf32, #tpu.memory_space<vmem_shared>>
      %dma_start3A_685 = arith.constant 0 : i32
      %dma_start3A_686 = tpu.memref_slice %arg4[%add3A_679, %dma_start3A_685] : memref<8192x2048xf32, #tpu.memory_space<hbm>> -> memref<16x2048xf32, #tpu.memory_space<hbm>>
      tpu.enqueue_dma source(%dma_start3A_686 : memref<16x2048xf32, #tpu.memory_space<hbm>>) target(%dma_start3A_684 : memref<16x2048xf32, #tpu.memory_space<vmem_shared>>) target_semaphore(%arg12 : memref<!tpu.dma_semaphore, #tpu.memory_space<semaphore_mem>>)
    } else {
    }
    %convert_element_type3A_573 = arith.extui %reduce_or3A_57 : i1 to i32
    %cond3A_574 = arith.constant 0 : i32
    %cond3A_575 = arith.cmpi ne, %convert_element_type3A_573, %cond3A_574 : i32
    scf.if %cond3A_575 {
      %add3A_678 = arith.constant 224 : i32
      %add3A_679 = arith.addi %mul3A_2, %add3A_678 : i32
      %dma_start3A_680 = arith.constant 2 : i32
      %dma_start3A_681 = arith.constant 0 : i32
      %dma_start3A_682 = arith.constant 0 : i32
      %dma_start3A_683 = tpu.memref_slice %arg9[%arg1, %dma_start3A_680, %dma_start3A_681, %dma_start3A_682] : memref<16x3x16x2048xf32, #tpu.memory_space<vmem_shared>> -> memref<1x1x16x2048xf32, #tpu.memory_space<vmem_shared>>
      %dma_start3A_684 = tpu.memref_squeeze %dma_start3A_683 : memref<1x1x16x2048xf32, #tpu.memory_space<vmem_shared>> -> memref<16x2048xf32, #tpu.memory_space<vmem_shared>>
      %dma_start3A_685 = arith.constant 0 : i32
      %dma_start3A_686 = tpu.memref_slice %arg5[%add3A_679, %dma_start3A_685] : memref<8192x2048xf32, #tpu.memory_space<hbm>> -> memref<16x2048xf32, #tpu.memory_space<hbm>>
      tpu.enqueue_dma source(%dma_start3A_686 : memref<16x2048xf32, #tpu.memory_space<hbm>>) target(%dma_start3A_684 : memref<16x2048xf32, #tpu.memory_space<vmem_shared>>) target_semaphore(%arg12 : memref<!tpu.dma_semaphore, #tpu.memory_space<semaphore_mem>>)
    } else {
    }
    %add3A_576 = arith.constant 208 : i32
    %add3A_577 = arith.addi %mul3A_2, %add3A_576 : i32
    %dma_wait3A_578 = arith.constant 1 : i32
    %dma_wait3A_579 = arith.constant 0 : i32
    %dma_wait3A_580 = arith.constant 0 : i32
    %dma_wait3A_581 = tpu.memref_slice %arg9[%arg1, %dma_wait3A_578, %dma_wait3A_579, %dma_wait3A_580] : memref<16x3x16x2048xf32, #tpu.memory_space<vmem_shared>> -> memref<1x1x16x2048xf32, #tpu.memory_space<vmem_shared>>
    %dma_wait3A_582 = tpu.memref_squeeze %dma_wait3A_581 : memref<1x1x16x2048xf32, #tpu.memory_space<vmem_shared>> -> memref<16x2048xf32, #tpu.memory_space<vmem_shared>>
    %dma_wait3A_583 = arith.constant 0 : i32
    %dma_wait3A_584 = tpu.memref_slice %arg2[%add3A_577, %dma_wait3A_583] : memref<8192x2048xf32, #tpu.memory_space<hbm>> -> memref<16x2048xf32, #tpu.memory_space<hbm>>
    tpu.wait_dma2 semaphore(%arg11 : memref<!tpu.dma_semaphore, #tpu.memory_space<semaphore_mem>>) src(%dma_wait3A_584 : memref<16x2048xf32, #tpu.memory_space<hbm>>) dst(%dma_wait3A_582 : memref<16x2048xf32, #tpu.memory_space<vmem_shared>>)
    %add3A_585 = arith.constant 208 : i32
    %add3A_586 = arith.addi %mul3A_2, %add3A_585 : i32
    %dma_start3A_587 = arith.constant 1 : i32
    %dma_start3A_588 = arith.constant 0 : i32
    %dma_start3A_589 = tpu.memref_slice %arg7[%add3A_586, %dma_start3A_588] : memref<8192x2048xf32, #tpu.memory_space<hbm>> -> memref<16x2048xf32, #tpu.memory_space<hbm>>
    %dma_start3A_590 = arith.constant 0 : i32
    %dma_start3A_591 = arith.constant 0 : i32
    %dma_start3A_592 = tpu.memref_slice %arg9[%arg1, %dma_start3A_587, %dma_start3A_590, %dma_start3A_591] : memref<16x3x16x2048xf32, #tpu.memory_space<vmem_shared>> -> memref<1x1x16x2048xf32, #tpu.memory_space<vmem_shared>>
    %dma_start3A_593 = tpu.memref_squeeze %dma_start3A_592 : memref<1x1x16x2048xf32, #tpu.memory_space<vmem_shared>> -> memref<16x2048xf32, #tpu.memory_space<vmem_shared>>
    tpu.enqueue_dma source(%dma_start3A_593 : memref<16x2048xf32, #tpu.memory_space<vmem_shared>>) target(%dma_start3A_589 : memref<16x2048xf32, #tpu.memory_space<hbm>>) target_semaphore(%arg14 : memref<!tpu.dma_semaphore, #tpu.memory_space<semaphore_mem>>)
    %add3A_594 = arith.constant 192 : i32
    %add3A_595 = arith.addi %mul3A_2, %add3A_594 : i32
    %dma_wait3A_596 = arith.constant 0 : i32
    %dma_wait3A_597 = arith.constant 0 : i32
    %dma_wait3A_598 = tpu.memref_slice %arg7[%add3A_595, %dma_wait3A_597] : memref<8192x2048xf32, #tpu.memory_space<hbm>> -> memref<16x2048xf32, #tpu.memory_space<hbm>>
    %dma_wait3A_599 = arith.constant 0 : i32
    %dma_wait3A_600 = arith.constant 0 : i32
    %dma_wait3A_601 = tpu.memref_slice %arg9[%arg1, %dma_wait3A_596, %dma_wait3A_599, %dma_wait3A_600] : memref<16x3x16x2048xf32, #tpu.memory_space<vmem_shared>> -> memref<1x1x16x2048xf32, #tpu.memory_space<vmem_shared>>
    %dma_wait3A_602 = tpu.memref_squeeze %dma_wait3A_601 : memref<1x1x16x2048xf32, #tpu.memory_space<vmem_shared>> -> memref<16x2048xf32, #tpu.memory_space<vmem_shared>>
    tpu.wait_dma2 semaphore(%arg13 : memref<!tpu.dma_semaphore, #tpu.memory_space<semaphore_mem>>) src(%dma_wait3A_602 : memref<16x2048xf32, #tpu.memory_space<vmem_shared>>) dst(%dma_wait3A_598 : memref<16x2048xf32, #tpu.memory_space<hbm>>)
    %convert_element_type3A_603 = arith.extui %reduce_or3A_15 : i1 to i32
    %cond3A_604 = arith.constant 0 : i32
    %cond3A_605 = arith.cmpi ne, %convert_element_type3A_603, %cond3A_604 : i32
    scf.if %cond3A_605 {
      %add3A_678 = arith.constant 240 : i32
      %add3A_679 = arith.addi %mul3A_2, %add3A_678 : i32
      %dma_start3A_680 = arith.constant 0 : i32
      %dma_start3A_681 = arith.constant 0 : i32
      %dma_start3A_682 = arith.constant 0 : i32
      %dma_start3A_683 = tpu.memref_slice %arg9[%arg1, %dma_start3A_680, %dma_start3A_681, %dma_start3A_682] : memref<16x3x16x2048xf32, #tpu.memory_space<vmem_shared>> -> memref<1x1x16x2048xf32, #tpu.memory_space<vmem_shared>>
      %dma_start3A_684 = tpu.memref_squeeze %dma_start3A_683 : memref<1x1x16x2048xf32, #tpu.memory_space<vmem_shared>> -> memref<16x2048xf32, #tpu.memory_space<vmem_shared>>
      %dma_start3A_685 = arith.constant 0 : i32
      %dma_start3A_686 = tpu.memref_slice %arg2[%add3A_679, %dma_start3A_685] : memref<8192x2048xf32, #tpu.memory_space<hbm>> -> memref<16x2048xf32, #tpu.memory_space<hbm>>
      tpu.enqueue_dma source(%dma_start3A_686 : memref<16x2048xf32, #tpu.memory_space<hbm>>) target(%dma_start3A_684 : memref<16x2048xf32, #tpu.memory_space<vmem_shared>>) target_semaphore(%arg10 : memref<!tpu.dma_semaphore, #tpu.memory_space<semaphore_mem>>)
    } else {
    }
    %convert_element_type3A_606 = arith.extui %reduce_or3A_29 : i1 to i32
    %cond3A_607 = arith.constant 0 : i32
    %cond3A_608 = arith.cmpi ne, %convert_element_type3A_606, %cond3A_607 : i32
    scf.if %cond3A_608 {
      %add3A_678 = arith.constant 240 : i32
      %add3A_679 = arith.addi %mul3A_2, %add3A_678 : i32
      %dma_start3A_680 = arith.constant 0 : i32
      %dma_start3A_681 = arith.constant 0 : i32
      %dma_start3A_682 = arith.constant 0 : i32
      %dma_start3A_683 = tpu.memref_slice %arg9[%arg1, %dma_start3A_680, %dma_start3A_681, %dma_start3A_682] : memref<16x3x16x2048xf32, #tpu.memory_space<vmem_shared>> -> memref<1x1x16x2048xf32, #tpu.memory_space<vmem_shared>>
      %dma_start3A_684 = tpu.memref_squeeze %dma_start3A_683 : memref<1x1x16x2048xf32, #tpu.memory_space<vmem_shared>> -> memref<16x2048xf32, #tpu.memory_space<vmem_shared>>
      %dma_start3A_685 = arith.constant 0 : i32
      %dma_start3A_686 = tpu.memref_slice %arg3[%add3A_679, %dma_start3A_685] : memref<8192x2048xf32, #tpu.memory_space<hbm>> -> memref<16x2048xf32, #tpu.memory_space<hbm>>
      tpu.enqueue_dma source(%dma_start3A_686 : memref<16x2048xf32, #tpu.memory_space<hbm>>) target(%dma_start3A_684 : memref<16x2048xf32, #tpu.memory_space<vmem_shared>>) target_semaphore(%arg10 : memref<!tpu.dma_semaphore, #tpu.memory_space<semaphore_mem>>)
    } else {
    }
    %convert_element_type3A_609 = arith.extui %reduce_or3A_43 : i1 to i32
    %cond3A_610 = arith.constant 0 : i32
    %cond3A_611 = arith.cmpi ne, %convert_element_type3A_609, %cond3A_610 : i32
    scf.if %cond3A_611 {
      %add3A_678 = arith.constant 240 : i32
      %add3A_679 = arith.addi %mul3A_2, %add3A_678 : i32
      %dma_start3A_680 = arith.constant 0 : i32
      %dma_start3A_681 = arith.constant 0 : i32
      %dma_start3A_682 = arith.constant 0 : i32
      %dma_start3A_683 = tpu.memref_slice %arg9[%arg1, %dma_start3A_680, %dma_start3A_681, %dma_start3A_682] : memref<16x3x16x2048xf32, #tpu.memory_space<vmem_shared>> -> memref<1x1x16x2048xf32, #tpu.memory_space<vmem_shared>>
      %dma_start3A_684 = tpu.memref_squeeze %dma_start3A_683 : memref<1x1x16x2048xf32, #tpu.memory_space<vmem_shared>> -> memref<16x2048xf32, #tpu.memory_space<vmem_shared>>
      %dma_start3A_685 = arith.constant 0 : i32
      %dma_start3A_686 = tpu.memref_slice %arg4[%add3A_679, %dma_start3A_685] : memref<8192x2048xf32, #tpu.memory_space<hbm>> -> memref<16x2048xf32, #tpu.memory_space<hbm>>
      tpu.enqueue_dma source(%dma_start3A_686 : memref<16x2048xf32, #tpu.memory_space<hbm>>) target(%dma_start3A_684 : memref<16x2048xf32, #tpu.memory_space<vmem_shared>>) target_semaphore(%arg10 : memref<!tpu.dma_semaphore, #tpu.memory_space<semaphore_mem>>)
    } else {
    }
    %convert_element_type3A_612 = arith.extui %reduce_or3A_57 : i1 to i32
    %cond3A_613 = arith.constant 0 : i32
    %cond3A_614 = arith.cmpi ne, %convert_element_type3A_612, %cond3A_613 : i32
    scf.if %cond3A_614 {
      %add3A_678 = arith.constant 240 : i32
      %add3A_679 = arith.addi %mul3A_2, %add3A_678 : i32
      %dma_start3A_680 = arith.constant 0 : i32
      %dma_start3A_681 = arith.constant 0 : i32
      %dma_start3A_682 = arith.constant 0 : i32
      %dma_start3A_683 = tpu.memref_slice %arg9[%arg1, %dma_start3A_680, %dma_start3A_681, %dma_start3A_682] : memref<16x3x16x2048xf32, #tpu.memory_space<vmem_shared>> -> memref<1x1x16x2048xf32, #tpu.memory_space<vmem_shared>>
      %dma_start3A_684 = tpu.memref_squeeze %dma_start3A_683 : memref<1x1x16x2048xf32, #tpu.memory_space<vmem_shared>> -> memref<16x2048xf32, #tpu.memory_space<vmem_shared>>
      %dma_start3A_685 = arith.constant 0 : i32
      %dma_start3A_686 = tpu.memref_slice %arg5[%add3A_679, %dma_start3A_685] : memref<8192x2048xf32, #tpu.memory_space<hbm>> -> memref<16x2048xf32, #tpu.memory_space<hbm>>
      tpu.enqueue_dma source(%dma_start3A_686 : memref<16x2048xf32, #tpu.memory_space<hbm>>) target(%dma_start3A_684 : memref<16x2048xf32, #tpu.memory_space<vmem_shared>>) target_semaphore(%arg10 : memref<!tpu.dma_semaphore, #tpu.memory_space<semaphore_mem>>)
    } else {
    }
    %add3A_615 = arith.constant 224 : i32
    %add3A_616 = arith.addi %mul3A_2, %add3A_615 : i32
    %dma_wait3A_617 = arith.constant 2 : i32
    %dma_wait3A_618 = arith.constant 0 : i32
    %dma_wait3A_619 = arith.constant 0 : i32
    %dma_wait3A_620 = tpu.memref_slice %arg9[%arg1, %dma_wait3A_617, %dma_wait3A_618, %dma_wait3A_619] : memref<16x3x16x2048xf32, #tpu.memory_space<vmem_shared>> -> memref<1x1x16x2048xf32, #tpu.memory_space<vmem_shared>>
    %dma_wait3A_621 = tpu.memref_squeeze %dma_wait3A_620 : memref<1x1x16x2048xf32, #tpu.memory_space<vmem_shared>> -> memref<16x2048xf32, #tpu.memory_space<vmem_shared>>
    %dma_wait3A_622 = arith.constant 0 : i32
    %dma_wait3A_623 = tpu.memref_slice %arg2[%add3A_616, %dma_wait3A_622] : memref<8192x2048xf32, #tpu.memory_space<hbm>> -> memref<16x2048xf32, #tpu.memory_space<hbm>>
    tpu.wait_dma2 semaphore(%arg12 : memref<!tpu.dma_semaphore, #tpu.memory_space<semaphore_mem>>) src(%dma_wait3A_623 : memref<16x2048xf32, #tpu.memory_space<hbm>>) dst(%dma_wait3A_621 : memref<16x2048xf32, #tpu.memory_space<vmem_shared>>)
    %add3A_624 = arith.constant 224 : i32
    %add3A_625 = arith.addi %mul3A_2, %add3A_624 : i32
    %dma_start3A_626 = arith.constant 2 : i32
    %dma_start3A_627 = arith.constant 0 : i32
    %dma_start3A_628 = tpu.memref_slice %arg7[%add3A_625, %dma_start3A_627] : memref<8192x2048xf32, #tpu.memory_space<hbm>> -> memref<16x2048xf32, #tpu.memory_space<hbm>>
    %dma_start3A_629 = arith.constant 0 : i32
    %dma_start3A_630 = arith.constant 0 : i32
    %dma_start3A_631 = tpu.memref_slice %arg9[%arg1, %dma_start3A_626, %dma_start3A_629, %dma_start3A_630] : memref<16x3x16x2048xf32, #tpu.memory_space<vmem_shared>> -> memref<1x1x16x2048xf32, #tpu.memory_space<vmem_shared>>
    %dma_start3A_632 = tpu.memref_squeeze %dma_start3A_631 : memref<1x1x16x2048xf32, #tpu.memory_space<vmem_shared>> -> memref<16x2048xf32, #tpu.memory_space<vmem_shared>>
    tpu.enqueue_dma source(%dma_start3A_632 : memref<16x2048xf32, #tpu.memory_space<vmem_shared>>) target(%dma_start3A_628 : memref<16x2048xf32, #tpu.memory_space<hbm>>) target_semaphore(%arg15 : memref<!tpu.dma_semaphore, #tpu.memory_space<semaphore_mem>>)
    %add3A_633 = arith.constant 240 : i32
    %add3A_634 = arith.addi %mul3A_2, %add3A_633 : i32
    %dma_wait3A_635 = arith.constant 0 : i32
    %dma_wait3A_636 = arith.constant 0 : i32
    %dma_wait3A_637 = arith.constant 0 : i32
    %dma_wait3A_638 = tpu.memref_slice %arg9[%arg1, %dma_wait3A_635, %dma_wait3A_636, %dma_wait3A_637] : memref<16x3x16x2048xf32, #tpu.memory_space<vmem_shared>> -> memref<1x1x16x2048xf32, #tpu.memory_space<vmem_shared>>
    %dma_wait3A_639 = tpu.memref_squeeze %dma_wait3A_638 : memref<1x1x16x2048xf32, #tpu.memory_space<vmem_shared>> -> memref<16x2048xf32, #tpu.memory_space<vmem_shared>>
    %dma_wait3A_640 = arith.constant 0 : i32
    %dma_wait3A_641 = tpu.memref_slice %arg2[%add3A_634, %dma_wait3A_640] : memref<8192x2048xf32, #tpu.memory_space<hbm>> -> memref<16x2048xf32, #tpu.memory_space<hbm>>
    tpu.wait_dma2 semaphore(%arg10 : memref<!tpu.dma_semaphore, #tpu.memory_space<semaphore_mem>>) src(%dma_wait3A_641 : memref<16x2048xf32, #tpu.memory_space<hbm>>) dst(%dma_wait3A_639 : memref<16x2048xf32, #tpu.memory_space<vmem_shared>>)
    %add3A_642 = arith.constant 240 : i32
    %add3A_643 = arith.addi %mul3A_2, %add3A_642 : i32
    %dma_start3A_644 = arith.constant 0 : i32
    %dma_start3A_645 = arith.constant 0 : i32
    %dma_start3A_646 = tpu.memref_slice %arg7[%add3A_643, %dma_start3A_645] : memref<8192x2048xf32, #tpu.memory_space<hbm>> -> memref<16x2048xf32, #tpu.memory_space<hbm>>
    %dma_start3A_647 = arith.constant 0 : i32
    %dma_start3A_648 = arith.constant 0 : i32
    %dma_start3A_649 = tpu.memref_slice %arg9[%arg1, %dma_start3A_644, %dma_start3A_647, %dma_start3A_648] : memref<16x3x16x2048xf32, #tpu.memory_space<vmem_shared>> -> memref<1x1x16x2048xf32, #tpu.memory_space<vmem_shared>>
    %dma_start3A_650 = tpu.memref_squeeze %dma_start3A_649 : memref<1x1x16x2048xf32, #tpu.memory_space<vmem_shared>> -> memref<16x2048xf32, #tpu.memory_space<vmem_shared>>
    tpu.enqueue_dma source(%dma_start3A_650 : memref<16x2048xf32, #tpu.memory_space<vmem_shared>>) target(%dma_start3A_646 : memref<16x2048xf32, #tpu.memory_space<hbm>>) target_semaphore(%arg13 : memref<!tpu.dma_semaphore, #tpu.memory_space<semaphore_mem>>)
    %add3A_651 = arith.constant 208 : i32
    %add3A_652 = arith.addi %mul3A_2, %add3A_651 : i32
    %dma_wait3A_653 = arith.constant 1 : i32
    %dma_wait3A_654 = arith.constant 0 : i32
    %dma_wait3A_655 = tpu.memref_slice %arg7[%add3A_652, %dma_wait3A_654] : memref<8192x2048xf32, #tpu.memory_space<hbm>> -> memref<16x2048xf32, #tpu.memory_space<hbm>>
    %dma_wait3A_656 = arith.constant 0 : i32
    %dma_wait3A_657 = arith.constant 0 : i32
    %dma_wait3A_658 = tpu.memref_slice %arg9[%arg1, %dma_wait3A_653, %dma_wait3A_656, %dma_wait3A_657] : memref<16x3x16x2048xf32, #tpu.memory_space<vmem_shared>> -> memref<1x1x16x2048xf32, #tpu.memory_space<vmem_shared>>
    %dma_wait3A_659 = tpu.memref_squeeze %dma_wait3A_658 : memref<1x1x16x2048xf32, #tpu.memory_space<vmem_shared>> -> memref<16x2048xf32, #tpu.memory_space<vmem_shared>>
    tpu.wait_dma2 semaphore(%arg14 : memref<!tpu.dma_semaphore, #tpu.memory_space<semaphore_mem>>) src(%dma_wait3A_659 : memref<16x2048xf32, #tpu.memory_space<vmem_shared>>) dst(%dma_wait3A_655 : memref<16x2048xf32, #tpu.memory_space<hbm>>)
    %add3A_660 = arith.constant 224 : i32
    %add3A_661 = arith.addi %mul3A_2, %add3A_660 : i32
    %dma_wait3A_662 = arith.constant 2 : i32
    %dma_wait3A_663 = arith.constant 0 : i32
    %dma_wait3A_664 = tpu.memref_slice %arg7[%add3A_661, %dma_wait3A_663] : memref<8192x2048xf32, #tpu.memory_space<hbm>> -> memref<16x2048xf32, #tpu.memory_space<hbm>>
    %dma_wait3A_665 = arith.constant 0 : i32
    %dma_wait3A_666 = arith.constant 0 : i32
    %dma_wait3A_667 = tpu.memref_slice %arg9[%arg1, %dma_wait3A_662, %dma_wait3A_665, %dma_wait3A_666] : memref<16x3x16x2048xf32, #tpu.memory_space<vmem_shared>> -> memref<1x1x16x2048xf32, #tpu.memory_space<vmem_shared>>
    %dma_wait3A_668 = tpu.memref_squeeze %dma_wait3A_667 : memref<1x1x16x2048xf32, #tpu.memory_space<vmem_shared>> -> memref<16x2048xf32, #tpu.memory_space<vmem_shared>>
    tpu.wait_dma2 semaphore(%arg15 : memref<!tpu.dma_semaphore, #tpu.memory_space<semaphore_mem>>) src(%dma_wait3A_668 : memref<16x2048xf32, #tpu.memory_space<vmem_shared>>) dst(%dma_wait3A_664 : memref<16x2048xf32, #tpu.memory_space<hbm>>)
    %add3A_669 = arith.constant 240 : i32
    %add3A_670 = arith.addi %mul3A_2, %add3A_669 : i32
    %dma_wait3A_671 = arith.constant 0 : i32
    %dma_wait3A_672 = arith.constant 0 : i32
    %dma_wait3A_673 = tpu.memref_slice %arg7[%add3A_670, %dma_wait3A_672] : memref<8192x2048xf32, #tpu.memory_space<hbm>> -> memref<16x2048xf32, #tpu.memory_space<hbm>>
    %dma_wait3A_674 = arith.constant 0 : i32
    %dma_wait3A_675 = arith.constant 0 : i32
    %dma_wait3A_676 = tpu.memref_slice %arg9[%arg1, %dma_wait3A_671, %dma_wait3A_674, %dma_wait3A_675] : memref<16x3x16x2048xf32, #tpu.memory_space<vmem_shared>> -> memref<1x1x16x2048xf32, #tpu.memory_space<vmem_shared>>
    %dma_wait3A_677 = tpu.memref_squeeze %dma_wait3A_676 : memref<1x1x16x2048xf32, #tpu.memory_space<vmem_shared>> -> memref<16x2048xf32, #tpu.memory_space<vmem_shared>>
    tpu.wait_dma2 semaphore(%arg13 : memref<!tpu.dma_semaphore, #tpu.memory_space<semaphore_mem>>) src(%dma_wait3A_677 : memref<16x2048xf32, #tpu.memory_space<vmem_shared>>) dst(%dma_wait3A_673 : memref<16x2048xf32, #tpu.memory_space<hbm>>)
    return
  }
}

</mosaic_0001>

<sc_bundles>
// kernel: kernel.3.cloned.1.call-start
scs
__scs_entry_jumppad:
0x0: {  	(pc) =	sbr.rel $0x88, $3  }
0x1: {  	(tag) =	ssettag $0x0;
	lr =	simm.s32 $0x1  }
0x2: {  	[smem:$0x3F9C] =	sst lr;
	_ =	strace $0xD0000000  }
0x3: {  	_ = 	snop  }
0x4: {  	_ = 	snop  }
0x5: {  	_ = 	snop  }
0x6: {  	_ = 	snop  }
0x7: {  	_ = 	snop  }
__scs_overlays_trampoline_lowered:
0x8: {  	[smem:$0x3FAB] =	sst s0  }
0x9: {  	[smem:$0x3FAC] =	sst s1  }
0xa: {  	[smem:$0x3FAD] =	sst s2  }
0xb: {  	[smem:$0x3FAE] =	sst s3  }
0xc: {  	[smem:$0x3FAF] =	sst s4  }
0xd: {  	[smem:$0x3FB0] =	sst s5  }
0xe: {  	[smem:$0x3FB1] =	sst s6  }
0xf: {  	[smem:$0x3FB2] =	sst s7  }
0x10: {  	[smem:$0x3FB3] =	sst s8  }
0x11: {  	[smem:$0x3FB4] =	sst s9;
	s0 =	simm.s32 @!p0 $0x0  }
0x12: {  	s1 =	sld [smem:$0x3F9A];
	s0 =	simm.s32 @p0 $0x1  }
0x13: {  	[smem:$0x3FB5] =	sst s0;
	s0 =	simm.s32 @!p1 $0x0  }
0x14: {  	s2 =	sld [smem:$0x3F99];
	s0 =	simm.s32 @p1 $0x1  }
0x15: {  	[smem:$0x3FB6] =	sst s0;
	s0 =	simm.s32 @!p2 $0x0  }
0x16: {  	s3 =	sld [smem:$0x3FDB];
	s0 =	simm.s32 @p2 $0x1  }
0x17: {  	s4 =	simm.s32 $0x1BF5;
	[smem:$0x3FB8] =	sst s0  }
0x18: {  	s0 =	sld [smem:$0x3F9B];
	_ =	swait.ge [sflag:s4], $0x0  }
0x19: {  	s7 =	sld [smem:$0x3F9C]  }
0x1a: {  	s8 =	sadd.s32 $0xFFFFE003, lr  }
0x1b: {  	s9 =	sadd.s32 $0xFFFFFEF7, lr;
	s5 =	simm.s32 $0xFFFFFFFF;
	p2 =	slt.u32 s8, $0xFFFFF086  }
0x1c: {  	p1 =	slt.u32 s9, $0xF7A;
	s5 =	simm.s32 @!p2 $0x0  }
0x1d: {  	s5 =	simm.s32 @p1 $0x1;
	p0 =	seq.s32 s7, s2  }
0x1e: {  	s7 =	smul.u32 @!p0 $0xF7A, s2;
	p2 =	seq.s32 @!p0 s5, $0x0  }
0x1f: {  	s9 =	smul.u32 $0xF7A, s1;
	s8 =	simm.s32 @!p0 $0x1BF5;
	p2 =	por !p2, p0  }
0x20: {  	[sflag:s8] =	ssyncset.s32 @!p0 $0xFFFFF086;
	s6 =	sadd.s32 @!p0 s3, s7;
	s7 =	simm.s32 @!p0 $0x108  }
0x21: {  	s3 =	sadd.s32 s3, s9;
	s6 =	sadd.s32 @!p0 $0x88, s6;
	s7 =	simm.s32 @p2 $0x1082  }
0x22: {  	[simem:s7], [sflag:s8] =	dma.local @!p0 [hbm:s6], $0xF7A  }
0x23: {  	s9 =	sor.u32 $0xD0000000, s2;
	s6 =	simm.s32 $0x108;
	_ =	swait.ge @!p0 [sflag:s8], $0x0  }
0x24: {  	s3 =	sadd.s32 $0x88, s3;
	s6 =	simm.s32 @!p1 $0x1082;
	[sflag:s4] =	ssyncset.s32 $0xFFFFF086  }
0x25: {  	[simem:s6], [sflag:s4] =	dma.local [hbm:s3], $0xF7A  }
0x26: {  	[smem:$0x3F9C] =	sst s1;
	(tag) =	ssettag s2;
	_ =	strace s9  }
0x27: {  	s1 =	sld [smem:$0x3FAC]  }
0x28: {  	s2 =	sld [smem:$0x3FAD]  }
0x29: {  	s4 =	sld [smem:$0x3FAF]  }
0x2a: {  	p0 =	seq.s32 s5, $0x0;
	s5 =	sld [smem:$0x3FB0]  }
0x2b: {  	s6 =	sld [smem:$0x3FB1]  }
0x2c: {  	s7 =	sld [smem:$0x3FB2]  }
0x2d: {  	s3 =	simm.s32 $0x108;
	s8 =	sld [smem:$0x3FB3]  }
0x2e: {  	s3 =	simm.s32 @!p0 $0x1082;
	s9 =	sld [smem:$0x3FB4]  }
0x2f: {  	lr =	sadd.s32 s0, s3;
	s0 =	sld [smem:$0x3FAB]  }
0x30: {  	s3 =	sld [smem:$0x3FAE]  }
0x31: {  	[smem:$0x3FB7] =	sst s10  }
0x32: {  	s10 =	sld [smem:$0x3FB5];
	_ =	sdelay $0x3  }
0x33: {  	p0 =	seq.s32 s10, $0x1;
	s10 =	sld [smem:$0x3FB7];
	_ =	sdelay $0x3  }
0x34: {  	[smem:$0x3FB7] =	sst s10  }
0x35: {  	s10 =	sld [smem:$0x3FB6];
	_ =	sdelay $0x3  }
0x36: {  	p1 =	seq.s32 s10, $0x1;
	s10 =	sld [smem:$0x3FB7];
	_ =	sdelay $0x3  }
0x37: {  	[smem:$0x3FB7] =	sst s10  }
0x38: {  	s10 =	sld [smem:$0x3FB8]  }
0x39: {  	_ = 	snop;
	(pc) =	sbr.ind lr, $3  }
0x3a: {  	_ = 	snop  }
0x3b: {  	_ = 	snop  }
0x3c: {  	p2 =	seq.s32 s10, $0x1;
	s10 =	sld [smem:$0x3FB7]  }
0x3d: {  	_ =	shalt  }
0x3e: {  	_ =	shalt  }
0x3f: {  	_ =	shalt  }
0x40: {  	_ =	shalt  }
0x41: {  	_ =	shalt  }
0x42: {  	_ =	shalt  }
0x43: {  	_ =	shalt  }
0x44: {  	_ =	shalt  }
0x45: {  	_ =	shalt  }
0x46: {  	_ =	shalt  }
0x47: {  	_ =	shalt  }
0x48: {  	_ =	shalt  }
0x49: {  	_ =	shalt  }
0x4a: {  	_ =	shalt  }
0x4b: {  	_ =	shalt  }
0x4c: {  	_ =	shalt  }
0x4d: {  	_ =	shalt  }
0x4e: {  	_ =	shalt  }
0x4f: {  	_ =	shalt  }
0x50: {  	_ =	shalt  }
0x51: {  	_ =	shalt  }
0x52: {  	_ =	shalt  }
0x53: {  	_ =	shalt  }
0x54: {  	_ =	shalt  }
0x55: {  	_ =	shalt  }
0x56: {  	_ =	shalt  }
0x57: {  	_ =	shalt  }
0x58: {  	_ =	shalt  }
0x59: {  	_ =	shalt  }
0x5a: {  	_ =	shalt  }
0x5b: {  	_ =	shalt  }
0x5c: {  	_ =	shalt  }
0x5d: {  	_ =	shalt  }
0x5e: {  	_ =	shalt  }
0x5f: {  	_ =	shalt  }
0x60: {  	_ =	shalt  }
0x61: {  	_ =	shalt  }
0x62: {  	_ =	shalt  }
0x63: {  	_ =	shalt  }
0x64: {  	_ =	shalt  }
0x65: {  	_ =	shalt  }
0x66: {  	_ =	shalt  }
0x67: {  	_ =	shalt  }
0x68: {  	_ =	shalt  }
0x69: {  	_ =	shalt  }
0x6a: {  	_ =	shalt  }
0x6b: {  	_ =	shalt  }
0x6c: {  	_ =	shalt  }
0x6d: {  	_ =	shalt  }
0x6e: {  	_ =	shalt  }
0x6f: {  	_ =	shalt  }
0x70: {  	_ =	shalt  }
0x71: {  	_ =	shalt  }
0x72: {  	_ =	shalt  }
0x73: {  	_ =	shalt  }
0x74: {  	_ =	shalt  }
0x75: {  	_ =	shalt  }
0x76: {  	_ =	shalt  }
0x77: {  	_ =	shalt  }
0x78: {  	_ =	shalt  }
0x79: {  	_ =	shalt  }
0x7a: {  	_ =	shalt  }
0x7b: {  	_ =	shalt  }
0x7c: {  	_ =	shalt  }
0x7d: {  	_ =	shalt  }
0x7e: {  	_ =	shalt  }
0x7f: {  	_ =	shalt  }
0x80: {  	_ =	shalt  }
0x81: {  	_ =	shalt  }
0x82: {  	_ =	shalt  }
0x83: {  	_ =	shalt  }
0x84: {  	_ =	shalt  }
0x85: {  	_ =	shalt  }
0x86: {  	_ =	shalt  }
0x87: {  	_ =	shalt  }
.Lfunc_end0:
.L_simem_size_0:
called_computation_lowered:
.L_overlay_start_0:
0x88: {  	s2 =	sld [smem:$0x3FD9]  }
0x89: {  	s3 =	sld [smem:$0x3FFE];
	_ =	sdelay $0x1  }
0x8a: {  	s1 =	srdreg.scid  }
0x8b: {  	s0 =	sand.u32 $0x1, s1  }
0x8c: {  	s17 =	sshll.u32 s0, $0xA;
	s2 =	sadd.s32 s3, s2  }
0x8d: {  	s2 =	sadd.s32 s2, s17  }
0x8e: {  	[smem:$0x3FC3] =	sst s2  }
0x8f: {  	_ = 	snop  }
0x90: {  	s2 =	sld [smem:$0x3FC9]  }
0x91: {  	s18 =	sld [smem:$0x3FC8]  }
0x92: {  	s4 =	sld [smem:$0x3FC7]  }
0x93: {  	s5 =	sld [smem:$0x3FC6]  }
0x94: {  	s6 =	sld [smem:$0x3FD0];
	(tm) =	ssettm $0x1  }
0x95: {  	s7 =	sld [smem:$0x3FFB];
	_ =	sdelay $0x3  }
0x96: {  	_ =	strace s7  }
0x97: {  	s7 =	sld [smem:$0x3FFC];
	_ =	sdelay $0x3  }
0x98: {  	_ =	strace s7  }
0x99: {  	s7 =	sld [smem:$0x3FFD];
	_ =	sdelay $0x3  }
0x9a: {  	_ =	strace s7  }
0x9b: {  	_ =	strace $0x8FFFFFFF  }
0x9c: {  	s19 =	sld [smem:$0x3FDB];
	_ =	sdelay $0x1  }
0x9d: {  	s8 =	simm.s32 $_scs_section_size  }
0x9e: {  	s9 =	simm.s32 $_size__tile_overlayer_lowered;
	s10 =	simm.s32 $_tile_overlayer_lowered  }
0x9f: {  	s22 =	simm.s32 $0x1BFF;
	s21 =	sshll.u32 s10, $0x1;
	s7 =	sadd.s32 s8, s19  }
0xa0: {  	s11 =	simm.s32 $0x0;
	s20 =	sshll.u32 s9, $0x1;
	s9 =	sadd.s32 s21, s7  }
0xa1: {  	[timem:s11], [sflag:s22] =	dma.local [hbm:s9], s20  }
0xa2: {  	_ =	swait.ge [sflag:s22], s20  }
0xa3: {  	s8 =	ssub.s32 $0x0, s20;
	[sflag:s22] =	ssyncset.done $0x0  }
0xa4: {  	[sflag:s22] =	ssyncadd.s32 s8;
	_ =	sdelay $0x1  }
0xa5: {  	s23 =	simm.s32 $0x1B8B  }
0xa6: {  	_ =	swait.ge [sflag:s23], $0x1  }
0xa7: {  	[sflag:s23] =	ssyncset.done $0x0  }
0xa8: {  	s25 =	simm.s32 $0x1B8E;
	s24 =	sld [smem:$0x3FFE];
	[sflag:s23] =	ssyncadd.s32 $0xFFFFFFFF  }
0xa9: {  	s26 =	simm.s32 $execute0_lowered;
	[smem:$0x3FD2] =	sst s25  }
0xaa: {  	s9 =	sshll.u32 s26, $0x1;
	_ =	strace $0x80000046;
	[dreg:$0x1] =	wrdreg $0xFFFFFFFF  }
0xab: {  	s28 =	simm.s32 $_size_execute0_lowered;
	s7 =	sadd.s32 s7, s9;
	[dreg:$0x0] =	wrdreg $0x0  }
0xac: {  	s9 =	sshll.u32 s28, $0x1;
	[dreg:$0x2] =	wrdreg s7  }
0xad: {  	[dreg:$0x3] =	wrdreg s9  }
0xae: {  	[dreg:$0x4] =	wrdreg $0xC0  }
0xaf: {  	_ =	task [dreg:s11], $0x5FFFF  }
0xb0: {  	[dreg:$0x1] =	wrdreg $0xFFFFFFFF  }
0xb1: {  	[dreg:$0x0] =	wrdreg $0x60  }
0xb2: {  	[dreg:$0x2] =	wrdreg s2  }
0xb3: {  	[dreg:$0x3] =	wrdreg s18  }
0xb4: {  	[dreg:$0x4] =	wrdreg s4  }
0xb5: {  	[dreg:$0x5] =	wrdreg s5  }
0xb6: {  	[dreg:$0x6] =	wrdreg s24  }
0xb7: {  	[dreg:$0x7] =	wrdreg s6  }
0xb8: {  	[dreg:$0x8] =	wrdreg $0x800  }
0xb9: {  	[dreg:$0x9] =	wrdreg $0x9  }
0xba: {  	_ =	task.clear_ibuf [dreg:s11], $0xAFFFF;
	_ =	strace $0x90000046  }
0xbb: {  	s29 =	simm.s32 $0x9;
	_ =	strace $0x80000048  }
0xbc: {  	_ =	swait.ge [sflag:s29], $0x1  }
0xbd: {  	[sflag:s29] =	ssyncadd.s32 $0xFFFFFFFF  }
0xbe: {  	_ =	strace $0x90000048  }
0xbf: {  	_ =	sfence  }
0xc0: {  	s30 =	sld [smem:$0x0];
	_ =	sdelay $0x2  }
0xc1: {  	s31 =	sshll.u32 s1, $0xD;
	s1 =	sshrl.u32 s1, $0x2  }
0xc2: {  	s3 =	sand.u32 $0x4000, s31;
	s1 =	sadd.s32 s1, s30  }
0xc3: {  	s0 =	sor.u32 s3, s0;
	s1 =	sshll.u32 s1, $0x11  }
0xc4: {  	s0 =	sor.u32 s1, s0  }
0xc5: {  	s0 =	sadd.s32 $0x8F2B, s0  }
0xc6: {  	[sflag:s0] =	ssyncadd.remote.s32 $0x1  }
0xc7: {  	_ =	sfence.sel $0xFFFF  }
0xc8: {  	[dreg:$0x0] =	wrdreg $0xFFFFFFFF;
	(pc) =	sbr.abs _section_cstart, $3  }
0xc9: {  	[dreg:$0x1] =	wrdreg $0xFFFFFFFF  }
0xca: {  	_ =	task.clear_ibuf [dreg:s11], $0x2FFFF;
	_ =	strace $0x9FFFFFFF  }
0xcb: {  	(tm) =	ssettm $0x7FFFFFFF  }
tec
execute0_lowered:
.L_overlay_start_1:
0x0: {  	(tag) =	ssettag $0x1  }
0x1: {  	s2 =	rddreg [dreg:$0x0]  }
0x2: {  	s3 =	rddreg [dreg:$0x1]  }
0x3: {  	s4 =	rddreg [dreg:$0x2]  }
0x4: {  	s5 =	rddreg [dreg:$0x3]  }
0x5: {  	s6 =	rddreg [dreg:$0x4]  }
0x6: {  	s7 =	rddreg [dreg:$0x5]  }
0x7: {  	s1 =	rddreg [dreg:$0x6];
	s0 =	srdreg.scid  }
0x8: {  	s22 =	stileid.u32;
	s9 =	sand.u32 $0x1, s0;
	s0 =	simm.s32 $0x0  }
0x9: {  	s8 =	sshll.u32 s22, $0x11;
	[smem:$0x7FC] =	sst s9;
	s9 =	sshll.u32 s9, $0x10  }
0xa: {  	[smem:$0x7FF] =	sst s0;
	s8 =	sor.u32 s9, s8  }
0xb: {  	s6 =	sadd.s32 $0x400, s6;
	_ =	strace $0x80000047;
	s9 =	sadd.s32 s2, s8  }
0xc: {  	[dreg:$0x8] =	wrdreg s6;
	s10 =	sadd.s32 s3, s8;
	s2 =	sadd.s32 $0x1000, s9  }
0xd: {  	s13 =	sadd.s32 s4, s8;
	s15 =	sadd.s32 $0x1000, s10;
	[dreg:$0x9] =	wrdreg s2  }
0xe: {  	s14 =	sadd.s32 s5, s8;
	s16 =	sadd.s32 $0x1000, s13;
	[dreg:$0xa] =	wrdreg s15  }
0xf: {  	s17 =	sadd.s32 $0x1000, s14;
	[dreg:$0xb] =	wrdreg s16  }
0x10: {  	s18 =	sadd.s32 $0x2000, s9;
	[dreg:$0xc] =	wrdreg s17  }
0x11: {  	s19 =	sadd.s32 $0x2000, s10;
	[dreg:$0xd] =	wrdreg s18  }
0x12: {  	s20 =	sadd.s32 $0x2000, s13;
	[dreg:$0xe] =	wrdreg s19  }
0x13: {  	s23 =	sadd.s32 s7, s8;
	s21 =	sadd.s32 $0x2000, s14;
	[dreg:$0xf] =	wrdreg s20  }
0x14: {  	s24 =	sadd.s32 $0x1000, s23;
	[dreg:$0x10] =	wrdreg s21  }
0x15: {  	s25 =	sadd.s32 $0x3000, s9;
	[dreg:$0x11] =	wrdreg s24  }
0x16: {  	s26 =	sadd.s32 $0x3000, s10;
	[dreg:$0x12] =	wrdreg s25  }
0x17: {  	s28 =	sadd.s32 $0x3000, s13;
	[dreg:$0x13] =	wrdreg s26  }
0x18: {  	s29 =	sadd.s32 $0x3000, s14;
	[dreg:$0x14] =	wrdreg s28  }
0x19: {  	s30 =	sadd.s32 $0x2000, s23;
	[dreg:$0x15] =	wrdreg s29  }
0x1a: {  	s31 =	sadd.s32 $0x4000, s9;
	[dreg:$0x16] =	wrdreg s30  }
0x1b: {  	s3 =	sadd.s32 $0x4000, s10;
	[dreg:$0x17] =	wrdreg s31  }
0x1c: {  	s4 =	sadd.s32 $0x4000, s13;
	[dreg:$0x18] =	wrdreg s3  }
0x1d: {  	s5 =	sadd.s32 $0x4000, s14;
	[dreg:$0x19] =	wrdreg s4  }
0x1e: {  	s6 =	sadd.s32 $0x3000, s23;
	[dreg:$0x1a] =	wrdreg s5  }
0x1f: {  	s7 =	sadd.s32 $0x5000, s9;
	[dreg:$0x1b] =	wrdreg s6  }
0x20: {  	s8 =	sadd.s32 $0x5000, s10;
	[dreg:$0x1c] =	wrdreg s7  }
0x21: {  	s11 =	sadd.s32 $0x5000, s13;
	[dreg:$0x1d] =	wrdreg s8  }
0x22: {  	s12 =	sadd.s32 $0x5000, s14;
	[dreg:$0x1e] =	wrdreg s11  }
0x23: {  	[dreg:$0x1f] =	wrdreg s12;
	s15 =	sadd.s32 $0x4000, s23  }
0x24: {  	s16 =	sadd.s32 $0x6000, s9;
	[smem:$0x7B4] =	sst s15  }
0x25: {  	s17 =	sadd.s32 $0x6000, s10;
	[smem:$0x7B5] =	sst s16  }
0x26: {  	s18 =	sadd.s32 $0x6000, s13;
	[smem:$0x7B6] =	sst s17  }
0x27: {  	s19 =	sadd.s32 $0x6000, s14;
	[smem:$0x7B7] =	sst s18  }
0x28: {  	s20 =	sadd.s32 $0x5000, s23;
	[smem:$0x7B8] =	sst s19  }
0x29: {  	s21 =	sadd.s32 $0x7000, s9;
	[smem:$0x7B9] =	sst s20  }
0x2a: {  	s24 =	sadd.s32 $0x7000, s10;
	[smem:$0x7BA] =	sst s21  }
0x2b: {  	s25 =	sadd.s32 $0x7000, s13;
	[smem:$0x7BB] =	sst s24  }
0x2c: {  	s26 =	sadd.s32 $0x7000, s14;
	[smem:$0x7BC] =	sst s25  }
0x2d: {  	s28 =	sadd.s32 $0x6000, s23;
	[smem:$0x7BE] =	sst s26  }
0x2e: {  	s29 =	sadd.s32 $0x8000, s9;
	[smem:$0x7BF] =	sst s28  }
0x2f: {  	s30 =	sadd.s32 $0x8000, s10;
	[smem:$0x7C1] =	sst s29  }
0x30: {  	s31 =	sadd.s32 $0x8000, s13;
	[smem:$0x7C2] =	sst s30  }
0x31: {  	s3 =	sadd.s32 $0x8000, s14;
	[smem:$0x7C3] =	sst s31  }
0x32: {  	s4 =	sadd.s32 $0x7000, s23;
	[smem:$0x7C4] =	sst s3  }
0x33: {  	s5 =	sadd.s32 $0x9000, s9;
	[smem:$0x7C6] =	sst s4  }
0x34: {  	s6 =	sadd.s32 $0x9000, s10;
	[smem:$0x7C9] =	sst s5  }
0x35: {  	s7 =	sadd.s32 $0x9000, s13;
	[smem:$0x7CA] =	sst s6  }
0x36: {  	s8 =	sadd.s32 $0x9000, s14;
	[smem:$0x7CC] =	sst s7  }
0x37: {  	s11 =	sadd.s32 $0x8000, s23;
	[smem:$0x7CE] =	sst s8  }
0x38: {  	s12 =	sadd.s32 $0xA000, s9;
	[smem:$0x7CF] =	sst s11  }
0x39: {  	[smem:$0x7D1] =	sst s12;
	s15 =	sadd.s32 $0xA000, s10  }
0x3a: {  	s16 =	sadd.s32 $0xA000, s13;
	[smem:$0x7D3] =	sst s15  }
0x3b: {  	s17 =	sadd.s32 $0xA000, s14;
	[smem:$0x7D6] =	sst s16  }
0x3c: {  	s18 =	sadd.s32 $0x9000, s23;
	[smem:$0x7D7] =	sst s17  }
0x3d: {  	s19 =	sadd.s32 $0xB000, s9;
	[smem:$0x7D9] =	sst s18  }
0x3e: {  	s20 =	sadd.s32 $0xB000, s10;
	[smem:$0x7DA] =	sst s19  }
0x3f: {  	s21 =	sadd.s32 $0xB000, s13;
	[smem:$0x7DB] =	sst s20  }
0x40: {  	s24 =	sadd.s32 $0xB000, s14;
	[smem:$0x7DC] =	sst s21  }
0x41: {  	s25 =	sadd.s32 $0xA000, s23;
	[smem:$0x7DD] =	sst s24  }
0x42: {  	s26 =	sadd.s32 $0xC000, s9;
	[smem:$0x7DE] =	sst s25  }
0x43: {  	s28 =	sadd.s32 $0xC000, s10;
	[smem:$0x7DF] =	sst s26  }
0x44: {  	s29 =	sadd.s32 $0xC000, s13;
	[smem:$0x7E0] =	sst s28  }
0x45: {  	s30 =	sadd.s32 $0xC000, s14;
	[smem:$0x7E1] =	sst s29  }
0x46: {  	s31 =	sadd.s32 $0xB000, s23;
	[smem:$0x7E2] =	sst s30  }
0x47: {  	s3 =	sadd.s32 $0xD000, s9;
	[smem:$0x7E5] =	sst s31  }
0x48: {  	s4 =	sadd.s32 $0xD000, s10;
	[smem:$0x7E7] =	sst s3  }
0x49: {  	s5 =	sadd.s32 $0xD000, s13;
	[smem:$0x7E9] =	sst s4  }
0x4a: {  	s6 =	sadd.s32 $0xD000, s14;
	[smem:$0x7EA] =	sst s5  }
0x4b: {  	s7 =	sadd.s32 $0xC000, s23;
	[smem:$0x7EC] =	sst s6  }
0x4c: {  	s8 =	sadd.s32 $0xE000, s9;
	[smem:$0x7ED] =	sst s7  }
0x4d: {  	s11 =	sadd.s32 $0xE000, s10;
	[smem:$0x7EE] =	sst s8  }
0x4e: {  	s12 =	sadd.s32 $0xE000, s13;
	[smem:$0x7F0] =	sst s11  }
0x4f: {  	[smem:$0x7F2] =	sst s12  }
0x50: {  	s15 =	sadd.s32 $0xE000, s14;
	s24 =	rddreg [dreg:$0x8]  }
0x51: {  	s16 =	sadd.s32 $0xD000, s23;
	[smem:$0x7F4] =	sst s15  }
0x52: {  	s17 =	sadd.s32 $0xF000, s9;
	[smem:$0x7F5] =	sst s16  }
0x53: {  	s18 =	sadd.s32 $0xF000, s10;
	[smem:$0x7F6] =	sst s17  }
0x54: {  	s19 =	sadd.s32 $0xF000, s13;
	[smem:$0x7F7] =	sst s18  }
0x55: {  	s20 =	sadd.s32 $0xF000, s14;
	[smem:$0x7F8] =	sst s19  }
0x56: {  	s21 =	sadd.s32 $0xE000, s23;
	[smem:$0x7F9] =	sst s20  }
0x57: {  	s25 =	sadd.s32 $0xF000, s23;
	[smem:$0x7FA] =	sst s21  }
0x58: {  	s26 =	simm.s32 $0x7;
	[smem:$0x7FB] =	sst s25  }
0x59: {  	[tilespmem:s0], [sflag:$0x7] =	stream.linear.gather [hbm4b:s24+s0], $0x80, $0x38;
	[tilespmem:$0x18080] =	vst v63  }
0x5a: {  	_ =	swait.ge [sflag:s26], $0x80  }
0x5b: {  	[sflag:s26] =	ssyncset.done $0x0  }
0x5c: {  	[sflag:s26] =	ssyncadd.s32 $0xFFFFFF80  }
0x5d: {  	v1 =	vld [tilespmem:$0x0];
	_ =	sdelay $0x4  }
0x5e: {  	v0 =	vimm.f32 $0.0e+00;
	vm0 =	veq.s32 v1, $0x0  }
0x5f: {  	vm1 =	veq.s32 v1, $0x1;
	v2 =	vsel vm0, $0x3F800000, v0  }
0x60: {  	v3 =	vsel vm1, $0x3F800000, v0;
	(xrf0) =	vmax.scan.msk.f32 $0xffff, v2  }
0x61: {  	vm14 =	veq.s32 v1, $0x2;
	(xrf0) =	vmax.scan.msk.f32 $0xffff, v3  }
0x62: {  	vm15 =	veq.s32 v1, $0x3;
	v2 =	vsel vm14, $0x3F800000, v0  }
0x63: {  	v1 =	vsel vm15, $0x3F800000, v0;
	(xrf0) =	vmax.scan.msk.f32 $0xffff, v2;
	_ =	sdelay $0x2  }
0x64: {  	(xrf0) =	vmax.scan.msk.f32 $0xffff, v1;
	v1, _, _ =	vpop (xrf0)  }
0x65: {  	(v2sf) =	vpush v1, $0xF;
	v1, _, _ =	vpop (xrf0)  }
0x66: {  	(v2sf) =	vpush v1, $0xF  }
0x67: {  	v1, _, _ =	vpop (xrf0)  }
0x68: {  	(v2sf) =	vpush v1, $0xF;
	_ =	sdelay $0x2  }
0x69: {  	v1, _, _ =	vpop (xrf0)  }
0x6a: {  	(v2sf) =	vpush v1, $0xF;
	_ =	sdelay $0x7  }
0x6b: {  	s28 =	smul.u32 $0x60000, s22;
	s29 =	spop (v2sf)  }
0x6c: {  	s30 =	spop (v2sf)  }
0x6d: {  	s2 =	sshrl.u32 s28, $0x2;
	[smem:$0x7A7] =	sst s9;
	p1 =	sgt.f32 s30, $0.0e+00  }
0x6e: {  	s0 =	sadd.s32 s2, s1;
	p0 =	sgt.f32 s29, $0.0e+00;
	s31 =	spop (v2sf)  }
0x6f: {  	p2 =	sgt.f32 s31, $0.0e+00;
	s12 =	sshll.u32 @p1 s22, $0x6;
	s8 =	sshrl.u32 @p1 s0, $0x3  }
0x70: {  	s11 =	sshll.u32 @p0 s22, $0x6;
	s2 =	sor.u32 @p1 $0x1C01, s12;
	[smem:$0x7AE] =	sst s8  }
0x71: {  	s15 =	sshll.u32 @p2 s22, $0x6;
	s3 =	sshrl.u32 @p2 s0, $0x3;
	[smem:$0x7CB] =	sst s2  }
0x72: {  	s1 =	spop (v2sf);
	[smem:$0x7CD] =	sst s3;
	s4 =	sor.u32 @p2 $0x1C01, s15  }
0x73: {  	s17 =	sshrl.u32 @p0 s0, $0x3;
	s20 =	sor.u32 @p0 $0x1C01, s11;
	[smem:$0x7AF] =	sst s4  }
0x74: {  	[spmem:s17], [sflag:s20] =	dma.local @p0 [hbm:s9], $0x1000  }
0x75: {  	p3 =	sgt.f32 s1, $0.0e+00;
	[smem:$0x7A8] =	sst s10  }
0x76: {  	[spmem:s8], [sflag:s2] =	dma.local @p1 [hbm:s10], $0x1000  }
0x77: {  	s16 =	sshll.u32 @p3 s22, $0x6;
	[smem:$0x7A9] =	sst s13  }
0x78: {  	[spmem:s3], [sflag:s4] =	dma.local @p2 [hbm:s13], $0x1000  }
0x79: {  	s6 =	sshrl.u32 @p3 s0, $0x3;
	s31 =	sor.u32 @p3 $0x1C01, s16;
	[smem:$0x7AA] =	sst s14  }
0x7a: {  	[spmem:s6], [sflag:s31] =	dma.local @p3 [hbm:s14], $0x1000  }
0x7b: {  	[smem:$0x7E3] =	sst s6  }
0x7c: {  	s2 =	sor.u32 @p0 $0x1C02, s11;
	[smem:$0x7E4] =	sst s31  }
0x7d: {  	s1 =	sadd.s32 $0x8000, s0;
	[smem:$0x7E8] =	sst s2  }
0x7e: {  	s3 =	sshrl.u32 @p0 s1, $0x3;
	s13 =	rddreg [dreg:$0x9]  }
0x7f: {  	[spmem:s3], [sflag:s2] =	dma.local @p0 [hbm:s13], $0x1000  }
0x80: {  	s2 =	sor.u32 @p1 $0x1C02, s12;
	s14 =	rddreg [dreg:$0xa]  }
0x81: {  	s13 =	smov.u32 s3;
	s3 =	sshrl.u32 @p1 s1, $0x3;
	[smem:$0x7D4] =	sst s2  }
0x82: {  	[smem:$0x7D5] =	sst s3  }
0x83: {  	[spmem:s3], [sflag:s2] =	dma.local @p1 [hbm:s14], $0x1000  }
0x84: {  	s30 =	sshrl.u32 @p2 s1, $0x3;
	s10 =	sor.u32 @p2 $0x1C02, s15;
	s14 =	rddreg [dreg:$0xb]  }
0x85: {  	[spmem:s30], [sflag:s10] =	dma.local @p2 [hbm:s14], $0x1000  }
0x86: {  	[smem:$0x7EB] =	sst s30  }
0x87: {  	s29 =	sshrl.u32 @p3 s1, $0x3;
	[smem:$0x7BD] =	sst s10  }
0x88: {  	s8 =	sor.u32 @p3 $0x1C02, s16;
	s3 =	sor.u32 @p0 $0x1C03, s11;
	s14 =	rddreg [dreg:$0xc]  }
0x89: {  	[spmem:s29], [sflag:s8] =	dma.local @p3 [hbm:s14], $0x1000  }
0x8a: {  	s2 =	sadd.s32 $0x10000, s0;
	[smem:$0x7B1] =	sst s3  }
0x8b: {  	s21 =	sshrl.u32 @p0 s2, $0x3;
	s18 =	rddreg [dreg:$0xd]  }
0x8c: {  	[spmem:s21], [sflag:s3] =	dma.local @p0 [hbm:s18], $0x1000  }
0x8d: {  	s9 =	sor.u32 @p1 $0x1C03, s12;
	s7 =	sshrl.u32 @p1 s2, $0x3;
	s19 =	rddreg [dreg:$0xe]  }
0x8e: {  	[spmem:s7], [sflag:s9] =	dma.local @p1 [hbm:s19], $0x1000  }
0x8f: {  	s3 =	sor.u32 @p2 $0x1C03, s15;
	[smem:$0x7F1] =	sst s9  }
0x90: {  	[smem:$0x7B2] =	sst s3  }
0x91: {  	s28 =	sshrl.u32 @p2 s2, $0x3;
	s12 =	rddreg [dreg:$0xf]  }
0x92: {  	[spmem:s28], [sflag:s3] =	dma.local @p2 [hbm:s12], $0x1000  }
0x93: {  	[smem:$0x7F3] =	sst s28  }
0x94: {  	s3 =	sor.u32 @p3 $0x1C03, s16;
	s12 =	rddreg [dreg:$0x10]  }
0x95: {  	s25 =	sshrl.u32 @p3 s2, $0x3;
	[smem:$0x7B3] =	sst s3  }
0x96: {  	[spmem:s25], [sflag:s3] =	dma.local @p3 [hbm:s12], $0x1000  }
0x97: {  	s26 =	simm.s32 $0x1;
	[smem:$0x7C5] =	sst s25  }
0x98: {  	s22 =	sshll.u32 s22, $0x6;
	_ =	swait.ge [sflag:s26], $0x1000  }
0x99: {  	s14 =	sor.u32 $0x1C04, s22;
	[sflag:s26] =	ssyncset.done $0x0;
	[smem:$0x7AB] =	sst s0  }
0x9a: {  	s15 =	sshrl.u32 s0, $0x3;
	[smem:$0x7AC] =	sst s23;
	[sflag:s26] =	ssyncadd.s32 $0xFFFFF000  }
0x9b: {  	[hbm:s23], [sflag:s14] =	dma.local [spmem:s15], $0x1000  }
0x9c: {  	s3 =	simm.s32 $0x2;
	[smem:$0x7C0] =	sst s15  }
0x9d: {  	_ =	swait.ge [sflag:s3], $0x1000  }
0x9e: {  	s24 =	sor.u32 $0x1C05, s22;
	s4 =	rddreg [dreg:$0x11];
	[sflag:s3] =	ssyncset.done $0x0  }
0x9f: {  	s12 =	sshrl.u32 s1, $0x3;
	[smem:$0x7AD] =	sst s1;
	[sflag:s3] =	ssyncadd.s32 $0xFFFFF000  }
0xa0: {  	[hbm:s4], [sflag:s24] =	dma.local [spmem:s12], $0x1000  }
0xa1: {  	[smem:$0x7C7] =	sst s12  }
0xa2: {  	s5 =	simm.s32 $0x4;
	[smem:$0x7C8] =	sst s24  }
0xa3: {  	_ =	swait.ge [sflag:s5], $0x1000  }
0xa4: {  	[sflag:s5] =	ssyncset.done $0x0  }
0xa5: {  	s19 =	rddreg [dreg:$0x12];
	[sflag:s5] =	ssyncadd.s32 $0xFFFFF000  }
0xa6: {  	[spmem:s17], [sflag:s20] =	dma.local @p0 [hbm:s19], $0x1000  }
0xa7: {  	s4 =	sld [smem:$0x7CB]  }
0xa8: {  	s3 =	sld [smem:$0x7AE];
	_ =	sdelay $0x1  }
0xa9: {  	s19 =	rddreg [dreg:$0x13]  }
0xaa: {  	[spmem:s3], [sflag:s4] =	dma.local @p1 [hbm:s19], $0x1000  }
0xab: {  	s5 =	sld [smem:$0x7CD]  }
0xac: {  	s1 =	sld [smem:$0x7AF];
	_ =	sdelay $0x1  }
0xad: {  	s19 =	rddreg [dreg:$0x14]  }
0xae: {  	[spmem:s5], [sflag:s1] =	dma.local @p2 [hbm:s19], $0x1000  }
0xaf: {  	s19 =	rddreg [dreg:$0x15]  }
0xb0: {  	[spmem:s6], [sflag:s31] =	dma.local @p3 [hbm:s19], $0x1000  }
0xb1: {  	s31 =	simm.s32 $0x3  }
0xb2: {  	_ =	swait.ge [sflag:s31], $0x1000  }
0xb3: {  	s6 =	sor.u32 $0x1C06, s22;
	s11 =	rddreg [dreg:$0x16];
	[sflag:s31] =	ssyncset.done $0x0  }
0xb4: {  	s19 =	sshrl.u32 s2, $0x3;
	[smem:$0x7B0] =	sst s2;
	[sflag:s31] =	ssyncadd.s32 $0xFFFFF000  }
0xb5: {  	[hbm:s11], [sflag:s6] =	dma.local [spmem:s19], $0x1000  }
0xb6: {  	s22 =	simm.s32 $0x5;
	[smem:$0x7D0] =	sst s19  }
0xb7: {  	_ =	swait.ge [sflag:s22], $0x1000  }
0xb8: {  	s18 =	smov.u32 s17;
	s17 =	sld [smem:$0x7E8]  }
0xb9: {  	s23 =	rddreg [dreg:$0x17];
	[sflag:s22] =	ssyncset.done $0x0  }
0xba: {  	[smem:$0x7D2] =	sst s13;
	[sflag:s22] =	ssyncadd.s32 $0xFFFFF000  }
0xbb: {  	[spmem:s13], [sflag:s17] =	dma.local @p0 [hbm:s23], $0x1000  }
0xbc: {  	s2 =	sld [smem:$0x7D5]  }
0xbd: {  	s11 =	sld [smem:$0x7D4];
	_ =	sdelay $0x1  }
0xbe: {  	s23 =	rddreg [dreg:$0x18]  }
0xbf: {  	[spmem:s2], [sflag:s11] =	dma.local @p1 [hbm:s23], $0x1000  }
0xc0: {  	s23 =	rddreg [dreg:$0x19]  }
0xc1: {  	[spmem:s30], [sflag:s10] =	dma.local @p2 [hbm:s23], $0x1000  }
0xc2: {  	s23 =	rddreg [dreg:$0x1a]  }
0xc3: {  	[spmem:s29], [sflag:s8] =	dma.local @p3 [hbm:s23], $0x1000  }
0xc4: {  	[smem:$0x7D8] =	sst s8  }
0xc5: {  	_ =	swait.ge [sflag:s26], $0x1000  }
0xc6: {  	[sflag:s26] =	ssyncset.done $0x0  }
0xc7: {  	s23 =	simm.s32 $0x6;
	s16 =	rddreg [dreg:$0x1b];
	[sflag:s26] =	ssyncadd.s32 $0xFFFFF000  }
0xc8: {  	[hbm:s16], [sflag:s14] =	dma.local [spmem:s15], $0x1000  }
0xc9: {  	_ =	swait.ge [sflag:s23], $0x1000  }
0xca: {  	s10 =	sld [smem:$0x7B1]  }
0xcb: {  	[sflag:s23] =	ssyncset.done $0x0  }
0xcc: {  	s0 =	rddreg [dreg:$0x1c];
	[sflag:s23] =	ssyncadd.s32 $0xFFFFF000  }
0xcd: {  	[spmem:s21], [sflag:s10] =	dma.local @p0 [hbm:s0], $0x1000  }
0xce: {  	s0 =	rddreg [dreg:$0x1d]  }
0xcf: {  	[spmem:s7], [sflag:s9] =	dma.local @p1 [hbm:s0], $0x1000  }
0xd0: {  	s16 =	sld [smem:$0x7B2];
	_ =	sdelay $0x1  }
0xd1: {  	s0 =	rddreg [dreg:$0x1e]  }
0xd2: {  	[spmem:s28], [sflag:s16] =	dma.local @p2 [hbm:s0], $0x1000  }
0xd3: {  	s9 =	sld [smem:$0x7B3]  }
0xd4: {  	s30 =	smov.u32 s29  }
0xd5: {  	s29 =	smov.u32 s21;
	s21 =	simm.s32 $0x2;
	s0 =	rddreg [dreg:$0x1f]  }
0xd6: {  	[spmem:s25], [sflag:s9] =	dma.local @p3 [hbm:s0], $0x1000  }
0xd7: {  	_ =	swait.ge [sflag:s21], $0x1000  }
0xd8: {  	s25 =	sld [smem:$0x7B4]  }
0xd9: {  	[sflag:s21] =	ssyncset.done $0x0  }
0xda: {  	s28 =	simm.s32 $0x4;
	[sflag:s21] =	ssyncadd.s32 $0xFFFFF000  }
0xdb: {  	[hbm:s25], [sflag:s24] =	dma.local [spmem:s12], $0x1000  }
0xdc: {  	_ =	swait.ge [sflag:s28], $0x1000  }
0xdd: {  	s0 =	sld [smem:$0x7B5]  }
0xde: {  	[sflag:s28] =	ssyncset.done $0x0  }
0xdf: {  	[sflag:s28] =	ssyncadd.s32 $0xFFFFF000  }
0xe0: {  	[spmem:s18], [sflag:s20] =	dma.local @p0 [hbm:s0], $0x1000  }
0xe1: {  	s0 =	sld [smem:$0x7B6];
	_ =	sdelay $0x2  }
0xe2: {  	[spmem:s3], [sflag:s4] =	dma.local @p1 [hbm:s0], $0x1000  }
0xe3: {  	s0 =	sld [smem:$0x7B7];
	_ =	sdelay $0x2  }
0xe4: {  	[spmem:s5], [sflag:s1] =	dma.local @p2 [hbm:s0], $0x1000  }
0xe5: {  	s0 =	sld [smem:$0x7B8]  }
0xe6: {  	s12 =	sld [smem:$0x7E4]  }
0xe7: {  	s28 =	smov.u32 s3;
	s3 =	sld [smem:$0x7E3];
	_ =	sdelay $0x2  }
0xe8: {  	[spmem:s3], [sflag:s12] =	dma.local @p3 [hbm:s0], $0x1000  }
0xe9: {  	_ =	swait.ge [sflag:s31], $0x1000  }
0xea: {  	s5 =	sld [smem:$0x7B9]  }
0xeb: {  	[sflag:s31] =	ssyncset.done $0x0  }
0xec: {  	[sflag:s31] =	ssyncadd.s32 $0xFFFFF000  }
0xed: {  	[hbm:s5], [sflag:s6] =	dma.local [spmem:s19], $0x1000  }
0xee: {  	[smem:$0x7E6] =	sst s6  }
0xef: {  	_ =	swait.ge [sflag:s22], $0x1000  }
0xf0: {  	s0 =	sld [smem:$0x7BA]  }
0xf1: {  	[sflag:s22] =	ssyncset.done $0x0  }
0xf2: {  	[sflag:s22] =	ssyncadd.s32 $0xFFFFF000  }
0xf3: {  	[spmem:s13], [sflag:s17] =	dma.local @p0 [hbm:s0], $0x1000  }
0xf4: {  	s0 =	sld [smem:$0x7BB];
	_ =	sdelay $0x2  }
0xf5: {  	[spmem:s2], [sflag:s11] =	dma.local @p1 [hbm:s0], $0x1000  }
0xf6: {  	s0 =	sld [smem:$0x7BC]  }
0xf7: {  	s15 =	smov.u32 s14;
	s14 =	sld [smem:$0x7BD]  }
0xf8: {  	s25 =	sld [smem:$0x7EB];
	_ =	sdelay $0x2  }
0xf9: {  	[spmem:s25], [sflag:s14] =	dma.local @p2 [hbm:s0], $0x1000  }
0xfa: {  	s0 =	sld [smem:$0x7BE];
	_ =	sdelay $0x2  }
0xfb: {  	[spmem:s30], [sflag:s8] =	dma.local @p3 [hbm:s0], $0x1000  }
0xfc: {  	_ =	swait.ge [sflag:s26], $0x1000  }
0xfd: {  	s13 =	sld [smem:$0x7BF]  }
0xfe: {  	s21 =	smov.u32 s18;
	s18 =	smov.u32 s17;
	s17 =	sld [smem:$0x7C0]  }
0xff: {  	[sflag:s26] =	ssyncset.done $0x0  }
0x100: {  	[sflag:s26] =	ssyncadd.s32 $0xFFFFF000  }
0x101: {  	[hbm:s13], [sflag:s15] =	dma.local [spmem:s17], $0x1000  }
0x102: {  	_ =	swait.ge [sflag:s23], $0x1000  }
0x103: {  	s0 =	sld [smem:$0x7C1]  }
0x104: {  	[sflag:s23] =	ssyncset.done $0x0  }
0x105: {  	[smem:$0x7EF] =	sst s29;
	[sflag:s23] =	ssyncadd.s32 $0xFFFFF000  }
0x106: {  	[spmem:s29], [sflag:s10] =	dma.local @p0 [hbm:s0], $0x1000  }
0x107: {  	s0 =	sld [smem:$0x7C2]  }
0x108: {  	s4 =	sld [smem:$0x7F1];
	_ =	sdelay $0x2  }
0x109: {  	[spmem:s7], [sflag:s4] =	dma.local @p1 [hbm:s0], $0x1000  }
0x10a: {  	s0 =	sld [smem:$0x7C3]  }
0x10b: {  	s19 =	smov.u32 s6;
	s6 =	sld [smem:$0x7F3];
	_ =	sdelay $0x2  }
0x10c: {  	[spmem:s6], [sflag:s16] =	dma.local @p2 [hbm:s0], $0x1000  }
0x10d: {  	s24 =	smov.u32 s1;
	s0 =	sld [smem:$0x7C4]  }
0x10e: {  	s1 =	smov.u32 s29;
	s29 =	smov.u32 s7;
	s7 =	sld [smem:$0x7C5]  }
0x10f: {  	_ =	sdelay $0x1  }
0x110: {  	[spmem:s7], [sflag:s9] =	dma.local @p3 [hbm:s0], $0x1000  }
0x111: {  	s0 =	simm.s32 $0x2  }
0x112: {  	_ =	swait.ge [sflag:s0], $0x1000  }
0x113: {  	s5 =	sld [smem:$0x7C6]  }
0x114: {  	s13 =	sld [smem:$0x7C7]  }
0x115: {  	s8 =	sld [smem:$0x7C8]  }
0x116: {  	[sflag:s0] =	ssyncset.done $0x0  }
0x117: {  	s11 =	simm.s32 $0x4;
	[sflag:s0] =	ssyncadd.s32 $0xFFFFF000  }
0x118: {  	[hbm:s5], [sflag:s8] =	dma.local [spmem:s13], $0x1000  }
0x119: {  	_ =	swait.ge [sflag:s11], $0x1000  }
0x11a: {  	s0 =	sld [smem:$0x7C9]  }
0x11b: {  	[sflag:s11] =	ssyncset.done $0x0  }
0x11c: {  	[sflag:s11] =	ssyncadd.s32 $0xFFFFF000  }
0x11d: {  	[spmem:s21], [sflag:s20] =	dma.local @p0 [hbm:s0], $0x1000  }
0x11e: {  	s0 =	sld [smem:$0x7CA]  }
0x11f: {  	s2 =	sld [smem:$0x7CB];
	_ =	sdelay $0x2  }
0x120: {  	[spmem:s28], [sflag:s2] =	dma.local @p1 [hbm:s0], $0x1000  }
0x121: {  	s0 =	sld [smem:$0x7CC]  }
0x122: {  	s11 =	smov.u32 s20;
	s20 =	sld [smem:$0x7CD];
	_ =	sdelay $0x2  }
0x123: {  	[spmem:s20], [sflag:s24] =	dma.local @p2 [hbm:s0], $0x1000  }
0x124: {  	s0 =	sld [smem:$0x7CE];
	_ =	sdelay $0x2  }
0x125: {  	[spmem:s3], [sflag:s12] =	dma.local @p3 [hbm:s0], $0x1000  }
0x126: {  	_ =	swait.ge [sflag:s31], $0x1000  }
0x127: {  	s12 =	sld [smem:$0x7CF]  }
0x128: {  	s5 =	smov.u32 s21;
	s21 =	sld [smem:$0x7D0]  }
0x129: {  	[sflag:s31] =	ssyncset.done $0x0  }
0x12a: {  	[sflag:s31] =	ssyncadd.s32 $0xFFFFF000  }
0x12b: {  	[hbm:s12], [sflag:s19] =	dma.local [spmem:s21], $0x1000  }
0x12c: {  	_ =	swait.ge [sflag:s22], $0x1000  }
0x12d: {  	s0 =	sld [smem:$0x7D1]  }
0x12e: {  	s19 =	sld [smem:$0x7D2]  }
0x12f: {  	[sflag:s22] =	ssyncset.done $0x0  }
0x130: {  	[sflag:s22] =	ssyncadd.s32 $0xFFFFF000  }
0x131: {  	[spmem:s19], [sflag:s18] =	dma.local @p0 [hbm:s0], $0x1000  }
0x132: {  	s0 =	sld [smem:$0x7D3]  }
0x133: {  	s12 =	sld [smem:$0x7D4]  }
0x134: {  	s3 =	sld [smem:$0x7D5];
	_ =	sdelay $0x2  }
0x135: {  	[spmem:s3], [sflag:s12] =	dma.local @p1 [hbm:s0], $0x1000  }
0x136: {  	s0 =	sld [smem:$0x7D6];
	_ =	sdelay $0x2  }
0x137: {  	[spmem:s25], [sflag:s14] =	dma.local @p2 [hbm:s0], $0x1000  }
0x138: {  	s0 =	sld [smem:$0x7D7]  }
0x139: {  	s25 =	smov.u32 s14;
	s14 =	sld [smem:$0x7D8];
	_ =	sdelay $0x2  }
0x13a: {  	[spmem:s30], [sflag:s14] =	dma.local @p3 [hbm:s0], $0x1000  }
0x13b: {  	_ =	swait.ge [sflag:s26], $0x1000  }
0x13c: {  	s18 =	sld [smem:$0x7D9]  }
0x13d: {  	[sflag:s26] =	ssyncset.done $0x0  }
0x13e: {  	[sflag:s26] =	ssyncadd.s32 $0xFFFFF000  }
0x13f: {  	[hbm:s18], [sflag:s15] =	dma.local [spmem:s17], $0x1000  }
0x140: {  	_ =	swait.ge [sflag:s23], $0x1000  }
0x141: {  	s0 =	sld [smem:$0x7DA]  }
0x142: {  	[sflag:s23] =	ssyncset.done $0x0  }
0x143: {  	[sflag:s23] =	ssyncadd.s32 $0xFFFFF000  }
0x144: {  	[spmem:s1], [sflag:s10] =	dma.local @p0 [hbm:s0], $0x1000  }
0x145: {  	s0 =	sld [smem:$0x7DB];
	_ =	sdelay $0x2  }
0x146: {  	[spmem:s29], [sflag:s4] =	dma.local @p1 [hbm:s0], $0x1000  }
0x147: {  	s0 =	sld [smem:$0x7DC];
	_ =	sdelay $0x2  }
0x148: {  	[spmem:s6], [sflag:s16] =	dma.local @p2 [hbm:s0], $0x1000  }
0x149: {  	s0 =	sld [smem:$0x7DD];
	_ =	sdelay $0x1  }
0x14a: {  	s4 =	simm.s32 $0x2  }
0x14b: {  	[spmem:s7], [sflag:s9] =	dma.local @p3 [hbm:s0], $0x1000  }
0x14c: {  	_ =	swait.ge [sflag:s4], $0x1000  }
0x14d: {  	s6 =	sld [smem:$0x7DE]  }
0x14e: {  	[sflag:s4] =	ssyncset.done $0x0  }
0x14f: {  	[sflag:s4] =	ssyncadd.s32 $0xFFFFF000  }
0x150: {  	[hbm:s6], [sflag:s8] =	dma.local [spmem:s13], $0x1000  }
0x151: {  	s1 =	smov.u32 s8;
	s8 =	simm.s32 $0x4  }
0x152: {  	_ =	swait.ge [sflag:s8], $0x1000  }
0x153: {  	s0 =	sld [smem:$0x7DF]  }
0x154: {  	[sflag:s8] =	ssyncset.done $0x0  }
0x155: {  	[sflag:s8] =	ssyncadd.s32 $0xFFFFF000  }
0x156: {  	[spmem:s5], [sflag:s11] =	dma.local @p0 [hbm:s0], $0x1000  }
0x157: {  	s0 =	sld [smem:$0x7E0];
	_ =	sdelay $0x2  }
0x158: {  	[spmem:s28], [sflag:s2] =	dma.local @p1 [hbm:s0], $0x1000  }
0x159: {  	s0 =	sld [smem:$0x7E1];
	_ =	sdelay $0x2  }
0x15a: {  	[spmem:s20], [sflag:s24] =	dma.local @p2 [hbm:s0], $0x1000  }
0x15b: {  	s0 =	sld [smem:$0x7E2]  }
0x15c: {  	s18 =	sld [smem:$0x7E3]  }
0x15d: {  	s6 =	smov.u32 s13;
	s13 =	sld [smem:$0x7E4];
	_ =	sdelay $0x2  }
0x15e: {  	[spmem:s18], [sflag:s13] =	dma.local @p3 [hbm:s0], $0x1000  }
0x15f: {  	_ =	swait.ge [sflag:s31], $0x1000  }
0x160: {  	s4 =	smov.u32 s11;
	s11 =	sld [smem:$0x7E5]  }
0x161: {  	s8 =	sld [smem:$0x7E6]  }
0x162: {  	[sflag:s31] =	ssyncset.done $0x0  }
0x163: {  	[sflag:s31] =	ssyncadd.s32 $0xFFFFF000  }
0x164: {  	[hbm:s11], [sflag:s8] =	dma.local [spmem:s21], $0x1000  }
0x165: {  	_ =	swait.ge [sflag:s22], $0x1000  }
0x166: {  	s0 =	sld [smem:$0x7E7]  }
0x167: {  	s11 =	sld [smem:$0x7E8]  }
0x168: {  	[sflag:s22] =	ssyncset.done $0x0  }
0x169: {  	[sflag:s22] =	ssyncadd.s32 $0xFFFFF000  }
0x16a: {  	[spmem:s19], [sflag:s11] =	dma.local @p0 [hbm:s0], $0x1000  }
0x16b: {  	s0 =	sld [smem:$0x7E9];
	_ =	sdelay $0x2  }
0x16c: {  	[spmem:s3], [sflag:s12] =	dma.local @p1 [hbm:s0], $0x1000  }
0x16d: {  	s0 =	sld [smem:$0x7EA]  }
0x16e: {  	s3 =	sld [smem:$0x7EB];
	_ =	sdelay $0x2  }
0x16f: {  	[spmem:s3], [sflag:s25] =	dma.local @p2 [hbm:s0], $0x1000  }
0x170: {  	s0 =	sld [smem:$0x7EC];
	_ =	sdelay $0x2  }
0x171: {  	[spmem:s30], [sflag:s14] =	dma.local @p3 [hbm:s0], $0x1000  }
0x172: {  	_ =	swait.ge [sflag:s26], $0x1000  }
0x173: {  	s14 =	sld [smem:$0x7ED]  }
0x174: {  	[sflag:s26] =	ssyncset.done $0x0  }
0x175: {  	[sflag:s26] =	ssyncadd.s32 $0xFFFFF000  }
0x176: {  	[hbm:s14], [sflag:s15] =	dma.local [spmem:s17], $0x1000  }
0x177: {  	_ =	swait.ge [sflag:s23], $0x1000  }
0x178: {  	s0 =	sld [smem:$0x7EE]  }
0x179: {  	s12 =	sld [smem:$0x7EF]  }
0x17a: {  	[sflag:s23] =	ssyncset.done $0x0  }
0x17b: {  	[sflag:s23] =	ssyncadd.s32 $0xFFFFF000  }
0x17c: {  	[spmem:s12], [sflag:s10] =	dma.local @p0 [hbm:s0], $0x1000  }
0x17d: {  	s0 =	sld [smem:$0x7F0]  }
0x17e: {  	s10 =	sld [smem:$0x7F1];
	_ =	sdelay $0x2  }
0x17f: {  	[spmem:s29], [sflag:s10] =	dma.local @p1 [hbm:s0], $0x1000  }
0x180: {  	s0 =	sld [smem:$0x7F2]  }
0x181: {  	s10 =	sld [smem:$0x7F3];
	_ =	sdelay $0x2  }
0x182: {  	[spmem:s10], [sflag:s16] =	dma.local @p2 [hbm:s0], $0x1000  }
0x183: {  	s0 =	sld [smem:$0x7F4];
	_ =	sdelay $0x1  }
0x184: {  	s16 =	simm.s32 $0x2  }
0x185: {  	[spmem:s7], [sflag:s9] =	dma.local @p3 [hbm:s0], $0x1000  }
0x186: {  	_ =	swait.ge [sflag:s16], $0x1000  }
0x187: {  	s19 =	sld [smem:$0x7F5]  }
0x188: {  	[sflag:s16] =	ssyncset.done $0x0  }
0x189: {  	s25 =	simm.s32 $0x4;
	[sflag:s16] =	ssyncadd.s32 $0xFFFFF000  }
0x18a: {  	[hbm:s19], [sflag:s1] =	dma.local [spmem:s6], $0x1000  }
0x18b: {  	_ =	swait.ge [sflag:s25], $0x1000  }
0x18c: {  	s0 =	sld [smem:$0x7F6]  }
0x18d: {  	[sflag:s25] =	ssyncset.done $0x0  }
0x18e: {  	[sflag:s25] =	ssyncadd.s32 $0xFFFFF000  }
0x18f: {  	[spmem:s5], [sflag:s4] =	dma.local @p0 [hbm:s0], $0x1000  }
0x190: {  	s0 =	sld [smem:$0x7F7];
	_ =	sdelay $0x2  }
0x191: {  	[spmem:s28], [sflag:s2] =	dma.local @p1 [hbm:s0], $0x1000  }
0x192: {  	s0 =	sld [smem:$0x7F8];
	_ =	sdelay $0x2  }
0x193: {  	[spmem:s20], [sflag:s24] =	dma.local @p2 [hbm:s0], $0x1000  }
0x194: {  	s0 =	sld [smem:$0x7F9];
	_ =	sdelay $0x2  }
0x195: {  	[spmem:s18], [sflag:s13] =	dma.local @p3 [hbm:s0], $0x1000  }
0x196: {  	_ =	swait.ge [sflag:s31], $0x1000  }
0x197: {  	s28 =	sld [smem:$0x7FA]  }
0x198: {  	[sflag:s31] =	ssyncset.done $0x0  }
0x199: {  	[sflag:s31] =	ssyncadd.s32 $0xFFFFF000  }
0x19a: {  	[hbm:s28], [sflag:s8] =	dma.local [spmem:s21], $0x1000  }
0x19b: {  	_ =	swait.ge [sflag:s26], $0x1000  }
0x19c: {  	s30 =	sld [smem:$0x7FC]  }
0x19d: {  	s29 =	sld [smem:$0x7FB]  }
0x19e: {  	[sflag:s26] =	ssyncset.done $0x0  }
0x19f: {  	[smem:$0x7FD] =	sst s15;
	[sflag:s26] =	ssyncadd.s32 $0xFFFFF000;
	s1 =	ssub.s32 $0x2, s30  }
0x1a0: {  	[hbm:s29], [sflag:s15] =	dma.local [spmem:s17], $0x1000  }
0x1a1: {  	s31 =	sshrl.u32 s1, $0x1  }
0x1a2: {  	s0 =	ssub.s32 s1, s31  }
0x1a3: {  	s0 =	smax.u32 s0, $0x1  }
0x1a4: {  	s1 =	sadd.s32 $0xFFFFFFFF, s0  }
0x1a5: {  	p0 =	sne.s32 s1, $0x0  }
.Ltmp0:
0x1a6: {  	_ =	swait.ge [sflag:s22], $0x1000;
	(pc) =	sbr.rel @!p0 .LBB2_3-.Ltmp0, $4  }
0x1a7: {  	[sflag:s22] =	ssyncset.done $0x0  }
0x1a8: {  	[sflag:s22] =	ssyncadd.s32 $0xFFFFF000  }
0x1a9: {  	_ =	swait.ge [sflag:s23], $0x1000  }
0x1aa: {  	s0 =	simm.s32 $0x6;
	[sflag:s23] =	ssyncset.done $0x0  }
0x1ab: {  	s23 =	simm.s32 $0x1  }
.LBB2_2:
0x1ac: {  	s1 =	sadd.s32 $0xFFFFFFFF, s1;
	s0 =	simm.s32 $0x6  }
0x1ad: {  	s22 =	simm.s32 $0x4;
	[smem:$0x7A6] =	sst s1;
	[sflag:s0] =	ssyncadd.s32 $0xFFFFF000  }
0x1ae: {  	_ =	swait.ge [sflag:s22], $0x1000  }
0x1af: {  	s25 =	simm.s32 $0x0;
	[sflag:s22] =	ssyncset.done $0x0  }
0x1b0: {  	s26 =	simm.s32 $0x7;
	s24 =	rddreg [dreg:$0x8];
	[sflag:s22] =	ssyncadd.s32 $0xFFFFF000  }
0x1b1: {  	[tilespmem:s25], [sflag:$0x7] =	stream.linear.gather [hbm4b:s24+s25], $0x80, $0x38;
	[tilespmem:$0x18080] =	vst v63  }
0x1b2: {  	_ =	swait.ge [sflag:s26], $0x80  }
0x1b3: {  	[sflag:s26] =	ssyncset.done $0x0  }
0x1b4: {  	[sflag:s26] =	ssyncadd.s32 $0xFFFFFF80  }
0x1b5: {  	v1 =	vld [tilespmem:$0x0];
	_ =	sdelay $0x4  }
0x1b6: {  	vm0 =	veq.s32 v1, $0x0  }
0x1b7: {  	vm1 =	veq.s32 v1, $0x1;
	v2 =	vsel vm0, $0x3F800000, v0  }
0x1b8: {  	vm2 =	veq.s32 v1, $0x2;
	v3 =	vsel vm1, $0x3F800000, v0;
	(xrf0) =	vmax.scan.msk.f32 $0xffff, v2  }
0x1b9: {  	vm15 =	veq.s32 v1, $0x3;
	v4 =	vsel vm2, $0x3F800000, v0;
	(xrf0) =	vmax.scan.msk.f32 $0xffff, v3  }
0x1ba: {  	v1 =	vsel vm15, $0x3F800000, v0;
	(xrf0) =	vmax.scan.msk.f32 $0xffff, v4  }
0x1bb: {  	(xrf0) =	vmax.scan.msk.f32 $0xffff, v1;
	_ =	sdelay $0x2  }
0x1bc: {  	v1, _, _ =	vpop (xrf0)  }
0x1bd: {  	(v2sf) =	vpush v1, $0xF;
	v1, _, _ =	vpop (xrf0)  }
0x1be: {  	(v2sf) =	vpush v1, $0xF;
	v1, _, _ =	vpop (xrf0)  }
0x1bf: {  	(v2sf) =	vpush v1, $0xF;
	v1, _, _ =	vpop (xrf0)  }
0x1c0: {  	(v2sf) =	vpush v1, $0xF;
	_ =	sdelay $0xb  }
0x1c1: {  	s28 =	spop (v2sf)  }
0x1c2: {  	p0 =	sne.s32 s1, $0x0;
	s1 =	stileid.u32;
	s29 =	spop (v2sf)  }
0x1c3: {  	p4 =	sgt.f32 s28, $0.0e+00;
	s30 =	spop (v2sf)  }
0x1c4: {  	p3 =	sgt.f32 s29, $0.0e+00;
	s31 =	spop (v2sf)  }
0x1c5: {  	p2 =	sgt.f32 s30, $0.0e+00;
	p1 =	sgt.f32 s31, $0.0e+00  }
0x1c6: {  	s4 =	sld [smem:$0x7AB];
	s3 =	sshll.u32 @p4 s1, $0x6;
	s5 =	sshll.u32 @p3 s1, $0x6  }
0x1c7: {  	s7 =	sshll.u32 @p2 s1, $0x6;
	s9 =	sshll.u32 @p1 s1, $0x6;
	s1 =	sld [smem:$0x7A7]  }
0x1c8: {  	_ = 	snop  }
0x1c9: {  	s14 =	sshrl.u32 @p4 s4, $0x3;
	s25 =	sor.u32 @p4 $0x1C01, s3  }
0x1ca: {  	[spmem:s14], [sflag:s25] =	dma.local @p4 [hbm:s1], $0x1000  }
0x1cb: {  	s1 =	sld [smem:$0x7A8];
	_ =	sdelay $0x1  }
0x1cc: {  	s31 =	sshrl.u32 @p3 s4, $0x3;
	s10 =	sor.u32 @p3 $0x1C01, s5  }
0x1cd: {  	[spmem:s31], [sflag:s10] =	dma.local @p3 [hbm:s1], $0x1000  }
0x1ce: {  	s1 =	sld [smem:$0x7A9];
	_ =	sdelay $0x1  }
0x1cf: {  	s29 =	sshrl.u32 @p2 s4, $0x3;
	s13 =	sor.u32 @p2 $0x1C01, s7  }
0x1d0: {  	[spmem:s29], [sflag:s13] =	dma.local @p2 [hbm:s1], $0x1000  }
0x1d1: {  	s1 =	sld [smem:$0x7AA];
	_ =	sdelay $0x1  }
0x1d2: {  	s0 =	sshrl.u32 @p1 s4, $0x3;
	s12 =	sor.u32 @p1 $0x1C01, s9  }
0x1d3: {  	[spmem:s0], [sflag:s12] =	dma.local @p1 [hbm:s1], $0x1000  }
0x1d4: {  	s6 =	sld [smem:$0x7AD];
	_ =	sdelay $0x2  }
0x1d5: {  	s4 =	rddreg [dreg:$0x9];
	s2 =	sshrl.u32 @p4 s6, $0x3  }
0x1d6: {  	s1 =	sor.u32 @p4 $0x1C02, s3;
	[smem:$0x79C] =	sst s2  }
0x1d7: {  	[spmem:s2], [sflag:s1] =	dma.local @p4 [hbm:s4], $0x1000  }
0x1d8: {  	s17 =	sor.u32 @p3 $0x1C02, s5;
	s18 =	sshrl.u32 @p3 s6, $0x3;
	s4 =	rddreg [dreg:$0xa]  }
0x1d9: {  	[spmem:s18], [sflag:s17] =	dma.local @p3 [hbm:s4], $0x1000  }
0x1da: {  	[smem:$0x7A1] =	sst s18  }
0x1db: {  	s26 =	sor.u32 @p2 $0x1C02, s7;
	s20 =	sshrl.u32 @p2 s6, $0x3;
	s4 =	rddreg [dreg:$0xb]  }
0x1dc: {  	[spmem:s20], [sflag:s26] =	dma.local @p2 [hbm:s4], $0x1000  }
0x1dd: {  	s16 =	sor.u32 @p1 $0x1C02, s9;
	s21 =	sshrl.u32 @p1 s6, $0x3;
	s4 =	rddreg [dreg:$0xc]  }
0x1de: {  	[spmem:s21], [sflag:s16] =	dma.local @p1 [hbm:s4], $0x1000  }
0x1df: {  	s19 =	sld [smem:$0x7B0]  }
0x1e0: {  	s2 =	sor.u32 @p4 $0x1C03, s3;
	[smem:$0x796] =	sst s16  }
0x1e1: {  	[smem:$0x7A4] =	sst s2  }
0x1e2: {  	s6 =	rddreg [dreg:$0xd];
	s3 =	sshrl.u32 @p4 s19, $0x3  }
0x1e3: {  	[smem:$0x793] =	sst s3  }
0x1e4: {  	[spmem:s3], [sflag:s2] =	dma.local @p4 [hbm:s6], $0x1000  }
0x1e5: {  	s2 =	sor.u32 @p3 $0x1C03, s5;
	s8 =	rddreg [dreg:$0xe]  }
0x1e6: {  	s3 =	sshrl.u32 @p3 s19, $0x3;
	[smem:$0x795] =	sst s2  }
0x1e7: {  	[smem:$0x794] =	sst s3  }
0x1e8: {  	[spmem:s3], [sflag:s2] =	dma.local @p3 [hbm:s8], $0x1000  }
0x1e9: {  	s2 =	sor.u32 @p2 $0x1C03, s7;
	s7 =	sshrl.u32 @p2 s19, $0x3;
	s11 =	rddreg [dreg:$0xf]  }
0x1ea: {  	[spmem:s7], [sflag:s2] =	dma.local @p2 [hbm:s11], $0x1000  }
0x1eb: {  	s11 =	smov.u32 s2;
	s2 =	sor.u32 @p1 $0x1C03, s9;
	s15 =	rddreg [dreg:$0x10]  }
0x1ec: {  	s30 =	sshrl.u32 @p1 s19, $0x3;
	[smem:$0x7A5] =	sst s2  }
0x1ed: {  	[spmem:s30], [sflag:s2] =	dma.local @p1 [hbm:s15], $0x1000  }
0x1ee: {  	_ =	swait.ge [sflag:s23], $0x1000  }
0x1ef: {  	s2 =	sld [smem:$0x7AC]  }
0x1f0: {  	s6 =	sld [smem:$0x7FD]  }
0x1f1: {  	s5 =	sld [smem:$0x7C0]  }
0x1f2: {  	[sflag:s23] =	ssyncset.done $0x0  }
0x1f3: {  	s3 =	simm.s32 $0x2;
	[sflag:s23] =	ssyncadd.s32 $0xFFFFF000  }
0x1f4: {  	[hbm:s2], [sflag:s6] =	dma.local [spmem:s5], $0x1000  }
0x1f5: {  	_ =	swait.ge [sflag:s3], $0x1000  }
0x1f6: {  	s2 =	sld [smem:$0x7C8]  }
0x1f7: {  	s28 =	sld [smem:$0x7C7]  }
0x1f8: {  	[sflag:s3] =	ssyncset.done $0x0  }
0x1f9: {  	s8 =	simm.s32 $0x4;
	s4 =	rddreg [dreg:$0x11];
	[sflag:s3] =	ssyncadd.s32 $0xFFFFF000  }
0x1fa: {  	[hbm:s4], [sflag:s2] =	dma.local [spmem:s28], $0x1000  }
0x1fb: {  	_ =	swait.ge [sflag:s8], $0x1000  }
0x1fc: {  	[sflag:s8] =	ssyncset.done $0x0  }
0x1fd: {  	s15 =	rddreg [dreg:$0x12];
	[sflag:s8] =	ssyncadd.s32 $0xFFFFF000  }
0x1fe: {  	[spmem:s14], [sflag:s25] =	dma.local @p4 [hbm:s15], $0x1000  }
0x1ff: {  	[smem:$0x797] =	sst s14  }
0x200: {  	[smem:$0x798] =	sst s10  }
0x201: {  	s15 =	rddreg [dreg:$0x13]  }
0x202: {  	[spmem:s31], [sflag:s10] =	dma.local @p3 [hbm:s15], $0x1000  }
0x203: {  	s15 =	rddreg [dreg:$0x14]  }
0x204: {  	[spmem:s29], [sflag:s13] =	dma.local @p2 [hbm:s15], $0x1000  }
0x205: {  	[smem:$0x799] =	sst s29  }
0x206: {  	[smem:$0x79B] =	sst s0  }
0x207: {  	s15 =	rddreg [dreg:$0x15]  }
0x208: {  	[spmem:s0], [sflag:s12] =	dma.local @p1 [hbm:s15], $0x1000  }
0x209: {  	s4 =	smov.u32 s25;
	s25 =	simm.s32 $0x3;
	[smem:$0x79A] =	sst s12  }
0x20a: {  	_ =	swait.ge [sflag:s25], $0x1000  }
0x20b: {  	s22 =	smov.u32 s10;
	s24 =	sld [smem:$0x7E6]  }
0x20c: {  	s10 =	smov.u32 s13;
	s13 =	smov.u32 s12;
	s12 =	sld [smem:$0x7D0]  }
0x20d: {  	[sflag:s25] =	ssyncset.done $0x0  }
0x20e: {  	s19 =	simm.s32 $0x5;
	s9 =	rddreg [dreg:$0x16];
	[sflag:s25] =	ssyncadd.s32 $0xFFFFF000  }
0x20f: {  	[hbm:s9], [sflag:s24] =	dma.local [spmem:s12], $0x1000  }
0x210: {  	_ =	swait.ge [sflag:s19], $0x1000  }
0x211: {  	[smem:$0x79D] =	sst s1  }
0x212: {  	s9 =	smov.u32 s1;
	s1 =	sld [smem:$0x79C]  }
0x213: {  	[sflag:s19] =	ssyncset.done $0x0  }
0x214: {  	s15 =	rddreg [dreg:$0x17];
	[sflag:s19] =	ssyncadd.s32 $0xFFFFF000  }
0x215: {  	[spmem:s1], [sflag:s9] =	dma.local @p4 [hbm:s15], $0x1000  }
0x216: {  	s15 =	rddreg [dreg:$0x18]  }
0x217: {  	[spmem:s18], [sflag:s17] =	dma.local @p3 [hbm:s15], $0x1000  }
0x218: {  	[smem:$0x79F] =	sst s20  }
0x219: {  	[smem:$0x79E] =	sst s26  }
0x21a: {  	s15 =	rddreg [dreg:$0x19]  }
0x21b: {  	[spmem:s20], [sflag:s26] =	dma.local @p2 [hbm:s15], $0x1000  }
0x21c: {  	s15 =	rddreg [dreg:$0x1a]  }
0x21d: {  	[spmem:s21], [sflag:s16] =	dma.local @p1 [hbm:s15], $0x1000  }
0x21e: {  	_ =	swait.ge [sflag:s23], $0x1000  }
0x21f: {  	[sflag:s23] =	ssyncset.done $0x0  }
0x220: {  	s12 =	simm.s32 $0x6;
	s8 =	rddreg [dreg:$0x1b];
	[sflag:s23] =	ssyncadd.s32 $0xFFFFF000  }
0x221: {  	[hbm:s8], [sflag:s6] =	dma.local [spmem:s5], $0x1000  }
0x222: {  	_ =	swait.ge [sflag:s12], $0x1000  }
0x223: {  	s5 =	sld [smem:$0x7A4]  }
0x224: {  	s3 =	sld [smem:$0x793]  }
0x225: {  	[sflag:s12] =	ssyncset.done $0x0  }
0x226: {  	s18 =	smov.u32 s17;
	s15 =	rddreg [dreg:$0x1c];
	[sflag:s12] =	ssyncadd.s32 $0xFFFFF000  }
0x227: {  	[spmem:s3], [sflag:s5] =	dma.local @p4 [hbm:s15], $0x1000  }
0x228: {  	s17 =	smov.u32 s26;
	s26 =	smov.u32 s6;
	s6 =	sld [smem:$0x794]  }
0x229: {  	s12 =	sld [smem:$0x795];
	_ =	sdelay $0x1  }
0x22a: {  	s15 =	rddreg [dreg:$0x1d]  }
0x22b: {  	[spmem:s6], [sflag:s12] =	dma.local @p3 [hbm:s15], $0x1000  }
0x22c: {  	[smem:$0x7A0] =	sst s7  }
0x22d: {  	s15 =	rddreg [dreg:$0x1e]  }
0x22e: {  	[spmem:s7], [sflag:s11] =	dma.local @p2 [hbm:s15], $0x1000  }
0x22f: {  	s8 =	sld [smem:$0x7A5];
	_ =	sdelay $0x1  }
0x230: {  	s15 =	rddreg [dreg:$0x1f]  }
0x231: {  	[spmem:s30], [sflag:s8] =	dma.local @p1 [hbm:s15], $0x1000  }
0x232: {  	s15 =	simm.s32 $0x2  }
0x233: {  	_ =	swait.ge [sflag:s15], $0x1000  }
0x234: {  	s19 =	smov.u32 s20;
	s20 =	sld [smem:$0x7B4]  }
0x235: {  	[sflag:s15] =	ssyncset.done $0x0  }
0x236: {  	s16 =	simm.s32 $0x4;
	[sflag:s15] =	ssyncadd.s32 $0xFFFFF000  }
0x237: {  	[hbm:s20], [sflag:s2] =	dma.local [spmem:s28], $0x1000  }
0x238: {  	_ =	swait.ge [sflag:s16], $0x1000  }
0x239: {  	s15 =	sld [smem:$0x7B5]  }
0x23a: {  	[sflag:s16] =	ssyncset.done $0x0  }
0x23b: {  	[sflag:s16] =	ssyncadd.s32 $0xFFFFF000  }
0x23c: {  	[spmem:s14], [sflag:s4] =	dma.local @p4 [hbm:s15], $0x1000  }
0x23d: {  	s15 =	sld [smem:$0x7B6];
	_ =	sdelay $0x2  }
0x23e: {  	[spmem:s31], [sflag:s22] =	dma.local @p3 [hbm:s15], $0x1000  }
0x23f: {  	s15 =	sld [smem:$0x7B7];
	_ =	sdelay $0x2  }
0x240: {  	[spmem:s29], [sflag:s10] =	dma.local @p2 [hbm:s15], $0x1000  }
0x241: {  	s15 =	sld [smem:$0x7B8];
	_ =	sdelay $0x2  }
0x242: {  	[spmem:s0], [sflag:s13] =	dma.local @p1 [hbm:s15], $0x1000  }
0x243: {  	_ =	swait.ge [sflag:s25], $0x1000  }
0x244: {  	s0 =	sld [smem:$0x7B9]  }
0x245: {  	s16 =	sld [smem:$0x7D0]  }
0x246: {  	[sflag:s25] =	ssyncset.done $0x0  }
0x247: {  	s20 =	smov.u32 s2;
	s2 =	simm.s32 $0x5;
	[sflag:s25] =	ssyncadd.s32 $0xFFFFF000  }
0x248: {  	[hbm:s0], [sflag:s24] =	dma.local [spmem:s16], $0x1000  }
0x249: {  	_ =	swait.ge [sflag:s2], $0x1000  }
0x24a: {  	s15 =	sld [smem:$0x7BA]  }
0x24b: {  	[sflag:s2] =	ssyncset.done $0x0  }
0x24c: {  	[sflag:s2] =	ssyncadd.s32 $0xFFFFF000  }
0x24d: {  	[spmem:s1], [sflag:s9] =	dma.local @p4 [hbm:s15], $0x1000  }
0x24e: {  	[smem:$0x7A2] =	sst s18  }
0x24f: {  	s15 =	sld [smem:$0x7BB]  }
0x250: {  	s14 =	smov.u32 s18;
	s18 =	sld [smem:$0x7A1];
	_ =	sdelay $0x2  }
0x251: {  	[spmem:s18], [sflag:s14] =	dma.local @p3 [hbm:s15], $0x1000  }
0x252: {  	s15 =	sld [smem:$0x7BC];
	_ =	sdelay $0x2  }
0x253: {  	[spmem:s19], [sflag:s17] =	dma.local @p2 [hbm:s15], $0x1000  }
0x254: {  	s15 =	sld [smem:$0x7BE]  }
0x255: {  	s2 =	sld [smem:$0x796];
	_ =	sdelay $0x1  }
0x256: {  	[smem:$0x7A3] =	sst s21  }
0x257: {  	[spmem:s21], [sflag:s2] =	dma.local @p1 [hbm:s15], $0x1000  }
0x258: {  	_ =	swait.ge [sflag:s23], $0x1000  }
0x259: {  	s29 =	smov.u32 s10;
	s10 =	sld [smem:$0x7BF]  }
0x25a: {  	s22 =	sld [smem:$0x7C0]  }
0x25b: {  	[sflag:s23] =	ssyncset.done $0x0  }
0x25c: {  	s13 =	simm.s32 $0x6;
	[sflag:s23] =	ssyncadd.s32 $0xFFFFF000  }
0x25d: {  	[hbm:s10], [sflag:s26] =	dma.local [spmem:s22], $0x1000  }
0x25e: {  	_ =	swait.ge [sflag:s13], $0x1000  }
0x25f: {  	s15 =	sld [smem:$0x7C1]  }
0x260: {  	[sflag:s13] =	ssyncset.done $0x0  }
0x261: {  	[sflag:s13] =	ssyncadd.s32 $0xFFFFF000  }
0x262: {  	[spmem:s3], [sflag:s5] =	dma.local @p4 [hbm:s15], $0x1000  }
0x263: {  	s15 =	sld [smem:$0x7C2];
	_ =	sdelay $0x2  }
0x264: {  	[spmem:s6], [sflag:s12] =	dma.local @p3 [hbm:s15], $0x1000  }
0x265: {  	s15 =	sld [smem:$0x7C3];
	_ =	sdelay $0x2  }
0x266: {  	[spmem:s7], [sflag:s11] =	dma.local @p2 [hbm:s15], $0x1000  }
0x267: {  	s15 =	sld [smem:$0x7C4];
	_ =	sdelay $0x2  }
0x268: {  	[spmem:s30], [sflag:s8] =	dma.local @p1 [hbm:s15], $0x1000  }
0x269: {  	s15 =	simm.s32 $0x2  }
0x26a: {  	_ =	swait.ge [sflag:s15], $0x1000  }
0x26b: {  	s17 =	sld [smem:$0x7C6]  }
0x26c: {  	[sflag:s15] =	ssyncset.done $0x0  }
0x26d: {  	s1 =	smov.u32 s30;
	s30 =	simm.s32 $0x4;
	[sflag:s15] =	ssyncadd.s32 $0xFFFFF000  }
0x26e: {  	[hbm:s17], [sflag:s20] =	dma.local [spmem:s28], $0x1000  }
0x26f: {  	_ =	swait.ge [sflag:s30], $0x1000  }
0x270: {  	s15 =	sld [smem:$0x7C9]  }
0x271: {  	s7 =	sld [smem:$0x797]  }
0x272: {  	[sflag:s30] =	ssyncset.done $0x0  }
0x273: {  	[sflag:s30] =	ssyncadd.s32 $0xFFFFF000  }
0x274: {  	[spmem:s7], [sflag:s4] =	dma.local @p4 [hbm:s15], $0x1000  }
0x275: {  	s15 =	sld [smem:$0x7CA]  }
0x276: {  	s19 =	smov.u32 s12;
	s12 =	smov.u32 s6;
	s6 =	sld [smem:$0x798]  }
0x277: {  	_ =	sdelay $0x1  }
0x278: {  	[spmem:s31], [sflag:s6] =	dma.local @p3 [hbm:s15], $0x1000  }
0x279: {  	s15 =	sld [smem:$0x7CC]  }
0x27a: {  	s13 =	smov.u32 s11;
	s11 =	smov.u32 s4;
	s4 =	sld [smem:$0x799]  }
0x27b: {  	_ =	sdelay $0x1  }
0x27c: {  	[spmem:s4], [sflag:s29] =	dma.local @p2 [hbm:s15], $0x1000  }
0x27d: {  	s15 =	sld [smem:$0x7CE]  }
0x27e: {  	s0 =	sld [smem:$0x79A]  }
0x27f: {  	s9 =	smov.u32 s8;
	s8 =	sld [smem:$0x79B];
	_ =	sdelay $0x2  }
0x280: {  	[spmem:s8], [sflag:s0] =	dma.local @p1 [hbm:s15], $0x1000  }
0x281: {  	s10 =	smov.u32 s3;
	_ =	swait.ge [sflag:s25], $0x1000  }
0x282: {  	s3 =	smov.u32 s5;
	s5 =	smov.u32 s31;
	s31 =	sld [smem:$0x7CF]  }
0x283: {  	[sflag:s25] =	ssyncset.done $0x0  }
0x284: {  	s30 =	simm.s32 $0x5;
	[sflag:s25] =	ssyncadd.s32 $0xFFFFF000  }
0x285: {  	[hbm:s31], [sflag:s24] =	dma.local [spmem:s16], $0x1000  }
0x286: {  	_ =	swait.ge [sflag:s30], $0x1000  }
0x287: {  	s15 =	sld [smem:$0x7D1]  }
0x288: {  	[sflag:s30] =	ssyncset.done $0x0;
	s30 =	sld [smem:$0x79C]  }
0x289: {  	s17 =	smov.u32 s29;
	s29 =	smov.u32 s16;
	s16 =	sld [smem:$0x79D]  }
0x28a: {  	s31 =	simm.s32 $0x5  }
0x28b: {  	[sflag:s31] =	ssyncadd.s32 $0xFFFFF000  }
0x28c: {  	[spmem:s30], [sflag:s16] =	dma.local @p4 [hbm:s15], $0x1000  }
0x28d: {  	s15 =	sld [smem:$0x7D3];
	_ =	sdelay $0x2  }
0x28e: {  	[spmem:s18], [sflag:s14] =	dma.local @p3 [hbm:s15], $0x1000  }
0x28f: {  	s15 =	sld [smem:$0x7D6]  }
0x290: {  	s18 =	sld [smem:$0x79E]  }
0x291: {  	s14 =	sld [smem:$0x79F];
	_ =	sdelay $0x2  }
0x292: {  	[spmem:s14], [sflag:s18] =	dma.local @p2 [hbm:s15], $0x1000  }
0x293: {  	s15 =	sld [smem:$0x7D7];
	_ =	sdelay $0x2  }
0x294: {  	[spmem:s21], [sflag:s2] =	dma.local @p1 [hbm:s15], $0x1000  }
0x295: {  	_ =	swait.ge [sflag:s23], $0x1000  }
0x296: {  	s21 =	smov.u32 s2;
	s2 =	sld [smem:$0x7D9]  }
0x297: {  	[sflag:s23] =	ssyncset.done $0x0  }
0x298: {  	[sflag:s23] =	ssyncadd.s32 $0xFFFFF000  }
0x299: {  	[hbm:s2], [sflag:s26] =	dma.local [spmem:s22], $0x1000  }
0x29a: {  	s2 =	smov.u32 s26;
	s26 =	simm.s32 $0x6  }
0x29b: {  	_ =	swait.ge [sflag:s26], $0x1000  }
0x29c: {  	s15 =	sld [smem:$0x7DA]  }
0x29d: {  	s31 =	simm.s32 $0x6;
	[sflag:s26] =	ssyncset.done $0x0  }
0x29e: {  	[sflag:s31] =	ssyncadd.s32 $0xFFFFF000  }
0x29f: {  	[spmem:s10], [sflag:s3] =	dma.local @p4 [hbm:s15], $0x1000  }
0x2a0: {  	s15 =	sld [smem:$0x7DB];
	_ =	sdelay $0x2  }
0x2a1: {  	[spmem:s12], [sflag:s19] =	dma.local @p3 [hbm:s15], $0x1000  }
0x2a2: {  	s15 =	sld [smem:$0x7DC]  }
0x2a3: {  	s26 =	sld [smem:$0x7A0];
	_ =	sdelay $0x2  }
0x2a4: {  	[spmem:s26], [sflag:s13] =	dma.local @p2 [hbm:s15], $0x1000  }
0x2a5: {  	s15 =	sld [smem:$0x7DD];
	_ =	sdelay $0x2  }
0x2a6: {  	[spmem:s1], [sflag:s9] =	dma.local @p1 [hbm:s15], $0x1000  }
0x2a7: {  	s15 =	simm.s32 $0x2  }
0x2a8: {  	_ =	swait.ge [sflag:s15], $0x1000  }
0x2a9: {  	s31 =	smov.u32 s10;
	s10 =	sld [smem:$0x7DE]  }
0x2aa: {  	[sflag:s15] =	ssyncset.done $0x0  }
0x2ab: {  	s3 =	smov.u32 s13;
	s13 =	simm.s32 $0x4;
	[sflag:s15] =	ssyncadd.s32 $0xFFFFF000  }
0x2ac: {  	[hbm:s10], [sflag:s20] =	dma.local [spmem:s28], $0x1000  }
0x2ad: {  	_ =	swait.ge [sflag:s13], $0x1000  }
0x2ae: {  	s15 =	sld [smem:$0x7DF]  }
0x2af: {  	[sflag:s13] =	ssyncset.done $0x0  }
0x2b0: {  	[sflag:s13] =	ssyncadd.s32 $0xFFFFF000  }
0x2b1: {  	[spmem:s7], [sflag:s11] =	dma.local @p4 [hbm:s15], $0x1000  }
0x2b2: {  	s15 =	sld [smem:$0x7E0];
	_ =	sdelay $0x2  }
0x2b3: {  	[spmem:s5], [sflag:s6] =	dma.local @p3 [hbm:s15], $0x1000  }
0x2b4: {  	s15 =	sld [smem:$0x7E1];
	_ =	sdelay $0x2  }
0x2b5: {  	[spmem:s4], [sflag:s17] =	dma.local @p2 [hbm:s15], $0x1000  }
0x2b6: {  	s15 =	sld [smem:$0x7E2];
	_ =	sdelay $0x1  }
0x2b7: {  	s13 =	smov.u32 s11  }
0x2b8: {  	[spmem:s8], [sflag:s0] =	dma.local @p1 [hbm:s15], $0x1000  }
0x2b9: {  	s11 =	smov.u32 s6;
	s6 =	smov.u32 s5;
	_ =	swait.ge [sflag:s25], $0x1000  }
0x2ba: {  	s5 =	smov.u32 s4;
	s4 =	smov.u32 s0;
	s0 =	sld [smem:$0x7E5]  }
0x2bb: {  	[sflag:s25] =	ssyncset.done $0x0  }
0x2bc: {  	s9 =	smov.u32 s1;
	s1 =	simm.s32 $0x5;
	[sflag:s25] =	ssyncadd.s32 $0xFFFFF000  }
0x2bd: {  	[hbm:s0], [sflag:s24] =	dma.local [spmem:s29], $0x1000  }
0x2be: {  	_ =	swait.ge [sflag:s1], $0x1000  }
0x2bf: {  	s15 =	sld [smem:$0x7E7]  }
0x2c0: {  	[sflag:s1] =	ssyncset.done $0x0  }
0x2c1: {  	[sflag:s1] =	ssyncadd.s32 $0xFFFFF000  }
0x2c2: {  	[spmem:s30], [sflag:s16] =	dma.local @p4 [hbm:s15], $0x1000  }
0x2c3: {  	s1 =	sld [smem:$0x7E9]  }
0x2c4: {  	s0 =	sld [smem:$0x7A1]  }
0x2c5: {  	s10 =	sld [smem:$0x7A2];
	_ =	sdelay $0x2  }
0x2c6: {  	[spmem:s0], [sflag:s10] =	dma.local @p3 [hbm:s1], $0x1000  }
0x2c7: {  	s1 =	sld [smem:$0x7EA];
	_ =	sdelay $0x2  }
0x2c8: {  	[spmem:s14], [sflag:s18] =	dma.local @p2 [hbm:s1], $0x1000  }
0x2c9: {  	s1 =	sld [smem:$0x7EC]  }
0x2ca: {  	s0 =	sld [smem:$0x7A3];
	_ =	sdelay $0x2  }
0x2cb: {  	[spmem:s0], [sflag:s21] =	dma.local @p1 [hbm:s1], $0x1000  }
0x2cc: {  	_ =	swait.ge [sflag:s23], $0x1000  }
0x2cd: {  	s10 =	sld [smem:$0x7ED]  }
0x2ce: {  	[sflag:s23] =	ssyncset.done $0x0  }
0x2cf: {  	s14 =	simm.s32 $0x6;
	[sflag:s23] =	ssyncadd.s32 $0xFFFFF000  }
0x2d0: {  	[hbm:s10], [sflag:s2] =	dma.local [spmem:s22], $0x1000  }
0x2d1: {  	_ =	swait.ge [sflag:s14], $0x1000  }
0x2d2: {  	s1 =	sld [smem:$0x7EE]  }
0x2d3: {  	s0 =	sld [smem:$0x7A4]  }
0x2d4: {  	[sflag:s14] =	ssyncset.done $0x0  }
0x2d5: {  	[sflag:s14] =	ssyncadd.s32 $0xFFFFF000  }
0x2d6: {  	[spmem:s31], [sflag:s0] =	dma.local @p4 [hbm:s1], $0x1000  }
0x2d7: {  	s1 =	sld [smem:$0x7F0];
	_ =	sdelay $0x2  }
0x2d8: {  	[spmem:s12], [sflag:s19] =	dma.local @p3 [hbm:s1], $0x1000  }
0x2d9: {  	s1 =	sld [smem:$0x7F2];
	_ =	sdelay $0x2  }
0x2da: {  	[spmem:s26], [sflag:s3] =	dma.local @p2 [hbm:s1], $0x1000  }
0x2db: {  	s1 =	sld [smem:$0x7F4]  }
0x2dc: {  	s0 =	sld [smem:$0x7A5];
	_ =	sdelay $0x1  }
0x2dd: {  	s16 =	simm.s32 $0x2  }
0x2de: {  	[spmem:s9], [sflag:s0] =	dma.local @p1 [hbm:s1], $0x1000  }
0x2df: {  	_ =	swait.ge [sflag:s16], $0x1000  }
0x2e0: {  	s19 =	sld [smem:$0x7F5]  }
0x2e1: {  	s18 =	simm.s32 $0x2;
	[sflag:s16] =	ssyncset.done $0x0  }
0x2e2: {  	s21 =	simm.s32 $0x4;
	[sflag:s18] =	ssyncadd.s32 $0xFFFFF000  }
0x2e3: {  	[hbm:s19], [sflag:s20] =	dma.local [spmem:s28], $0x1000  }
0x2e4: {  	_ =	swait.ge [sflag:s21], $0x1000  }
0x2e5: {  	s1 =	sld [smem:$0x7F6]  }
0x2e6: {  	s26 =	simm.s32 $0x4;
	[sflag:s21] =	ssyncset.done $0x0  }
0x2e7: {  	[sflag:s26] =	ssyncadd.s32 $0xFFFFF000  }
0x2e8: {  	[spmem:s7], [sflag:s13] =	dma.local @p4 [hbm:s1], $0x1000  }
0x2e9: {  	s1 =	sld [smem:$0x7F7];
	_ =	sdelay $0x2  }
0x2ea: {  	[spmem:s6], [sflag:s11] =	dma.local @p3 [hbm:s1], $0x1000  }
0x2eb: {  	s0 =	sld [smem:$0x7F8];
	_ =	sdelay $0x1  }
0x2ec: {  	s1 =	sld [smem:$0x7A6]  }
0x2ed: {  	[spmem:s5], [sflag:s17] =	dma.local @p2 [hbm:s0], $0x1000  }
0x2ee: {  	s0 =	sld [smem:$0x7F9];
	_ =	sdelay $0x2  }
0x2ef: {  	[spmem:s8], [sflag:s4] =	dma.local @p1 [hbm:s0], $0x1000  }
0x2f0: {  	_ =	swait.ge [sflag:s25], $0x1000  }
0x2f1: {  	s28 =	sld [smem:$0x7FA]  }
0x2f2: {  	[sflag:s25] =	ssyncset.done $0x0  }
0x2f3: {  	[sflag:s25] =	ssyncadd.s32 $0xFFFFF000  }
0x2f4: {  	[hbm:s28], [sflag:s24] =	dma.local [spmem:s29], $0x1000  }
0x2f5: {  	_ =	swait.ge [sflag:s23], $0x1000  }
0x2f6: {  	s29 =	sld [smem:$0x7FB]  }
0x2f7: {  	[sflag:s23] =	ssyncset.done $0x0  }
0x2f8: {  	s30 =	simm.s32 $0x5;
	[sflag:s23] =	ssyncadd.s32 $0xFFFFF000  }
0x2f9: {  	[hbm:s29], [sflag:s2] =	dma.local [spmem:s22], $0x1000  }
.Ltmp1:
0x2fa: {  	_ =	swait.ge [sflag:s30], $0x1000;
	(pc) =	sbr.rel @p0 .LBB2_2-.Ltmp1, $4  }
0x2fb: {  	s31 =	simm.s32 $0x5;
	[sflag:s30] =	ssyncset.done $0x0  }
0x2fc: {  	s15 =	simm.s32 $0x6;
	[sflag:s31] =	ssyncadd.s32 $0xFFFFF000  }
0x2fd: {  	_ =	swait.ge [sflag:s15], $0x1000  }
0x2fe: {  	s0 =	simm.s32 $0x6;
	[sflag:s15] =	ssyncset.done $0x0  }
.LBB2_3:
0x2ff: {  	[sflag:s0] =	ssyncadd.s32 $0xFFFFF000;
	s30 =	simm.s32 $0x4  }
0x300: {  	_ =	swait.ge [sflag:s30], $0x1000  }
0x301: {  	[sflag:s30] =	ssyncset.done $0x0  }
0x302: {  	[sflag:s30] =	ssyncadd.s32 $0xFFFFF000  }
0x303: {  	_ =	sfence.sel $0x180000  }
0x304: {  	[bflag:$0x0] =	sbarrier.arrive $0xFFFF  }
0x305: {  	_ =	strace $0x90000047  }
0x306: {  	s31 =	stileid.u32;
	[bflag:$0x2] =	sbarrier.arrive $0xFFFF  }
0x307: {  	p0 =	sne.s32 s31, $0x0;
	s0 =	rddreg [dreg:$0x7]  }
0x308: {  	s0 =	sadd.s32 @!p0 $0x100000, s0  }
0x309: {  	[sflag:s0] =	ssyncadd.tile.s32 @!p0 $0x1;
	_ =	shalt  }
.Lfunc_end2:
_tile_overlayer_lowered:
.L_overlay_start_2:
0x30a: {  	(tag) =	ssettag $0x2  }
0x30b: {  	s0 =	rddreg [dreg:$0x0];
	s2 =	stileid.u32  }
0x30c: {  	s1 =	rddreg [dreg:$0x1];
	p0 =	sne.s32 s2, $0x0  }
0x30d: {  	s3 =	rddreg [dreg:$0x2];
	[bflag:$0x3] =	sbarrier.arrive $0xFFFF;
	s2 =	simm.s32 @!p0 $0x1C07  }
0x30e: {  	[timem:s3], [sflag:s2] =	dma.local @!p0 [hbm:s0], s1  }
0x30f: {  	s0 =	simm.s32 @!p0 $0x7  }
0x310: {  	_ =	swait.ge @!p0 [sflag:s0], s1  }
0x311: {  	s1 =	ssub.s32 @!p0 $0x0, s1;
	[sflag:s0] =	ssyncset.done @!p0 $0x0  }
0x312: {  	[sflag:s0] =	ssyncadd.s32 @!p0 s1  }
0x313: {  	[bflag:$0x3] =	sbarrier.arrive $0xFFFF  }
0x314: {  	_ =	shalt  }

</sc_bundles>
